<compile_context>
chip_gen: v7x
topology: tpu7x:2x2x1
jax: 0.10.2.dev20260603
libtpu: 0.0.44.dev20260713+nightly
codegen_flags: <defaults>
</compile_context>

<pallas_src>
import functools

import jax
import jax.numpy as jnp
from jax import lax
from jax.experimental import pallas as pl
from jax.experimental.pallas import tpu as pltpu
from jax.experimental.pallas import tpu_sc as plsc

DIM = 4096
INTER = 14336
SPARSITY = 256
RANK = 16
NBLK = INTER // SPARSITY
L = 16
NSUB = 16
BPW = 4

_mesh = plsc.VectorSubcoreMesh(core_axis_name="c", subcore_axis_name="s",
                               num_cores=1)


def _butterfly(vec, iota, op):
    for sh in (8, 4, 2, 1):
        perm = jnp.bitwise_xor(iota, sh)
        vec = op(vec, vec[perm])
    return vec


@functools.partial(
    pl.kernel,
    out_type=(
        jax.ShapeDtypeStruct((NBLK,), jnp.int32),
        jax.ShapeDtypeStruct((NSUB, L), jnp.float32),
        jax.ShapeDtypeStruct((NSUB, L), jnp.int32),
    ),
    mesh=_mesh,
    compiler_params=pltpu.CompilerParams(needs_layout_passes=False),
    scratch_types=[
        pltpu.VMEM((DIM,), jnp.float32),
        pltpu.VMEM((DIM,), jnp.float32),
        pltpu.VMEM((BPW * SPARSITY * RANK,), jnp.float32),
        pltpu.VMEM((RANK, L), jnp.float32),
        pltpu.VMEM((L,), jnp.float32),
        pltpu.VMEM((L,), jnp.int32),
        pltpu.VMEM((NSUB, L), jnp.int32),
        pltpu.VMEM((4 * L,), jnp.int32),
        pltpu.SemaphoreType.DMA,
        pltpu.SemaphoreType.DMA,
        pltpu.SemaphoreType.DMA,
    ],
)
def _sc_controller(x_hbm, w1_hbm, w2_hbm, out_hbm, hstage_hbm, rstage_hbm,
                   x_v, w1_v, w2_v, h_v, hst_v, res_v, sres_v, asm_v,
                   sem, xsem, w1sem):
    sid = lax.axis_index("s")
    iota = lax.iota(jnp.int32, L)

    blk0 = jnp.minimum(BPW * sid, NBLK - BPW)

    w2_copy = pltpu.async_copy(
        w2_hbm.at[pl.ds(blk0 * (SPARSITY * RANK), BPW * SPARSITY * RANK)],
        w2_v, sem)
    x_copy = pltpu.async_copy(x_hbm.at[0], x_v, xsem)
    w1_copy = pltpu.async_copy(w1_hbm.at[sid], w1_v, w1sem)
    x_copy.wait()
    w1_copy.wait()

    def p1_body(j, acc):
        o = j * L
        return acc + x_v[pl.ds(o, L)] * w1_v[pl.ds(o, L)]

    acc = lax.fori_loop(0, DIM // L, p1_body,
                        jnp.zeros((L,), jnp.float32), unroll=16)
    hst_v[...] = _butterfly(acc, iota, jnp.add)
    pltpu.sync_copy(hst_v, hstage_hbm.at[sid])
    plsc.subcore_barrier()

    pltpu.sync_copy(hstage_hbm, h_v)
    hs = [h_v[r] for r in range(RANK)]

    w2_copy.wait()

    answers = []
    for blk in range(BPW):
        base = blk * SPARSITY

        def g_body(g, carry, base=base):
            bv, bi = carry
            fidx = (base + g * L) * RANK + iota * RANK
            vals = jnp.zeros((L,), jnp.float32)
            for r in range(RANK):
                col = plsc.load_gather(w2_v, [fidx + r])
                vals = vals + hs[r] * col
            lidx = g * L + iota
            pred = vals > bv
            return jnp.where(pred, vals, bv), jnp.where(pred, lidx, bi)

        bv, bi = lax.fori_loop(
            0, SPARSITY // L, g_body,
            (jnp.full((L,), -jnp.inf, jnp.float32),
             jnp.zeros((L,), jnp.int32)))
        m = _butterfly(bv, iota, jnp.maximum)
        cand = jnp.where(bv == m, bi, jnp.int32(1 << 30))
        loc = _butterfly(cand, iota, jnp.minimum)
        answers.append(loc + (blk0 + blk) * SPARSITY)

    res = jnp.where(iota == 3, answers[3], answers[2])
    res = jnp.where(iota == 1, answers[1], res)
    res_v[...] = jnp.where(iota == 0, answers[0], res)
    pltpu.sync_copy(res_v, rstage_hbm.at[sid])
    plsc.subcore_barrier()

    quarter = iota >> 2
    par = jnp.bitwise_and(iota, 3)

    @pl.when(sid == 0)
    def _():
        pltpu.sync_copy(rstage_hbm, sres_v)
        for q in range(4):
            asm_v[pl.ds(q * L, L)] = plsc.load_gather(
                sres_v, [4 * q + quarter, par])
        pltpu.sync_copy(asm_v.at[pl.ds(0, NBLK)], out_hbm)


def kernel(x, W1, W2):
    return _sc_controller(x, W1, W2.reshape(-1))[0]

# --- scband reference (transcript-rebuilt; emitter-appended) ---
"""Pipeline reference for scband-sparse-controller-47425028882857 (READ-ONLY COPY).

The authoritative reference and input builder live on the scoring server;
editing this copy changes nothing except your own understanding.
"""

import jax, jax.numpy as jnp
import numpy as np

DIM = 4096
INTERMEDIATE = 14336
SPARSITY = 256
RANK = 16
BT = 1


def setup_inputs(seed: int = 0) -> dict:
    key = jax.random.key(seed)
    k1, k2, k3 = jax.random.split(key, 3)
    x = jax.random.normal(k1, (BT, DIM), dtype=jnp.float32)
    # nn.Linear weights: c1.weight has shape (controller_rank, dim), c2.weight has shape (intermediate_size, controller_rank)
    W1 = jax.random.normal(k2, (RANK, DIM), dtype=jnp.float32) * (1.0 / np.sqrt(DIM))
    W2 = jax.random.normal(k3, (INTERMEDIATE, RANK), dtype=jnp.float32) * (1.0 / np.sqrt(RANK))
    return {"x": x, "W1": W1, "W2": W2}


def reference(x, W1, W2):
    # intermediate = self.c2(self.c1(x))  (Linear: y = x @ W.T, no bias)
    intermediate = (x @ W1.T) @ W2.T  # (BT, INTERMEDIATE)
    # torch.argmax(torch.reshape(intermediate, (-1, sparsity)), dim=-1)
    blocks = jnp.reshape(intermediate, (-1, SPARSITY))  # (BT*56, 256)
    idx = jnp.argmax(blocks, axis=-1)  # (BT*56,) -- with BT=1 this is (56,)
    # + torch.arange(0, d_model, step=sparsity)
    offsets = jnp.arange(0, INTERMEDIATE, SPARSITY, dtype=idx.dtype)  # (56,)
    return idx + offsets

if __name__ == "__main__":
    import jax
    _d = setup_inputs()
    print(jax.jit(kernel)(*tuple(_d.values())))

</pallas_src>

<mosaic_0001>
#map = affine_map<(d0, d1) -> (0, 0)>
#map1 = affine_map<(d0, d1) -> (0)>
module attributes {stable_mosaic.version = 14 : i64} {
  func.func @_sc_controller(%arg0: i32, %arg1: i32, %arg2: memref<1x4096xf32, #tpu.memory_space<hbm>>, %arg3: memref<16x4096xf32, #tpu.memory_space<hbm>>, %arg4: memref<229376xf32, #tpu.memory_space<hbm>>, %arg5: memref<56xi32, #tpu.memory_space<hbm>>, %arg6: memref<16x16xf32, #tpu.memory_space<hbm>>, %arg7: memref<16x16xi32, #tpu.memory_space<hbm>>, %arg8: memref<4096xf32, #tpu.memory_space<vmem>>, %arg9: memref<4096xf32, #tpu.memory_space<vmem>>, %arg10: memref<16384xf32, #tpu.memory_space<vmem>>, %arg11: memref<16x16xf32, #tpu.memory_space<vmem>>, %arg12: memref<16xf32, #tpu.memory_space<vmem>>, %arg13: memref<16xi32, #tpu.memory_space<vmem>>, %arg14: memref<16x16xi32, #tpu.memory_space<vmem>>, %arg15: memref<64xi32, #tpu.memory_space<vmem>>, %arg16: memref<!tpu.dma_semaphore, #tpu.memory_space<semaphore_mem>>, %arg17: memref<!tpu.dma_semaphore, #tpu.memory_space<semaphore_mem>>, %arg18: memref<!tpu.dma_semaphore, #tpu.memory_space<semaphore_mem>>) attributes {dimension_semantics = [#tpu.dimension_semantics<core_parallel>, #tpu.dimension_semantics<subcore_parallel>], iteration_bounds = array<i64: 1, 16>, scalar_prefetch = 0 : i64, scratch_operands = 11 : i64, tpu.core_type = #tpu.core_type<sc_vector_subcore>, window_params = [{transform_indices = #map}, {transform_indices = #map}, {transform_indices = #map1}, {transform_indices = #map1}, {transform_indices = #map}, {transform_indices = #map}]} {
    %iota3A = tpu.iota {dimensions = array<i32: 0>} : vector<16xi32>
    %mul3A = arith.constant 4 : i32
    %mul3A_0 = arith.muli %mul3A, %arg1 : i32
    %min3A = arith.constant 52 : i32
    %min3A_1 = arith.minsi %mul3A_0, %min3A : i32
    %mul3A_2 = arith.constant 4096 : i32
    %mul3A_3 = arith.muli %min3A_1, %mul3A_2 : i32
    %dma_start3A = tpu.memref_slice %arg4[%mul3A_3] : memref<229376xf32, #tpu.memory_space<hbm>> -> memref<16384xf32, #tpu.memory_space<hbm>>
    %dma_start3A_4 = tpu.memref_slice %arg4[%mul3A_3] : memref<229376xf32, #tpu.memory_space<hbm>> -> memref<16384xf32, #tpu.memory_space<hbm>>
    tpu.enqueue_dma source(%dma_start3A_4 : memref<16384xf32, #tpu.memory_space<hbm>>) target(%arg10 : memref<16384xf32, #tpu.memory_space<vmem>>) target_semaphore(%arg16 : memref<!tpu.dma_semaphore, #tpu.memory_space<semaphore_mem>>)
    %dma_start3A_5 = arith.constant 0 : i32
    %dma_start3A_6 = arith.constant 0 : i32
    %dma_start3A_7 = tpu.memref_slice %arg2[%dma_start3A_5, %dma_start3A_6] : memref<1x4096xf32, #tpu.memory_space<hbm>> -> memref<1x4096xf32, #tpu.memory_space<hbm>>
    %dma_start3A_8 = tpu.memref_squeeze %dma_start3A_7 : memref<1x4096xf32, #tpu.memory_space<hbm>> -> memref<4096xf32, #tpu.memory_space<hbm>>
    %dma_start3A_9 = arith.constant 0 : i32
    %dma_start3A_10 = tpu.memref_slice %arg2[%dma_start3A_5, %dma_start3A_9] : memref<1x4096xf32, #tpu.memory_space<hbm>> -> memref<1x4096xf32, #tpu.memory_space<hbm>>
    %dma_start3A_11 = tpu.memref_squeeze %dma_start3A_10 : memref<1x4096xf32, #tpu.memory_space<hbm>> -> memref<4096xf32, #tpu.memory_space<hbm>>
    tpu.enqueue_dma source(%dma_start3A_11 : memref<4096xf32, #tpu.memory_space<hbm>>) target(%arg8 : memref<4096xf32, #tpu.memory_space<vmem>>) target_semaphore(%arg17 : memref<!tpu.dma_semaphore, #tpu.memory_space<semaphore_mem>>)
    %dma_start3A_12 = arith.constant 0 : i32
    %dma_start3A_13 = tpu.memref_slice %arg3[%arg1, %dma_start3A_12] : memref<16x4096xf32, #tpu.memory_space<hbm>> -> memref<1x4096xf32, #tpu.memory_space<hbm>>
    %dma_start3A_14 = tpu.memref_squeeze %dma_start3A_13 : memref<1x4096xf32, #tpu.memory_space<hbm>> -> memref<4096xf32, #tpu.memory_space<hbm>>
    %dma_start3A_15 = arith.constant 0 : i32
    %dma_start3A_16 = tpu.memref_slice %arg3[%arg1, %dma_start3A_15] : memref<16x4096xf32, #tpu.memory_space<hbm>> -> memref<1x4096xf32, #tpu.memory_space<hbm>>
    %dma_start3A_17 = tpu.memref_squeeze %dma_start3A_16 : memref<1x4096xf32, #tpu.memory_space<hbm>> -> memref<4096xf32, #tpu.memory_space<hbm>>
    tpu.enqueue_dma source(%dma_start3A_17 : memref<4096xf32, #tpu.memory_space<hbm>>) target(%arg9 : memref<4096xf32, #tpu.memory_space<vmem>>) target_semaphore(%arg18 : memref<!tpu.dma_semaphore, #tpu.memory_space<semaphore_mem>>)
    %dma_wait3A = arith.constant 0 : i32
    %dma_wait3A_18 = arith.constant 0 : i32
    %dma_wait3A_19 = tpu.memref_slice %arg2[%dma_wait3A, %dma_wait3A_18] : memref<1x4096xf32, #tpu.memory_space<hbm>> -> memref<1x4096xf32, #tpu.memory_space<hbm>>
    %dma_wait3A_20 = tpu.memref_squeeze %dma_wait3A_19 : memref<1x4096xf32, #tpu.memory_space<hbm>> -> memref<4096xf32, #tpu.memory_space<hbm>>
    %dma_wait3A_21 = arith.constant 0 : i32
    %dma_wait3A_22 = tpu.memref_slice %arg2[%dma_wait3A, %dma_wait3A_21] : memref<1x4096xf32, #tpu.memory_space<hbm>> -> memref<1x4096xf32, #tpu.memory_space<hbm>>
    %dma_wait3A_23 = tpu.memref_squeeze %dma_wait3A_22 : memref<1x4096xf32, #tpu.memory_space<hbm>> -> memref<4096xf32, #tpu.memory_space<hbm>>
    tpu.wait_dma2 semaphore(%arg17 : memref<!tpu.dma_semaphore, #tpu.memory_space<semaphore_mem>>) src(%dma_wait3A_23 : memref<4096xf32, #tpu.memory_space<hbm>>) dst(%arg8 : memref<4096xf32, #tpu.memory_space<vmem>>)
    %dma_wait3A_24 = arith.constant 0 : i32
    %dma_wait3A_25 = tpu.memref_slice %arg3[%arg1, %dma_wait3A_24] : memref<16x4096xf32, #tpu.memory_space<hbm>> -> memref<1x4096xf32, #tpu.memory_space<hbm>>
    %dma_wait3A_26 = tpu.memref_squeeze %dma_wait3A_25 : memref<1x4096xf32, #tpu.memory_space<hbm>> -> memref<4096xf32, #tpu.memory_space<hbm>>
    %dma_wait3A_27 = arith.constant 0 : i32
    %dma_wait3A_28 = tpu.memref_slice %arg3[%arg1, %dma_wait3A_27] : memref<16x4096xf32, #tpu.memory_space<hbm>> -> memref<1x4096xf32, #tpu.memory_space<hbm>>
    %dma_wait3A_29 = tpu.memref_squeeze %dma_wait3A_28 : memref<1x4096xf32, #tpu.memory_space<hbm>> -> memref<4096xf32, #tpu.memory_space<hbm>>
    tpu.wait_dma2 semaphore(%arg18 : memref<!tpu.dma_semaphore, #tpu.memory_space<semaphore_mem>>) src(%dma_wait3A_29 : memref<4096xf32, #tpu.memory_space<hbm>>) dst(%arg9 : memref<4096xf32, #tpu.memory_space<vmem>>)
    %broadcast_in_dim3A = arith.constant 0.000000e+00 : f32
    %broadcast_in_dim3A_30 = vector.broadcast %broadcast_in_dim3A : f32 to vector<16xf32>
    %scan3A = arith.constant 0 : i32
    %scan3A_31 = arith.constant 256 : i32
    %scan3A_32 = arith.addi %scan3A, %scan3A_31 : i32
    %scan3A_33 = arith.constant 16 : i32
    %scan3A_34 = scf.for %scan3A_700 = %scan3A to %scan3A_32 step %scan3A_33 iter_args(%scan3A_701 = %broadcast_in_dim3A_30) -> (vector<16xf32>)  : i32 {
      %mul3A_702 = arith.constant 16 : i32
      %mul3A_703 = arith.muli %scan3A_700, %mul3A_702 : i32
      %get3A_704 = arith.index_cast %mul3A_703 : i32 to index
      %get3A_705 = tpu.vector_load %arg8[%get3A_704] {strides = array<i32>} : memref<4096xf32, #tpu.memory_space<vmem>>, vector<16xf32>,
      %get3A_706 = arith.index_cast %mul3A_703 : i32 to index
      %get3A_707 = tpu.vector_load %arg9[%get3A_706] {strides = array<i32>} : memref<4096xf32, #tpu.memory_space<vmem>>, vector<16xf32>,
      %mul3A_708 = arith.mulf %get3A_705, %get3A_707 : vector<16xf32>
      %add3A_709 = arith.addf %scan3A_701, %mul3A_708 : vector<16xf32>
      %scan3A_710 = arith.constant 1 : i32
      %scan3A_711 = arith.addi %scan3A_700, %scan3A_710 : i32
      %mul3A_712 = arith.constant 16 : i32
      %mul3A_713 = arith.muli %scan3A_711, %mul3A_712 : i32
      %get3A_714 = arith.index_cast %mul3A_713 : i32 to index
      %get3A_715 = tpu.vector_load %arg8[%get3A_714] {strides = array<i32>} : memref<4096xf32, #tpu.memory_space<vmem>>, vector<16xf32>,
      %get3A_716 = arith.index_cast %mul3A_713 : i32 to index
      %get3A_717 = tpu.vector_load %arg9[%get3A_716] {strides = array<i32>} : memref<4096xf32, #tpu.memory_space<vmem>>, vector<16xf32>,
      %mul3A_718 = arith.mulf %get3A_715, %get3A_717 : vector<16xf32>
      %add3A_719 = arith.addf %add3A_709, %mul3A_718 : vector<16xf32>
      %scan3A_720 = arith.constant 2 : i32
      %scan3A_721 = arith.addi %scan3A_700, %scan3A_720 : i32
      %mul3A_722 = arith.constant 16 : i32
      %mul3A_723 = arith.muli %scan3A_721, %mul3A_722 : i32
      %get3A_724 = arith.index_cast %mul3A_723 : i32 to index
      %get3A_725 = tpu.vector_load %arg8[%get3A_724] {strides = array<i32>} : memref<4096xf32, #tpu.memory_space<vmem>>, vector<16xf32>,
      %get3A_726 = arith.index_cast %mul3A_723 : i32 to index
      %get3A_727 = tpu.vector_load %arg9[%get3A_726] {strides = array<i32>} : memref<4096xf32, #tpu.memory_space<vmem>>, vector<16xf32>,
      %mul3A_728 = arith.mulf %get3A_725, %get3A_727 : vector<16xf32>
      %add3A_729 = arith.addf %add3A_719, %mul3A_728 : vector<16xf32>
      %scan3A_730 = arith.constant 3 : i32
      %scan3A_731 = arith.addi %scan3A_700, %scan3A_730 : i32
      %mul3A_732 = arith.constant 16 : i32
      %mul3A_733 = arith.muli %scan3A_731, %mul3A_732 : i32
      %get3A_734 = arith.index_cast %mul3A_733 : i32 to index
      %get3A_735 = tpu.vector_load %arg8[%get3A_734] {strides = array<i32>} : memref<4096xf32, #tpu.memory_space<vmem>>, vector<16xf32>,
      %get3A_736 = arith.index_cast %mul3A_733 : i32 to index
      %get3A_737 = tpu.vector_load %arg9[%get3A_736] {strides = array<i32>} : memref<4096xf32, #tpu.memory_space<vmem>>, vector<16xf32>,
      %mul3A_738 = arith.mulf %get3A_735, %get3A_737 : vector<16xf32>
      %add3A_739 = arith.addf %add3A_729, %mul3A_738 : vector<16xf32>
      %scan3A_740 = arith.constant 4 : i32
      %scan3A_741 = arith.addi %scan3A_700, %scan3A_740 : i32
      %mul3A_742 = arith.constant 16 : i32
      %mul3A_743 = arith.muli %scan3A_741, %mul3A_742 : i32
      %get3A_744 = arith.index_cast %mul3A_743 : i32 to index
      %get3A_745 = tpu.vector_load %arg8[%get3A_744] {strides = array<i32>} : memref<4096xf32, #tpu.memory_space<vmem>>, vector<16xf32>,
      %get3A_746 = arith.index_cast %mul3A_743 : i32 to index
      %get3A_747 = tpu.vector_load %arg9[%get3A_746] {strides = array<i32>} : memref<4096xf32, #tpu.memory_space<vmem>>, vector<16xf32>,
      %mul3A_748 = arith.mulf %get3A_745, %get3A_747 : vector<16xf32>
      %add3A_749 = arith.addf %add3A_739, %mul3A_748 : vector<16xf32>
      %scan3A_750 = arith.constant 5 : i32
      %scan3A_751 = arith.addi %scan3A_700, %scan3A_750 : i32
      %mul3A_752 = arith.constant 16 : i32
      %mul3A_753 = arith.muli %scan3A_751, %mul3A_752 : i32
      %get3A_754 = arith.index_cast %mul3A_753 : i32 to index
      %get3A_755 = tpu.vector_load %arg8[%get3A_754] {strides = array<i32>} : memref<4096xf32, #tpu.memory_space<vmem>>, vector<16xf32>,
      %get3A_756 = arith.index_cast %mul3A_753 : i32 to index
      %get3A_757 = tpu.vector_load %arg9[%get3A_756] {strides = array<i32>} : memref<4096xf32, #tpu.memory_space<vmem>>, vector<16xf32>,
      %mul3A_758 = arith.mulf %get3A_755, %get3A_757 : vector<16xf32>
      %add3A_759 = arith.addf %add3A_749, %mul3A_758 : vector<16xf32>
      %scan3A_760 = arith.constant 6 : i32
      %scan3A_761 = arith.addi %scan3A_700, %scan3A_760 : i32
      %mul3A_762 = arith.constant 16 : i32
      %mul3A_763 = arith.muli %scan3A_761, %mul3A_762 : i32
      %get3A_764 = arith.index_cast %mul3A_763 : i32 to index
      %get3A_765 = tpu.vector_load %arg8[%get3A_764] {strides = array<i32>} : memref<4096xf32, #tpu.memory_space<vmem>>, vector<16xf32>,
      %get3A_766 = arith.index_cast %mul3A_763 : i32 to index
      %get3A_767 = tpu.vector_load %arg9[%get3A_766] {strides = array<i32>} : memref<4096xf32, #tpu.memory_space<vmem>>, vector<16xf32>,
      %mul3A_768 = arith.mulf %get3A_765, %get3A_767 : vector<16xf32>
      %add3A_769 = arith.addf %add3A_759, %mul3A_768 : vector<16xf32>
      %scan3A_770 = arith.constant 7 : i32
      %scan3A_771 = arith.addi %scan3A_700, %scan3A_770 : i32
      %mul3A_772 = arith.constant 16 : i32
      %mul3A_773 = arith.muli %scan3A_771, %mul3A_772 : i32
      %get3A_774 = arith.index_cast %mul3A_773 : i32 to index
      %get3A_775 = tpu.vector_load %arg8[%get3A_774] {strides = array<i32>} : memref<4096xf32, #tpu.memory_space<vmem>>, vector<16xf32>,
      %get3A_776 = arith.index_cast %mul3A_773 : i32 to index
      %get3A_777 = tpu.vector_load %arg9[%get3A_776] {strides = array<i32>} : memref<4096xf32, #tpu.memory_space<vmem>>, vector<16xf32>,
      %mul3A_778 = arith.mulf %get3A_775, %get3A_777 : vector<16xf32>
      %add3A_779 = arith.addf %add3A_769, %mul3A_778 : vector<16xf32>
      %scan3A_780 = arith.constant 8 : i32
      %scan3A_781 = arith.addi %scan3A_700, %scan3A_780 : i32
      %mul3A_782 = arith.constant 16 : i32
      %mul3A_783 = arith.muli %scan3A_781, %mul3A_782 : i32
      %get3A_784 = arith.index_cast %mul3A_783 : i32 to index
      %get3A_785 = tpu.vector_load %arg8[%get3A_784] {strides = array<i32>} : memref<4096xf32, #tpu.memory_space<vmem>>, vector<16xf32>,
      %get3A_786 = arith.index_cast %mul3A_783 : i32 to index
      %get3A_787 = tpu.vector_load %arg9[%get3A_786] {strides = array<i32>} : memref<4096xf32, #tpu.memory_space<vmem>>, vector<16xf32>,
      %mul3A_788 = arith.mulf %get3A_785, %get3A_787 : vector<16xf32>
      %add3A_789 = arith.addf %add3A_779, %mul3A_788 : vector<16xf32>
      %scan3A_790 = arith.constant 9 : i32
      %scan3A_791 = arith.addi %scan3A_700, %scan3A_790 : i32
      %mul3A_792 = arith.constant 16 : i32
      %mul3A_793 = arith.muli %scan3A_791, %mul3A_792 : i32
      %get3A_794 = arith.index_cast %mul3A_793 : i32 to index
      %get3A_795 = tpu.vector_load %arg8[%get3A_794] {strides = array<i32>} : memref<4096xf32, #tpu.memory_space<vmem>>, vector<16xf32>,
      %get3A_796 = arith.index_cast %mul3A_793 : i32 to index
      %get3A_797 = tpu.vector_load %arg9[%get3A_796] {strides = array<i32>} : memref<4096xf32, #tpu.memory_space<vmem>>, vector<16xf32>,
      %mul3A_798 = arith.mulf %get3A_795, %get3A_797 : vector<16xf32>
      %add3A_799 = arith.addf %add3A_789, %mul3A_798 : vector<16xf32>
      %scan3A_800 = arith.constant 10 : i32
      %scan3A_801 = arith.addi %scan3A_700, %scan3A_800 : i32
      %mul3A_802 = arith.constant 16 : i32
      %mul3A_803 = arith.muli %scan3A_801, %mul3A_802 : i32
      %get3A_804 = arith.index_cast %mul3A_803 : i32 to index
      %get3A_805 = tpu.vector_load %arg8[%get3A_804] {strides = array<i32>} : memref<4096xf32, #tpu.memory_space<vmem>>, vector<16xf32>,
      %get3A_806 = arith.index_cast %mul3A_803 : i32 to index
      %get3A_807 = tpu.vector_load %arg9[%get3A_806] {strides = array<i32>} : memref<4096xf32, #tpu.memory_space<vmem>>, vector<16xf32>,
      %mul3A_808 = arith.mulf %get3A_805, %get3A_807 : vector<16xf32>
      %add3A_809 = arith.addf %add3A_799, %mul3A_808 : vector<16xf32>
      %scan3A_810 = arith.constant 11 : i32
      %scan3A_811 = arith.addi %scan3A_700, %scan3A_810 : i32
      %mul3A_812 = arith.constant 16 : i32
      %mul3A_813 = arith.muli %scan3A_811, %mul3A_812 : i32
      %get3A_814 = arith.index_cast %mul3A_813 : i32 to index
      %get3A_815 = tpu.vector_load %arg8[%get3A_814] {strides = array<i32>} : memref<4096xf32, #tpu.memory_space<vmem>>, vector<16xf32>,
      %get3A_816 = arith.index_cast %mul3A_813 : i32 to index
      %get3A_817 = tpu.vector_load %arg9[%get3A_816] {strides = array<i32>} : memref<4096xf32, #tpu.memory_space<vmem>>, vector<16xf32>,
      %mul3A_818 = arith.mulf %get3A_815, %get3A_817 : vector<16xf32>
      %add3A_819 = arith.addf %add3A_809, %mul3A_818 : vector<16xf32>
      %scan3A_820 = arith.constant 12 : i32
      %scan3A_821 = arith.addi %scan3A_700, %scan3A_820 : i32
      %mul3A_822 = arith.constant 16 : i32
      %mul3A_823 = arith.muli %scan3A_821, %mul3A_822 : i32
      %get3A_824 = arith.index_cast %mul3A_823 : i32 to index
      %get3A_825 = tpu.vector_load %arg8[%get3A_824] {strides = array<i32>} : memref<4096xf32, #tpu.memory_space<vmem>>, vector<16xf32>,
      %get3A_826 = arith.index_cast %mul3A_823 : i32 to index
      %get3A_827 = tpu.vector_load %arg9[%get3A_826] {strides = array<i32>} : memref<4096xf32, #tpu.memory_space<vmem>>, vector<16xf32>,
      %mul3A_828 = arith.mulf %get3A_825, %get3A_827 : vector<16xf32>
      %add3A_829 = arith.addf %add3A_819, %mul3A_828 : vector<16xf32>
      %scan3A_830 = arith.constant 13 : i32
      %scan3A_831 = arith.addi %scan3A_700, %scan3A_830 : i32
      %mul3A_832 = arith.constant 16 : i32
      %mul3A_833 = arith.muli %scan3A_831, %mul3A_832 : i32
      %get3A_834 = arith.index_cast %mul3A_833 : i32 to index
      %get3A_835 = tpu.vector_load %arg8[%get3A_834] {strides = array<i32>} : memref<4096xf32, #tpu.memory_space<vmem>>, vector<16xf32>,
      %get3A_836 = arith.index_cast %mul3A_833 : i32 to index
      %get3A_837 = tpu.vector_load %arg9[%get3A_836] {strides = array<i32>} : memref<4096xf32, #tpu.memory_space<vmem>>, vector<16xf32>,
      %mul3A_838 = arith.mulf %get3A_835, %get3A_837 : vector<16xf32>
      %add3A_839 = arith.addf %add3A_829, %mul3A_838 : vector<16xf32>
      %scan3A_840 = arith.constant 14 : i32
      %scan3A_841 = arith.addi %scan3A_700, %scan3A_840 : i32
      %mul3A_842 = arith.constant 16 : i32
      %mul3A_843 = arith.muli %scan3A_841, %mul3A_842 : i32
      %get3A_844 = arith.index_cast %mul3A_843 : i32 to index
      %get3A_845 = tpu.vector_load %arg8[%get3A_844] {strides = array<i32>} : memref<4096xf32, #tpu.memory_space<vmem>>, vector<16xf32>,
      %get3A_846 = arith.index_cast %mul3A_843 : i32 to index
      %get3A_847 = tpu.vector_load %arg9[%get3A_846] {strides = array<i32>} : memref<4096xf32, #tpu.memory_space<vmem>>, vector<16xf32>,
      %mul3A_848 = arith.mulf %get3A_845, %get3A_847 : vector<16xf32>
      %add3A_849 = arith.addf %add3A_839, %mul3A_848 : vector<16xf32>
      %scan3A_850 = arith.constant 15 : i32
      %scan3A_851 = arith.addi %scan3A_700, %scan3A_850 : i32
      %mul3A_852 = arith.constant 16 : i32
      %mul3A_853 = arith.muli %scan3A_851, %mul3A_852 : i32
      %get3A_854 = arith.index_cast %mul3A_853 : i32 to index
      %get3A_855 = tpu.vector_load %arg8[%get3A_854] {strides = array<i32>} : memref<4096xf32, #tpu.memory_space<vmem>>, vector<16xf32>,
      %get3A_856 = arith.index_cast %mul3A_853 : i32 to index
      %get3A_857 = tpu.vector_load %arg9[%get3A_856] {strides = array<i32>} : memref<4096xf32, #tpu.memory_space<vmem>>, vector<16xf32>,
      %mul3A_858 = arith.mulf %get3A_855, %get3A_857 : vector<16xf32>
      %add3A_859 = arith.addf %add3A_849, %mul3A_858 : vector<16xf32>
      scf.yield %add3A_859 : vector<16xf32>
    }
    %scan3A_35 = arith.constant 256 : i32
    %xor3A = arith.constant 8 : i32
    %xor3A_36 = vector.broadcast %xor3A : i32 to vector<16xi32>
    %xor3A_37 = arith.xori %iota3A, %xor3A_36 : vector<16xi32>
    %lt3A = arith.constant 0 : i32
    %lt3A_38 = vector.broadcast %lt3A : i32 to vector<16xi32>
    %lt3A_39 = arith.cmpi slt, %xor3A_37, %lt3A_38 : vector<16xi32>
    %add3A = arith.constant 16 : i32
    %add3A_40 = vector.broadcast %add3A : i32 to vector<16xi32>
    %add3A_41 = arith.addi %xor3A_37, %add3A_40 : vector<16xi32>
    %select_n3A = arith.select %lt3A_39, %add3A_41, %xor3A_37 : vector<16xi1>, vector<16xi32>
    %broadcast_in_dim3A_42 = vector.shape_cast %select_n3A : vector<16xi32> to vector<16x1xi32>
    %gather3A = vector.shape_cast %broadcast_in_dim3A_42 : vector<16x1xi32> to vector<16xi32>
    %gather3A_43 = tpu.dynamic_gather %scan3A_34[%gather3A] in [0] : vector<16xf32>, vector<16xi32> -> vector<16xf32>
    %add3A_44 = arith.addf %scan3A_34, %gather3A_43 : vector<16xf32>
    %xor3A_45 = arith.constant 4 : i32
    %xor3A_46 = vector.broadcast %xor3A_45 : i32 to vector<16xi32>
    %xor3A_47 = arith.xori %iota3A, %xor3A_46 : vector<16xi32>
    %lt3A_48 = arith.constant 0 : i32
    %lt3A_49 = vector.broadcast %lt3A_48 : i32 to vector<16xi32>
    %lt3A_50 = arith.cmpi slt, %xor3A_47, %lt3A_49 : vector<16xi32>
    %add3A_51 = arith.constant 16 : i32
    %add3A_52 = vector.broadcast %add3A_51 : i32 to vector<16xi32>
    %add3A_53 = arith.addi %xor3A_47, %add3A_52 : vector<16xi32>
    %select_n3A_54 = arith.select %lt3A_50, %add3A_53, %xor3A_47 : vector<16xi1>, vector<16xi32>
    %broadcast_in_dim3A_55 = vector.shape_cast %select_n3A_54 : vector<16xi32> to vector<16x1xi32>
    %gather3A_56 = vector.shape_cast %broadcast_in_dim3A_55 : vector<16x1xi32> to vector<16xi32>
    %gather3A_57 = tpu.dynamic_gather %add3A_44[%gather3A_56] in [0] : vector<16xf32>, vector<16xi32> -> vector<16xf32>
    %add3A_58 = arith.addf %add3A_44, %gather3A_57 : vector<16xf32>
    %xor3A_59 = arith.constant 2 : i32
    %xor3A_60 = vector.broadcast %xor3A_59 : i32 to vector<16xi32>
    %xor3A_61 = arith.xori %iota3A, %xor3A_60 : vector<16xi32>
    %lt3A_62 = arith.constant 0 : i32
    %lt3A_63 = vector.broadcast %lt3A_62 : i32 to vector<16xi32>
    %lt3A_64 = arith.cmpi slt, %xor3A_61, %lt3A_63 : vector<16xi32>
    %add3A_65 = arith.constant 16 : i32
    %add3A_66 = vector.broadcast %add3A_65 : i32 to vector<16xi32>
    %add3A_67 = arith.addi %xor3A_61, %add3A_66 : vector<16xi32>
    %select_n3A_68 = arith.select %lt3A_64, %add3A_67, %xor3A_61 : vector<16xi1>, vector<16xi32>
    %broadcast_in_dim3A_69 = vector.shape_cast %select_n3A_68 : vector<16xi32> to vector<16x1xi32>
    %gather3A_70 = vector.shape_cast %broadcast_in_dim3A_69 : vector<16x1xi32> to vector<16xi32>
    %gather3A_71 = tpu.dynamic_gather %add3A_58[%gather3A_70] in [0] : vector<16xf32>, vector<16xi32> -> vector<16xf32>
    %add3A_72 = arith.addf %add3A_58, %gather3A_71 : vector<16xf32>
    %xor3A_73 = arith.constant 1 : i32
    %xor3A_74 = vector.broadcast %xor3A_73 : i32 to vector<16xi32>
    %xor3A_75 = arith.xori %iota3A, %xor3A_74 : vector<16xi32>
    %lt3A_76 = arith.constant 0 : i32
    %lt3A_77 = vector.broadcast %lt3A_76 : i32 to vector<16xi32>
    %lt3A_78 = arith.cmpi slt, %xor3A_75, %lt3A_77 : vector<16xi32>
    %add3A_79 = arith.constant 16 : i32
    %add3A_80 = vector.broadcast %add3A_79 : i32 to vector<16xi32>
    %add3A_81 = arith.addi %xor3A_75, %add3A_80 : vector<16xi32>
    %select_n3A_82 = arith.select %lt3A_78, %add3A_81, %xor3A_75 : vector<16xi1>, vector<16xi32>
    %broadcast_in_dim3A_83 = vector.shape_cast %select_n3A_82 : vector<16xi32> to vector<16x1xi32>
    %gather3A_84 = vector.shape_cast %broadcast_in_dim3A_83 : vector<16x1xi32> to vector<16xi32>
    %gather3A_85 = tpu.dynamic_gather %add3A_72[%gather3A_84] in [0] : vector<16xf32>, vector<16xi32> -> vector<16xf32>
    %add3A_86 = arith.addf %add3A_72, %gather3A_85 : vector<16xf32>
    %swap3A = arith.constant 0 : index
    %swap3A_87 = tpu.vector_load %arg12[%swap3A] {strides = array<i32>} : memref<16xf32, #tpu.memory_space<vmem>>, vector<16xf32>,
    tpu.vector_store %arg12[%swap3A], %add3A_86 {strides = array<i32>} : memref<16xf32, #tpu.memory_space<vmem>>, vector<16xf32>,
    "tpu.region"() ({
      %run_scoped3A = tpu.sem_alloc : memref<!tpu.dma_semaphore, #tpu.memory_space<semaphore_mem>>
      %dma_start3A_700 = arith.constant 0 : i32
      %dma_start3A_701 = tpu.memref_slice %arg6[%arg1, %dma_start3A_700] : memref<16x16xf32, #tpu.memory_space<hbm>> -> memref<1x16xf32, #tpu.memory_space<hbm>>
      %dma_start3A_702 = tpu.memref_squeeze %dma_start3A_701 : memref<1x16xf32, #tpu.memory_space<hbm>> -> memref<16xf32, #tpu.memory_space<hbm>>
      %dma_start3A_703 = arith.constant 0 : i32
      %dma_start3A_704 = tpu.memref_slice %arg6[%arg1, %dma_start3A_703] : memref<16x16xf32, #tpu.memory_space<hbm>> -> memref<1x16xf32, #tpu.memory_space<hbm>>
      %dma_start3A_705 = tpu.memref_squeeze %dma_start3A_704 : memref<1x16xf32, #tpu.memory_space<hbm>> -> memref<16xf32, #tpu.memory_space<hbm>>
      tpu.enqueue_dma source(%arg12 : memref<16xf32, #tpu.memory_space<vmem>>) target(%dma_start3A_705 : memref<16xf32, #tpu.memory_space<hbm>>) target_semaphore(%run_scoped3A : memref<!tpu.dma_semaphore, #tpu.memory_space<semaphore_mem>>)
      %dma_wait3A_706 = arith.constant 0 : i32
      %dma_wait3A_707 = tpu.memref_slice %arg6[%arg1, %dma_wait3A_706] : memref<16x16xf32, #tpu.memory_space<hbm>> -> memref<1x16xf32, #tpu.memory_space<hbm>>
      %dma_wait3A_708 = tpu.memref_squeeze %dma_wait3A_707 : memref<1x16xf32, #tpu.memory_space<hbm>> -> memref<16xf32, #tpu.memory_space<hbm>>
      %dma_wait3A_709 = arith.constant 0 : i32
      %dma_wait3A_710 = tpu.memref_slice %arg6[%arg1, %dma_wait3A_709] : memref<16x16xf32, #tpu.memory_space<hbm>> -> memref<1x16xf32, #tpu.memory_space<hbm>>
      %dma_wait3A_711 = tpu.memref_squeeze %dma_wait3A_710 : memref<1x16xf32, #tpu.memory_space<hbm>> -> memref<16xf32, #tpu.memory_space<hbm>>
      tpu.wait_dma2 semaphore(%run_scoped3A : memref<!tpu.dma_semaphore, #tpu.memory_space<semaphore_mem>>) src(%arg12 : memref<16xf32, #tpu.memory_space<vmem>>) dst(%dma_wait3A_711 : memref<16xf32, #tpu.memory_space<hbm>>)
      tpu.yield
    }) : () -> ()
    %barrier3A = arith.constant 0 : index
    tpu.barrier barrier_id(%barrier3A)
    "tpu.region"() ({
      %run_scoped3A = tpu.sem_alloc : memref<!tpu.dma_semaphore, #tpu.memory_space<semaphore_mem>>
      tpu.enqueue_dma source(%arg6 : memref<16x16xf32, #tpu.memory_space<hbm>>) target(%arg11 : memref<16x16xf32, #tpu.memory_space<vmem>>) target_semaphore(%run_scoped3A : memref<!tpu.dma_semaphore, #tpu.memory_space<semaphore_mem>>)
      tpu.wait_dma2 semaphore(%run_scoped3A : memref<!tpu.dma_semaphore, #tpu.memory_space<semaphore_mem>>) src(%arg6 : memref<16x16xf32, #tpu.memory_space<hbm>>) dst(%arg11 : memref<16x16xf32, #tpu.memory_space<vmem>>)
      tpu.yield
    }) : () -> ()
    %get3A = arith.constant 0 : i32
    %get3A_88 = arith.index_cast %get3A : i32 to index
    %get3A_89 = arith.constant 0 : index
    %get3A_90 = tpu.vector_load %arg11[%get3A_88, %get3A_89] {strides = array<i32>} : memref<16x16xf32, #tpu.memory_space<vmem>>, vector<16xf32>,
    %get3A_91 = arith.constant 1 : i32
    %get3A_92 = arith.index_cast %get3A_91 : i32 to index
    %get3A_93 = arith.constant 0 : index
    %get3A_94 = tpu.vector_load %arg11[%get3A_92, %get3A_93] {strides = array<i32>} : memref<16x16xf32, #tpu.memory_space<vmem>>, vector<16xf32>,
    %get3A_95 = arith.constant 2 : i32
    %get3A_96 = arith.index_cast %get3A_95 : i32 to index
    %get3A_97 = arith.constant 0 : index
    %get3A_98 = tpu.vector_load %arg11[%get3A_96, %get3A_97] {strides = array<i32>} : memref<16x16xf32, #tpu.memory_space<vmem>>, vector<16xf32>,
    %get3A_99 = arith.constant 3 : i32
    %get3A_100 = arith.index_cast %get3A_99 : i32 to index
    %get3A_101 = arith.constant 0 : index
    %get3A_102 = tpu.vector_load %arg11[%get3A_100, %get3A_101] {strides = array<i32>} : memref<16x16xf32, #tpu.memory_space<vmem>>, vector<16xf32>,
    %get3A_103 = arith.constant 4 : i32
    %get3A_104 = arith.index_cast %get3A_103 : i32 to index
    %get3A_105 = arith.constant 0 : index
    %get3A_106 = tpu.vector_load %arg11[%get3A_104, %get3A_105] {strides = array<i32>} : memref<16x16xf32, #tpu.memory_space<vmem>>, vector<16xf32>,
    %get3A_107 = arith.constant 5 : i32
    %get3A_108 = arith.index_cast %get3A_107 : i32 to index
    %get3A_109 = arith.constant 0 : index
    %get3A_110 = tpu.vector_load %arg11[%get3A_108, %get3A_109] {strides = array<i32>} : memref<16x16xf32, #tpu.memory_space<vmem>>, vector<16xf32>,
    %get3A_111 = arith.constant 6 : i32
    %get3A_112 = arith.index_cast %get3A_111 : i32 to index
    %get3A_113 = arith.constant 0 : index
    %get3A_114 = tpu.vector_load %arg11[%get3A_112, %get3A_113] {strides = array<i32>} : memref<16x16xf32, #tpu.memory_space<vmem>>, vector<16xf32>,
    %get3A_115 = arith.constant 7 : i32
    %get3A_116 = arith.index_cast %get3A_115 : i32 to index
    %get3A_117 = arith.constant 0 : index
    %get3A_118 = tpu.vector_load %arg11[%get3A_116, %get3A_117] {strides = array<i32>} : memref<16x16xf32, #tpu.memory_space<vmem>>, vector<16xf32>,
    %get3A_119 = arith.constant 8 : i32
    %get3A_120 = arith.index_cast %get3A_119 : i32 to index
    %get3A_121 = arith.constant 0 : index
    %get3A_122 = tpu.vector_load %arg11[%get3A_120, %get3A_121] {strides = array<i32>} : memref<16x16xf32, #tpu.memory_space<vmem>>, vector<16xf32>,
    %get3A_123 = arith.constant 9 : i32
    %get3A_124 = arith.index_cast %get3A_123 : i32 to index
    %get3A_125 = arith.constant 0 : index
    %get3A_126 = tpu.vector_load %arg11[%get3A_124, %get3A_125] {strides = array<i32>} : memref<16x16xf32, #tpu.memory_space<vmem>>, vector<16xf32>,
    %get3A_127 = arith.constant 10 : i32
    %get3A_128 = arith.index_cast %get3A_127 : i32 to index
    %get3A_129 = arith.constant 0 : index
    %get3A_130 = tpu.vector_load %arg11[%get3A_128, %get3A_129] {strides = array<i32>} : memref<16x16xf32, #tpu.memory_space<vmem>>, vector<16xf32>,
    %get3A_131 = arith.constant 11 : i32
    %get3A_132 = arith.index_cast %get3A_131 : i32 to index
    %get3A_133 = arith.constant 0 : index
    %get3A_134 = tpu.vector_load %arg11[%get3A_132, %get3A_133] {strides = array<i32>} : memref<16x16xf32, #tpu.memory_space<vmem>>, vector<16xf32>,
    %get3A_135 = arith.constant 12 : i32
    %get3A_136 = arith.index_cast %get3A_135 : i32 to index
    %get3A_137 = arith.constant 0 : index
    %get3A_138 = tpu.vector_load %arg11[%get3A_136, %get3A_137] {strides = array<i32>} : memref<16x16xf32, #tpu.memory_space<vmem>>, vector<16xf32>,
    %get3A_139 = arith.constant 13 : i32
    %get3A_140 = arith.index_cast %get3A_139 : i32 to index
    %get3A_141 = arith.constant 0 : index
    %get3A_142 = tpu.vector_load %arg11[%get3A_140, %get3A_141] {strides = array<i32>} : memref<16x16xf32, #tpu.memory_space<vmem>>, vector<16xf32>,
    %get3A_143 = arith.constant 14 : i32
    %get3A_144 = arith.index_cast %get3A_143 : i32 to index
    %get3A_145 = arith.constant 0 : index
    %get3A_146 = tpu.vector_load %arg11[%get3A_144, %get3A_145] {strides = array<i32>} : memref<16x16xf32, #tpu.memory_space<vmem>>, vector<16xf32>,
    %get3A_147 = arith.constant 15 : i32
    %get3A_148 = arith.index_cast %get3A_147 : i32 to index
    %get3A_149 = arith.constant 0 : index
    %get3A_150 = tpu.vector_load %arg11[%get3A_148, %get3A_149] {strides = array<i32>} : memref<16x16xf32, #tpu.memory_space<vmem>>, vector<16xf32>,
    %dma_wait3A_151 = tpu.memref_slice %arg4[%mul3A_3] : memref<229376xf32, #tpu.memory_space<hbm>> -> memref<16384xf32, #tpu.memory_space<hbm>>
    %dma_wait3A_152 = tpu.memref_slice %arg4[%mul3A_3] : memref<229376xf32, #tpu.memory_space<hbm>> -> memref<16384xf32, #tpu.memory_space<hbm>>
    tpu.wait_dma2 semaphore(%arg16 : memref<!tpu.dma_semaphore, #tpu.memory_space<semaphore_mem>>) src(%dma_wait3A_152 : memref<16384xf32, #tpu.memory_space<hbm>>) dst(%arg10 : memref<16384xf32, #tpu.memory_space<vmem>>)
    %broadcast_in_dim3A_153 = arith.constant 0xFF800000 : f32
    %broadcast_in_dim3A_154 = vector.broadcast %broadcast_in_dim3A_153 : f32 to vector<16xf32>
    %broadcast_in_dim3A_155 = arith.constant 0 : i32
    %broadcast_in_dim3A_156 = vector.broadcast %broadcast_in_dim3A_155 : i32 to vector<16xi32>
    %scan3A_157 = arith.constant 0 : i32
    %scan3A_158 = arith.constant 16 : i32
    %scan3A_159 = arith.addi %scan3A_157, %scan3A_158 : i32
    %scan3A_160 = arith.constant 1 : i32
    %scan3A_161:2 = scf.for %scan3A_700 = %scan3A_157 to %scan3A_159 step %scan3A_160 iter_args(%scan3A_701 = %broadcast_in_dim3A_154, %scan3A_702 = %broadcast_in_dim3A_156) -> (vector<16xf32>, vector<16xi32>)  : i32 {
      %mul3A_703 = arith.constant 16 : i32
      %mul3A_704 = arith.muli %scan3A_700, %mul3A_703 : i32
      %add3A_705 = arith.constant 0 : i32
      %add3A_706 = arith.addi %add3A_705, %mul3A_704 : i32
      %mul3A_707 = arith.constant 16 : i32
      %mul3A_708 = arith.muli %add3A_706, %mul3A_707 : i32
      %mul3A_709 = arith.constant 16 : i32
      %mul3A_710 = vector.broadcast %mul3A_709 : i32 to vector<16xi32>
      %mul3A_711 = arith.muli %iota3A, %mul3A_710 : vector<16xi32>
      %add3A_712 = vector.broadcast %mul3A_708 : i32 to vector<16xi32>
      %add3A_713 = arith.addi %add3A_712, %mul3A_711 : vector<16xi32>
      %broadcast_in_dim3A_714 = arith.constant 0.000000e+00 : f32
      %broadcast_in_dim3A_715 = vector.broadcast %broadcast_in_dim3A_714 : f32 to vector<16xf32>
      %add3A_716 = arith.constant 0 : i32
      %add3A_717 = vector.broadcast %add3A_716 : i32 to vector<16xi32>
      %add3A_718 = arith.addi %add3A_713, %add3A_717 : vector<16xi32>
      %gather3A_719 = tpu.vector_load_idx %arg10[%add3A_718] : memref<16384xf32, #tpu.memory_space<vmem>>[vector<16xi32>], vector<16xf32>,
      %mul3A_720 = arith.mulf %get3A_90, %gather3A_719 : vector<16xf32>
      %add3A_721 = arith.addf %broadcast_in_dim3A_715, %mul3A_720 : vector<16xf32>
      %add3A_722 = arith.constant 1 : i32
      %add3A_723 = vector.broadcast %add3A_722 : i32 to vector<16xi32>
      %add3A_724 = arith.addi %add3A_713, %add3A_723 : vector<16xi32>
      %gather3A_725 = tpu.vector_load_idx %arg10[%add3A_724] : memref<16384xf32, #tpu.memory_space<vmem>>[vector<16xi32>], vector<16xf32>,
      %mul3A_726 = arith.mulf %get3A_94, %gather3A_725 : vector<16xf32>
      %add3A_727 = arith.addf %add3A_721, %mul3A_726 : vector<16xf32>
      %add3A_728 = arith.constant 2 : i32
      %add3A_729 = vector.broadcast %add3A_728 : i32 to vector<16xi32>
      %add3A_730 = arith.addi %add3A_713, %add3A_729 : vector<16xi32>
      %gather3A_731 = tpu.vector_load_idx %arg10[%add3A_730] : memref<16384xf32, #tpu.memory_space<vmem>>[vector<16xi32>], vector<16xf32>,
      %mul3A_732 = arith.mulf %get3A_98, %gather3A_731 : vector<16xf32>
      %add3A_733 = arith.addf %add3A_727, %mul3A_732 : vector<16xf32>
      %add3A_734 = arith.constant 3 : i32
      %add3A_735 = vector.broadcast %add3A_734 : i32 to vector<16xi32>
      %add3A_736 = arith.addi %add3A_713, %add3A_735 : vector<16xi32>
      %gather3A_737 = tpu.vector_load_idx %arg10[%add3A_736] : memref<16384xf32, #tpu.memory_space<vmem>>[vector<16xi32>], vector<16xf32>,
      %mul3A_738 = arith.mulf %get3A_102, %gather3A_737 : vector<16xf32>
      %add3A_739 = arith.addf %add3A_733, %mul3A_738 : vector<16xf32>
      %add3A_740 = arith.constant 4 : i32
      %add3A_741 = vector.broadcast %add3A_740 : i32 to vector<16xi32>
      %add3A_742 = arith.addi %add3A_713, %add3A_741 : vector<16xi32>
      %gather3A_743 = tpu.vector_load_idx %arg10[%add3A_742] : memref<16384xf32, #tpu.memory_space<vmem>>[vector<16xi32>], vector<16xf32>,
      %mul3A_744 = arith.mulf %get3A_106, %gather3A_743 : vector<16xf32>
      %add3A_745 = arith.addf %add3A_739, %mul3A_744 : vector<16xf32>
      %add3A_746 = arith.constant 5 : i32
      %add3A_747 = vector.broadcast %add3A_746 : i32 to vector<16xi32>
      %add3A_748 = arith.addi %add3A_713, %add3A_747 : vector<16xi32>
      %gather3A_749 = tpu.vector_load_idx %arg10[%add3A_748] : memref<16384xf32, #tpu.memory_space<vmem>>[vector<16xi32>], vector<16xf32>,
      %mul3A_750 = arith.mulf %get3A_110, %gather3A_749 : vector<16xf32>
      %add3A_751 = arith.addf %add3A_745, %mul3A_750 : vector<16xf32>
      %add3A_752 = arith.constant 6 : i32
      %add3A_753 = vector.broadcast %add3A_752 : i32 to vector<16xi32>
      %add3A_754 = arith.addi %add3A_713, %add3A_753 : vector<16xi32>
      %gather3A_755 = tpu.vector_load_idx %arg10[%add3A_754] : memref<16384xf32, #tpu.memory_space<vmem>>[vector<16xi32>], vector<16xf32>,
      %mul3A_756 = arith.mulf %get3A_114, %gather3A_755 : vector<16xf32>
      %add3A_757 = arith.addf %add3A_751, %mul3A_756 : vector<16xf32>
      %add3A_758 = arith.constant 7 : i32
      %add3A_759 = vector.broadcast %add3A_758 : i32 to vector<16xi32>
      %add3A_760 = arith.addi %add3A_713, %add3A_759 : vector<16xi32>
      %gather3A_761 = tpu.vector_load_idx %arg10[%add3A_760] : memref<16384xf32, #tpu.memory_space<vmem>>[vector<16xi32>], vector<16xf32>,
      %mul3A_762 = arith.mulf %get3A_118, %gather3A_761 : vector<16xf32>
      %add3A_763 = arith.addf %add3A_757, %mul3A_762 : vector<16xf32>
      %add3A_764 = arith.constant 8 : i32
      %add3A_765 = vector.broadcast %add3A_764 : i32 to vector<16xi32>
      %add3A_766 = arith.addi %add3A_713, %add3A_765 : vector<16xi32>
      %gather3A_767 = tpu.vector_load_idx %arg10[%add3A_766] : memref<16384xf32, #tpu.memory_space<vmem>>[vector<16xi32>], vector<16xf32>,
      %mul3A_768 = arith.mulf %get3A_122, %gather3A_767 : vector<16xf32>
      %add3A_769 = arith.addf %add3A_763, %mul3A_768 : vector<16xf32>
      %add3A_770 = arith.constant 9 : i32
      %add3A_771 = vector.broadcast %add3A_770 : i32 to vector<16xi32>
      %add3A_772 = arith.addi %add3A_713, %add3A_771 : vector<16xi32>
      %gather3A_773 = tpu.vector_load_idx %arg10[%add3A_772] : memref<16384xf32, #tpu.memory_space<vmem>>[vector<16xi32>], vector<16xf32>,
      %mul3A_774 = arith.mulf %get3A_126, %gather3A_773 : vector<16xf32>
      %add3A_775 = arith.addf %add3A_769, %mul3A_774 : vector<16xf32>
      %add3A_776 = arith.constant 10 : i32
      %add3A_777 = vector.broadcast %add3A_776 : i32 to vector<16xi32>
      %add3A_778 = arith.addi %add3A_713, %add3A_777 : vector<16xi32>
      %gather3A_779 = tpu.vector_load_idx %arg10[%add3A_778] : memref<16384xf32, #tpu.memory_space<vmem>>[vector<16xi32>], vector<16xf32>,
      %mul3A_780 = arith.mulf %get3A_130, %gather3A_779 : vector<16xf32>
      %add3A_781 = arith.addf %add3A_775, %mul3A_780 : vector<16xf32>
      %add3A_782 = arith.constant 11 : i32
      %add3A_783 = vector.broadcast %add3A_782 : i32 to vector<16xi32>
      %add3A_784 = arith.addi %add3A_713, %add3A_783 : vector<16xi32>
      %gather3A_785 = tpu.vector_load_idx %arg10[%add3A_784] : memref<16384xf32, #tpu.memory_space<vmem>>[vector<16xi32>], vector<16xf32>,
      %mul3A_786 = arith.mulf %get3A_134, %gather3A_785 : vector<16xf32>
      %add3A_787 = arith.addf %add3A_781, %mul3A_786 : vector<16xf32>
      %add3A_788 = arith.constant 12 : i32
      %add3A_789 = vector.broadcast %add3A_788 : i32 to vector<16xi32>
      %add3A_790 = arith.addi %add3A_713, %add3A_789 : vector<16xi32>
      %gather3A_791 = tpu.vector_load_idx %arg10[%add3A_790] : memref<16384xf32, #tpu.memory_space<vmem>>[vector<16xi32>], vector<16xf32>,
      %mul3A_792 = arith.mulf %get3A_138, %gather3A_791 : vector<16xf32>
      %add3A_793 = arith.addf %add3A_787, %mul3A_792 : vector<16xf32>
      %add3A_794 = arith.constant 13 : i32
      %add3A_795 = vector.broadcast %add3A_794 : i32 to vector<16xi32>
      %add3A_796 = arith.addi %add3A_713, %add3A_795 : vector<16xi32>
      %gather3A_797 = tpu.vector_load_idx %arg10[%add3A_796] : memref<16384xf32, #tpu.memory_space<vmem>>[vector<16xi32>], vector<16xf32>,
      %mul3A_798 = arith.mulf %get3A_142, %gather3A_797 : vector<16xf32>
      %add3A_799 = arith.addf %add3A_793, %mul3A_798 : vector<16xf32>
      %add3A_800 = arith.constant 14 : i32
      %add3A_801 = vector.broadcast %add3A_800 : i32 to vector<16xi32>
      %add3A_802 = arith.addi %add3A_713, %add3A_801 : vector<16xi32>
      %gather3A_803 = tpu.vector_load_idx %arg10[%add3A_802] : memref<16384xf32, #tpu.memory_space<vmem>>[vector<16xi32>], vector<16xf32>,
      %mul3A_804 = arith.mulf %get3A_146, %gather3A_803 : vector<16xf32>
      %add3A_805 = arith.addf %add3A_799, %mul3A_804 : vector<16xf32>
      %add3A_806 = arith.constant 15 : i32
      %add3A_807 = vector.broadcast %add3A_806 : i32 to vector<16xi32>
      %add3A_808 = arith.addi %add3A_713, %add3A_807 : vector<16xi32>
      %gather3A_809 = tpu.vector_load_idx %arg10[%add3A_808] : memref<16384xf32, #tpu.memory_space<vmem>>[vector<16xi32>], vector<16xf32>,
      %mul3A_810 = arith.mulf %get3A_150, %gather3A_809 : vector<16xf32>
      %add3A_811 = arith.addf %add3A_805, %mul3A_810 : vector<16xf32>
      %mul3A_812 = arith.constant 16 : i32
      %mul3A_813 = arith.muli %scan3A_700, %mul3A_812 : i32
      %add3A_814 = vector.broadcast %mul3A_813 : i32 to vector<16xi32>
      %add3A_815 = arith.addi %add3A_814, %iota3A : vector<16xi32>
      %gt3A = arith.cmpf ogt, %add3A_811, %scan3A_701 : vector<16xf32>
      %select_n3A_816 = arith.select %gt3A, %add3A_811, %scan3A_701 : vector<16xi1>, vector<16xf32>
      %select_n3A_817 = arith.select %gt3A, %add3A_815, %scan3A_702 : vector<16xi1>, vector<16xi32>
      scf.yield %select_n3A_816, %select_n3A_817 : vector<16xf32>, vector<16xi32>
    }
    %scan3A_162 = arith.constant 16 : i32
    %xor3A_163 = arith.constant 8 : i32
    %xor3A_164 = vector.broadcast %xor3A_163 : i32 to vector<16xi32>
    %xor3A_165 = arith.xori %iota3A, %xor3A_164 : vector<16xi32>
    %lt3A_166 = arith.constant 0 : i32
    %lt3A_167 = vector.broadcast %lt3A_166 : i32 to vector<16xi32>
    %lt3A_168 = arith.cmpi slt, %xor3A_165, %lt3A_167 : vector<16xi32>
    %add3A_169 = arith.constant 16 : i32
    %add3A_170 = vector.broadcast %add3A_169 : i32 to vector<16xi32>
    %add3A_171 = arith.addi %xor3A_165, %add3A_170 : vector<16xi32>
    %select_n3A_172 = arith.select %lt3A_168, %add3A_171, %xor3A_165 : vector<16xi1>, vector<16xi32>
    %broadcast_in_dim3A_173 = vector.shape_cast %select_n3A_172 : vector<16xi32> to vector<16x1xi32>
    %gather3A_174 = vector.shape_cast %broadcast_in_dim3A_173 : vector<16x1xi32> to vector<16xi32>
    %gather3A_175 = tpu.dynamic_gather %scan3A_161#0[%gather3A_174] in [0] : vector<16xf32>, vector<16xi32> -> vector<16xf32>
    %max3A = arith.maximumf %scan3A_161#0, %gather3A_175 : vector<16xf32>
    %xor3A_176 = arith.constant 4 : i32
    %xor3A_177 = vector.broadcast %xor3A_176 : i32 to vector<16xi32>
    %xor3A_178 = arith.xori %iota3A, %xor3A_177 : vector<16xi32>
    %lt3A_179 = arith.constant 0 : i32
    %lt3A_180 = vector.broadcast %lt3A_179 : i32 to vector<16xi32>
    %lt3A_181 = arith.cmpi slt, %xor3A_178, %lt3A_180 : vector<16xi32>
    %add3A_182 = arith.constant 16 : i32
    %add3A_183 = vector.broadcast %add3A_182 : i32 to vector<16xi32>
    %add3A_184 = arith.addi %xor3A_178, %add3A_183 : vector<16xi32>
    %select_n3A_185 = arith.select %lt3A_181, %add3A_184, %xor3A_178 : vector<16xi1>, vector<16xi32>
    %broadcast_in_dim3A_186 = vector.shape_cast %select_n3A_185 : vector<16xi32> to vector<16x1xi32>
    %gather3A_187 = vector.shape_cast %broadcast_in_dim3A_186 : vector<16x1xi32> to vector<16xi32>
    %gather3A_188 = tpu.dynamic_gather %max3A[%gather3A_187] in [0] : vector<16xf32>, vector<16xi32> -> vector<16xf32>
    %max3A_189 = arith.maximumf %max3A, %gather3A_188 : vector<16xf32>
    %xor3A_190 = arith.constant 2 : i32
    %xor3A_191 = vector.broadcast %xor3A_190 : i32 to vector<16xi32>
    %xor3A_192 = arith.xori %iota3A, %xor3A_191 : vector<16xi32>
    %lt3A_193 = arith.constant 0 : i32
    %lt3A_194 = vector.broadcast %lt3A_193 : i32 to vector<16xi32>
    %lt3A_195 = arith.cmpi slt, %xor3A_192, %lt3A_194 : vector<16xi32>
    %add3A_196 = arith.constant 16 : i32
    %add3A_197 = vector.broadcast %add3A_196 : i32 to vector<16xi32>
    %add3A_198 = arith.addi %xor3A_192, %add3A_197 : vector<16xi32>
    %select_n3A_199 = arith.select %lt3A_195, %add3A_198, %xor3A_192 : vector<16xi1>, vector<16xi32>
    %broadcast_in_dim3A_200 = vector.shape_cast %select_n3A_199 : vector<16xi32> to vector<16x1xi32>
    %gather3A_201 = vector.shape_cast %broadcast_in_dim3A_200 : vector<16x1xi32> to vector<16xi32>
    %gather3A_202 = tpu.dynamic_gather %max3A_189[%gather3A_201] in [0] : vector<16xf32>, vector<16xi32> -> vector<16xf32>
    %max3A_203 = arith.maximumf %max3A_189, %gather3A_202 : vector<16xf32>
    %xor3A_204 = arith.constant 1 : i32
    %xor3A_205 = vector.broadcast %xor3A_204 : i32 to vector<16xi32>
    %xor3A_206 = arith.xori %iota3A, %xor3A_205 : vector<16xi32>
    %lt3A_207 = arith.constant 0 : i32
    %lt3A_208 = vector.broadcast %lt3A_207 : i32 to vector<16xi32>
    %lt3A_209 = arith.cmpi slt, %xor3A_206, %lt3A_208 : vector<16xi32>
    %add3A_210 = arith.constant 16 : i32
    %add3A_211 = vector.broadcast %add3A_210 : i32 to vector<16xi32>
    %add3A_212 = arith.addi %xor3A_206, %add3A_211 : vector<16xi32>
    %select_n3A_213 = arith.select %lt3A_209, %add3A_212, %xor3A_206 : vector<16xi1>, vector<16xi32>
    %broadcast_in_dim3A_214 = vector.shape_cast %select_n3A_213 : vector<16xi32> to vector<16x1xi32>
    %gather3A_215 = vector.shape_cast %broadcast_in_dim3A_214 : vector<16x1xi32> to vector<16xi32>
    %gather3A_216 = tpu.dynamic_gather %max3A_203[%gather3A_215] in [0] : vector<16xf32>, vector<16xi32> -> vector<16xf32>
    %max3A_217 = arith.maximumf %max3A_203, %gather3A_216 : vector<16xf32>
    %eq3A = arith.cmpf oeq, %scan3A_161#0, %max3A_217 : vector<16xf32>
    %jit3A = arith.constant 1073741824 : i32
    %broadcast_in_dim3A_218 = vector.broadcast %jit3A : i32 to vector<16xi32>
    %select_n3A_219 = arith.select %eq3A, %scan3A_161#1, %broadcast_in_dim3A_218 : vector<16xi1>, vector<16xi32>
    %xor3A_220 = arith.constant 8 : i32
    %xor3A_221 = vector.broadcast %xor3A_220 : i32 to vector<16xi32>
    %xor3A_222 = arith.xori %iota3A, %xor3A_221 : vector<16xi32>
    %lt3A_223 = arith.constant 0 : i32
    %lt3A_224 = vector.broadcast %lt3A_223 : i32 to vector<16xi32>
    %lt3A_225 = arith.cmpi slt, %xor3A_222, %lt3A_224 : vector<16xi32>
    %add3A_226 = arith.constant 16 : i32
    %add3A_227 = vector.broadcast %add3A_226 : i32 to vector<16xi32>
    %add3A_228 = arith.addi %xor3A_222, %add3A_227 : vector<16xi32>
    %select_n3A_229 = arith.select %lt3A_225, %add3A_228, %xor3A_222 : vector<16xi1>, vector<16xi32>
    %broadcast_in_dim3A_230 = vector.shape_cast %select_n3A_229 : vector<16xi32> to vector<16x1xi32>
    %gather3A_231 = vector.shape_cast %broadcast_in_dim3A_230 : vector<16x1xi32> to vector<16xi32>
    %gather3A_232 = tpu.dynamic_gather %select_n3A_219[%gather3A_231] in [0] : vector<16xi32>, vector<16xi32> -> vector<16xi32>
    %min3A_233 = arith.minsi %select_n3A_219, %gather3A_232 : vector<16xi32>
    %xor3A_234 = arith.constant 4 : i32
    %xor3A_235 = vector.broadcast %xor3A_234 : i32 to vector<16xi32>
    %xor3A_236 = arith.xori %iota3A, %xor3A_235 : vector<16xi32>
    %lt3A_237 = arith.constant 0 : i32
    %lt3A_238 = vector.broadcast %lt3A_237 : i32 to vector<16xi32>
    %lt3A_239 = arith.cmpi slt, %xor3A_236, %lt3A_238 : vector<16xi32>
    %add3A_240 = arith.constant 16 : i32
    %add3A_241 = vector.broadcast %add3A_240 : i32 to vector<16xi32>
    %add3A_242 = arith.addi %xor3A_236, %add3A_241 : vector<16xi32>
    %select_n3A_243 = arith.select %lt3A_239, %add3A_242, %xor3A_236 : vector<16xi1>, vector<16xi32>
    %broadcast_in_dim3A_244 = vector.shape_cast %select_n3A_243 : vector<16xi32> to vector<16x1xi32>
    %gather3A_245 = vector.shape_cast %broadcast_in_dim3A_244 : vector<16x1xi32> to vector<16xi32>
    %gather3A_246 = tpu.dynamic_gather %min3A_233[%gather3A_245] in [0] : vector<16xi32>, vector<16xi32> -> vector<16xi32>
    %min3A_247 = arith.minsi %min3A_233, %gather3A_246 : vector<16xi32>
    %xor3A_248 = arith.constant 2 : i32
    %xor3A_249 = vector.broadcast %xor3A_248 : i32 to vector<16xi32>
    %xor3A_250 = arith.xori %iota3A, %xor3A_249 : vector<16xi32>
    %lt3A_251 = arith.constant 0 : i32
    %lt3A_252 = vector.broadcast %lt3A_251 : i32 to vector<16xi32>
    %lt3A_253 = arith.cmpi slt, %xor3A_250, %lt3A_252 : vector<16xi32>
    %add3A_254 = arith.constant 16 : i32
    %add3A_255 = vector.broadcast %add3A_254 : i32 to vector<16xi32>
    %add3A_256 = arith.addi %xor3A_250, %add3A_255 : vector<16xi32>
    %select_n3A_257 = arith.select %lt3A_253, %add3A_256, %xor3A_250 : vector<16xi1>, vector<16xi32>
    %broadcast_in_dim3A_258 = vector.shape_cast %select_n3A_257 : vector<16xi32> to vector<16x1xi32>
    %gather3A_259 = vector.shape_cast %broadcast_in_dim3A_258 : vector<16x1xi32> to vector<16xi32>
    %gather3A_260 = tpu.dynamic_gather %min3A_247[%gather3A_259] in [0] : vector<16xi32>, vector<16xi32> -> vector<16xi32>
    %min3A_261 = arith.minsi %min3A_247, %gather3A_260 : vector<16xi32>
    %xor3A_262 = arith.constant 1 : i32
    %xor3A_263 = vector.broadcast %xor3A_262 : i32 to vector<16xi32>
    %xor3A_264 = arith.xori %iota3A, %xor3A_263 : vector<16xi32>
    %lt3A_265 = arith.constant 0 : i32
    %lt3A_266 = vector.broadcast %lt3A_265 : i32 to vector<16xi32>
    %lt3A_267 = arith.cmpi slt, %xor3A_264, %lt3A_266 : vector<16xi32>
    %add3A_268 = arith.constant 16 : i32
    %add3A_269 = vector.broadcast %add3A_268 : i32 to vector<16xi32>
    %add3A_270 = arith.addi %xor3A_264, %add3A_269 : vector<16xi32>
    %select_n3A_271 = arith.select %lt3A_267, %add3A_270, %xor3A_264 : vector<16xi1>, vector<16xi32>
    %broadcast_in_dim3A_272 = vector.shape_cast %select_n3A_271 : vector<16xi32> to vector<16x1xi32>
    %gather3A_273 = vector.shape_cast %broadcast_in_dim3A_272 : vector<16x1xi32> to vector<16xi32>
    %gather3A_274 = tpu.dynamic_gather %min3A_261[%gather3A_273] in [0] : vector<16xi32>, vector<16xi32> -> vector<16xi32>
    %min3A_275 = arith.minsi %min3A_261, %gather3A_274 : vector<16xi32>
    %add3A_276 = arith.constant 0 : i32
    %add3A_277 = arith.addi %min3A_1, %add3A_276 : i32
    %mul3A_278 = arith.constant 256 : i32
    %mul3A_279 = arith.muli %add3A_277, %mul3A_278 : i32
    %add3A_280 = vector.broadcast %mul3A_279 : i32 to vector<16xi32>
    %add3A_281 = arith.addi %min3A_275, %add3A_280 : vector<16xi32>
    %broadcast_in_dim3A_282 = arith.constant 0xFF800000 : f32
    %broadcast_in_dim3A_283 = vector.broadcast %broadcast_in_dim3A_282 : f32 to vector<16xf32>
    %broadcast_in_dim3A_284 = arith.constant 0 : i32
    %broadcast_in_dim3A_285 = vector.broadcast %broadcast_in_dim3A_284 : i32 to vector<16xi32>
    %scan3A_286 = arith.constant 0 : i32
    %scan3A_287 = arith.constant 16 : i32
    %scan3A_288 = arith.addi %scan3A_286, %scan3A_287 : i32
    %scan3A_289 = arith.constant 1 : i32
    %scan3A_290:2 = scf.for %scan3A_700 = %scan3A_286 to %scan3A_288 step %scan3A_289 iter_args(%scan3A_701 = %broadcast_in_dim3A_283, %scan3A_702 = %broadcast_in_dim3A_285) -> (vector<16xf32>, vector<16xi32>)  : i32 {
      %mul3A_703 = arith.constant 16 : i32
      %mul3A_704 = arith.muli %scan3A_700, %mul3A_703 : i32
      %add3A_705 = arith.constant 256 : i32
      %add3A_706 = arith.addi %add3A_705, %mul3A_704 : i32
      %mul3A_707 = arith.constant 16 : i32
      %mul3A_708 = arith.muli %add3A_706, %mul3A_707 : i32
      %mul3A_709 = arith.constant 16 : i32
      %mul3A_710 = vector.broadcast %mul3A_709 : i32 to vector<16xi32>
      %mul3A_711 = arith.muli %iota3A, %mul3A_710 : vector<16xi32>
      %add3A_712 = vector.broadcast %mul3A_708 : i32 to vector<16xi32>
      %add3A_713 = arith.addi %add3A_712, %mul3A_711 : vector<16xi32>
      %broadcast_in_dim3A_714 = arith.constant 0.000000e+00 : f32
      %broadcast_in_dim3A_715 = vector.broadcast %broadcast_in_dim3A_714 : f32 to vector<16xf32>
      %add3A_716 = arith.constant 0 : i32
      %add3A_717 = vector.broadcast %add3A_716 : i32 to vector<16xi32>
      %add3A_718 = arith.addi %add3A_713, %add3A_717 : vector<16xi32>
      %gather3A_719 = tpu.vector_load_idx %arg10[%add3A_718] : memref<16384xf32, #tpu.memory_space<vmem>>[vector<16xi32>], vector<16xf32>,
      %mul3A_720 = arith.mulf %get3A_90, %gather3A_719 : vector<16xf32>
      %add3A_721 = arith.addf %broadcast_in_dim3A_715, %mul3A_720 : vector<16xf32>
      %add3A_722 = arith.constant 1 : i32
      %add3A_723 = vector.broadcast %add3A_722 : i32 to vector<16xi32>
      %add3A_724 = arith.addi %add3A_713, %add3A_723 : vector<16xi32>
      %gather3A_725 = tpu.vector_load_idx %arg10[%add3A_724] : memref<16384xf32, #tpu.memory_space<vmem>>[vector<16xi32>], vector<16xf32>,
      %mul3A_726 = arith.mulf %get3A_94, %gather3A_725 : vector<16xf32>
      %add3A_727 = arith.addf %add3A_721, %mul3A_726 : vector<16xf32>
      %add3A_728 = arith.constant 2 : i32
      %add3A_729 = vector.broadcast %add3A_728 : i32 to vector<16xi32>
      %add3A_730 = arith.addi %add3A_713, %add3A_729 : vector<16xi32>
      %gather3A_731 = tpu.vector_load_idx %arg10[%add3A_730] : memref<16384xf32, #tpu.memory_space<vmem>>[vector<16xi32>], vector<16xf32>,
      %mul3A_732 = arith.mulf %get3A_98, %gather3A_731 : vector<16xf32>
      %add3A_733 = arith.addf %add3A_727, %mul3A_732 : vector<16xf32>
      %add3A_734 = arith.constant 3 : i32
      %add3A_735 = vector.broadcast %add3A_734 : i32 to vector<16xi32>
      %add3A_736 = arith.addi %add3A_713, %add3A_735 : vector<16xi32>
      %gather3A_737 = tpu.vector_load_idx %arg10[%add3A_736] : memref<16384xf32, #tpu.memory_space<vmem>>[vector<16xi32>], vector<16xf32>,
      %mul3A_738 = arith.mulf %get3A_102, %gather3A_737 : vector<16xf32>
      %add3A_739 = arith.addf %add3A_733, %mul3A_738 : vector<16xf32>
      %add3A_740 = arith.constant 4 : i32
      %add3A_741 = vector.broadcast %add3A_740 : i32 to vector<16xi32>
      %add3A_742 = arith.addi %add3A_713, %add3A_741 : vector<16xi32>
      %gather3A_743 = tpu.vector_load_idx %arg10[%add3A_742] : memref<16384xf32, #tpu.memory_space<vmem>>[vector<16xi32>], vector<16xf32>,
      %mul3A_744 = arith.mulf %get3A_106, %gather3A_743 : vector<16xf32>
      %add3A_745 = arith.addf %add3A_739, %mul3A_744 : vector<16xf32>
      %add3A_746 = arith.constant 5 : i32
      %add3A_747 = vector.broadcast %add3A_746 : i32 to vector<16xi32>
      %add3A_748 = arith.addi %add3A_713, %add3A_747 : vector<16xi32>
      %gather3A_749 = tpu.vector_load_idx %arg10[%add3A_748] : memref<16384xf32, #tpu.memory_space<vmem>>[vector<16xi32>], vector<16xf32>,
      %mul3A_750 = arith.mulf %get3A_110, %gather3A_749 : vector<16xf32>
      %add3A_751 = arith.addf %add3A_745, %mul3A_750 : vector<16xf32>
      %add3A_752 = arith.constant 6 : i32
      %add3A_753 = vector.broadcast %add3A_752 : i32 to vector<16xi32>
      %add3A_754 = arith.addi %add3A_713, %add3A_753 : vector<16xi32>
      %gather3A_755 = tpu.vector_load_idx %arg10[%add3A_754] : memref<16384xf32, #tpu.memory_space<vmem>>[vector<16xi32>], vector<16xf32>,
      %mul3A_756 = arith.mulf %get3A_114, %gather3A_755 : vector<16xf32>
      %add3A_757 = arith.addf %add3A_751, %mul3A_756 : vector<16xf32>
      %add3A_758 = arith.constant 7 : i32
      %add3A_759 = vector.broadcast %add3A_758 : i32 to vector<16xi32>
      %add3A_760 = arith.addi %add3A_713, %add3A_759 : vector<16xi32>
      %gather3A_761 = tpu.vector_load_idx %arg10[%add3A_760] : memref<16384xf32, #tpu.memory_space<vmem>>[vector<16xi32>], vector<16xf32>,
      %mul3A_762 = arith.mulf %get3A_118, %gather3A_761 : vector<16xf32>
      %add3A_763 = arith.addf %add3A_757, %mul3A_762 : vector<16xf32>
      %add3A_764 = arith.constant 8 : i32
      %add3A_765 = vector.broadcast %add3A_764 : i32 to vector<16xi32>
      %add3A_766 = arith.addi %add3A_713, %add3A_765 : vector<16xi32>
      %gather3A_767 = tpu.vector_load_idx %arg10[%add3A_766] : memref<16384xf32, #tpu.memory_space<vmem>>[vector<16xi32>], vector<16xf32>,
      %mul3A_768 = arith.mulf %get3A_122, %gather3A_767 : vector<16xf32>
      %add3A_769 = arith.addf %add3A_763, %mul3A_768 : vector<16xf32>
      %add3A_770 = arith.constant 9 : i32
      %add3A_771 = vector.broadcast %add3A_770 : i32 to vector<16xi32>
      %add3A_772 = arith.addi %add3A_713, %add3A_771 : vector<16xi32>
      %gather3A_773 = tpu.vector_load_idx %arg10[%add3A_772] : memref<16384xf32, #tpu.memory_space<vmem>>[vector<16xi32>], vector<16xf32>,
      %mul3A_774 = arith.mulf %get3A_126, %gather3A_773 : vector<16xf32>
      %add3A_775 = arith.addf %add3A_769, %mul3A_774 : vector<16xf32>
      %add3A_776 = arith.constant 10 : i32
      %add3A_777 = vector.broadcast %add3A_776 : i32 to vector<16xi32>
      %add3A_778 = arith.addi %add3A_713, %add3A_777 : vector<16xi32>
      %gather3A_779 = tpu.vector_load_idx %arg10[%add3A_778] : memref<16384xf32, #tpu.memory_space<vmem>>[vector<16xi32>], vector<16xf32>,
      %mul3A_780 = arith.mulf %get3A_130, %gather3A_779 : vector<16xf32>
      %add3A_781 = arith.addf %add3A_775, %mul3A_780 : vector<16xf32>
      %add3A_782 = arith.constant 11 : i32
      %add3A_783 = vector.broadcast %add3A_782 : i32 to vector<16xi32>
      %add3A_784 = arith.addi %add3A_713, %add3A_783 : vector<16xi32>
      %gather3A_785 = tpu.vector_load_idx %arg10[%add3A_784] : memref<16384xf32, #tpu.memory_space<vmem>>[vector<16xi32>], vector<16xf32>,
      %mul3A_786 = arith.mulf %get3A_134, %gather3A_785 : vector<16xf32>
      %add3A_787 = arith.addf %add3A_781, %mul3A_786 : vector<16xf32>
      %add3A_788 = arith.constant 12 : i32
      %add3A_789 = vector.broadcast %add3A_788 : i32 to vector<16xi32>
      %add3A_790 = arith.addi %add3A_713, %add3A_789 : vector<16xi32>
      %gather3A_791 = tpu.vector_load_idx %arg10[%add3A_790] : memref<16384xf32, #tpu.memory_space<vmem>>[vector<16xi32>], vector<16xf32>,
      %mul3A_792 = arith.mulf %get3A_138, %gather3A_791 : vector<16xf32>
      %add3A_793 = arith.addf %add3A_787, %mul3A_792 : vector<16xf32>
      %add3A_794 = arith.constant 13 : i32
      %add3A_795 = vector.broadcast %add3A_794 : i32 to vector<16xi32>
      %add3A_796 = arith.addi %add3A_713, %add3A_795 : vector<16xi32>
      %gather3A_797 = tpu.vector_load_idx %arg10[%add3A_796] : memref<16384xf32, #tpu.memory_space<vmem>>[vector<16xi32>], vector<16xf32>,
      %mul3A_798 = arith.mulf %get3A_142, %gather3A_797 : vector<16xf32>
      %add3A_799 = arith.addf %add3A_793, %mul3A_798 : vector<16xf32>
      %add3A_800 = arith.constant 14 : i32
      %add3A_801 = vector.broadcast %add3A_800 : i32 to vector<16xi32>
      %add3A_802 = arith.addi %add3A_713, %add3A_801 : vector<16xi32>
      %gather3A_803 = tpu.vector_load_idx %arg10[%add3A_802] : memref<16384xf32, #tpu.memory_space<vmem>>[vector<16xi32>], vector<16xf32>,
      %mul3A_804 = arith.mulf %get3A_146, %gather3A_803 : vector<16xf32>
      %add3A_805 = arith.addf %add3A_799, %mul3A_804 : vector<16xf32>
      %add3A_806 = arith.constant 15 : i32
      %add3A_807 = vector.broadcast %add3A_806 : i32 to vector<16xi32>
      %add3A_808 = arith.addi %add3A_713, %add3A_807 : vector<16xi32>
      %gather3A_809 = tpu.vector_load_idx %arg10[%add3A_808] : memref<16384xf32, #tpu.memory_space<vmem>>[vector<16xi32>], vector<16xf32>,
      %mul3A_810 = arith.mulf %get3A_150, %gather3A_809 : vector<16xf32>
      %add3A_811 = arith.addf %add3A_805, %mul3A_810 : vector<16xf32>
      %mul3A_812 = arith.constant 16 : i32
      %mul3A_813 = arith.muli %scan3A_700, %mul3A_812 : i32
      %add3A_814 = vector.broadcast %mul3A_813 : i32 to vector<16xi32>
      %add3A_815 = arith.addi %add3A_814, %iota3A : vector<16xi32>
      %gt3A = arith.cmpf ogt, %add3A_811, %scan3A_701 : vector<16xf32>
      %select_n3A_816 = arith.select %gt3A, %add3A_811, %scan3A_701 : vector<16xi1>, vector<16xf32>
      %select_n3A_817 = arith.select %gt3A, %add3A_815, %scan3A_702 : vector<16xi1>, vector<16xi32>
      scf.yield %select_n3A_816, %select_n3A_817 : vector<16xf32>, vector<16xi32>
    }
    %scan3A_291 = arith.constant 16 : i32
    %xor3A_292 = arith.constant 8 : i32
    %xor3A_293 = vector.broadcast %xor3A_292 : i32 to vector<16xi32>
    %xor3A_294 = arith.xori %iota3A, %xor3A_293 : vector<16xi32>
    %lt3A_295 = arith.constant 0 : i32
    %lt3A_296 = vector.broadcast %lt3A_295 : i32 to vector<16xi32>
    %lt3A_297 = arith.cmpi slt, %xor3A_294, %lt3A_296 : vector<16xi32>
    %add3A_298 = arith.constant 16 : i32
    %add3A_299 = vector.broadcast %add3A_298 : i32 to vector<16xi32>
    %add3A_300 = arith.addi %xor3A_294, %add3A_299 : vector<16xi32>
    %select_n3A_301 = arith.select %lt3A_297, %add3A_300, %xor3A_294 : vector<16xi1>, vector<16xi32>
    %broadcast_in_dim3A_302 = vector.shape_cast %select_n3A_301 : vector<16xi32> to vector<16x1xi32>
    %gather3A_303 = vector.shape_cast %broadcast_in_dim3A_302 : vector<16x1xi32> to vector<16xi32>
    %gather3A_304 = tpu.dynamic_gather %scan3A_290#0[%gather3A_303] in [0] : vector<16xf32>, vector<16xi32> -> vector<16xf32>
    %max3A_305 = arith.maximumf %scan3A_290#0, %gather3A_304 : vector<16xf32>
    %xor3A_306 = arith.constant 4 : i32
    %xor3A_307 = vector.broadcast %xor3A_306 : i32 to vector<16xi32>
    %xor3A_308 = arith.xori %iota3A, %xor3A_307 : vector<16xi32>
    %lt3A_309 = arith.constant 0 : i32
    %lt3A_310 = vector.broadcast %lt3A_309 : i32 to vector<16xi32>
    %lt3A_311 = arith.cmpi slt, %xor3A_308, %lt3A_310 : vector<16xi32>
    %add3A_312 = arith.constant 16 : i32
    %add3A_313 = vector.broadcast %add3A_312 : i32 to vector<16xi32>
    %add3A_314 = arith.addi %xor3A_308, %add3A_313 : vector<16xi32>
    %select_n3A_315 = arith.select %lt3A_311, %add3A_314, %xor3A_308 : vector<16xi1>, vector<16xi32>
    %broadcast_in_dim3A_316 = vector.shape_cast %select_n3A_315 : vector<16xi32> to vector<16x1xi32>
    %gather3A_317 = vector.shape_cast %broadcast_in_dim3A_316 : vector<16x1xi32> to vector<16xi32>
    %gather3A_318 = tpu.dynamic_gather %max3A_305[%gather3A_317] in [0] : vector<16xf32>, vector<16xi32> -> vector<16xf32>
    %max3A_319 = arith.maximumf %max3A_305, %gather3A_318 : vector<16xf32>
    %xor3A_320 = arith.constant 2 : i32
    %xor3A_321 = vector.broadcast %xor3A_320 : i32 to vector<16xi32>
    %xor3A_322 = arith.xori %iota3A, %xor3A_321 : vector<16xi32>
    %lt3A_323 = arith.constant 0 : i32
    %lt3A_324 = vector.broadcast %lt3A_323 : i32 to vector<16xi32>
    %lt3A_325 = arith.cmpi slt, %xor3A_322, %lt3A_324 : vector<16xi32>
    %add3A_326 = arith.constant 16 : i32
    %add3A_327 = vector.broadcast %add3A_326 : i32 to vector<16xi32>
    %add3A_328 = arith.addi %xor3A_322, %add3A_327 : vector<16xi32>
    %select_n3A_329 = arith.select %lt3A_325, %add3A_328, %xor3A_322 : vector<16xi1>, vector<16xi32>
    %broadcast_in_dim3A_330 = vector.shape_cast %select_n3A_329 : vector<16xi32> to vector<16x1xi32>
    %gather3A_331 = vector.shape_cast %broadcast_in_dim3A_330 : vector<16x1xi32> to vector<16xi32>
    %gather3A_332 = tpu.dynamic_gather %max3A_319[%gather3A_331] in [0] : vector<16xf32>, vector<16xi32> -> vector<16xf32>
    %max3A_333 = arith.maximumf %max3A_319, %gather3A_332 : vector<16xf32>
    %xor3A_334 = arith.constant 1 : i32
    %xor3A_335 = vector.broadcast %xor3A_334 : i32 to vector<16xi32>
    %xor3A_336 = arith.xori %iota3A, %xor3A_335 : vector<16xi32>
    %lt3A_337 = arith.constant 0 : i32
    %lt3A_338 = vector.broadcast %lt3A_337 : i32 to vector<16xi32>
    %lt3A_339 = arith.cmpi slt, %xor3A_336, %lt3A_338 : vector<16xi32>
    %add3A_340 = arith.constant 16 : i32
    %add3A_341 = vector.broadcast %add3A_340 : i32 to vector<16xi32>
    %add3A_342 = arith.addi %xor3A_336, %add3A_341 : vector<16xi32>
    %select_n3A_343 = arith.select %lt3A_339, %add3A_342, %xor3A_336 : vector<16xi1>, vector<16xi32>
    %broadcast_in_dim3A_344 = vector.shape_cast %select_n3A_343 : vector<16xi32> to vector<16x1xi32>
    %gather3A_345 = vector.shape_cast %broadcast_in_dim3A_344 : vector<16x1xi32> to vector<16xi32>
    %gather3A_346 = tpu.dynamic_gather %max3A_333[%gather3A_345] in [0] : vector<16xf32>, vector<16xi32> -> vector<16xf32>
    %max3A_347 = arith.maximumf %max3A_333, %gather3A_346 : vector<16xf32>
    %eq3A_348 = arith.cmpf oeq, %scan3A_290#0, %max3A_347 : vector<16xf32>
    %jit3A_349 = arith.constant 1073741824 : i32
    %broadcast_in_dim3A_350 = vector.broadcast %jit3A_349 : i32 to vector<16xi32>
    %select_n3A_351 = arith.select %eq3A_348, %scan3A_290#1, %broadcast_in_dim3A_350 : vector<16xi1>, vector<16xi32>
    %xor3A_352 = arith.constant 8 : i32
    %xor3A_353 = vector.broadcast %xor3A_352 : i32 to vector<16xi32>
    %xor3A_354 = arith.xori %iota3A, %xor3A_353 : vector<16xi32>
    %lt3A_355 = arith.constant 0 : i32
    %lt3A_356 = vector.broadcast %lt3A_355 : i32 to vector<16xi32>
    %lt3A_357 = arith.cmpi slt, %xor3A_354, %lt3A_356 : vector<16xi32>
    %add3A_358 = arith.constant 16 : i32
    %add3A_359 = vector.broadcast %add3A_358 : i32 to vector<16xi32>
    %add3A_360 = arith.addi %xor3A_354, %add3A_359 : vector<16xi32>
    %select_n3A_361 = arith.select %lt3A_357, %add3A_360, %xor3A_354 : vector<16xi1>, vector<16xi32>
    %broadcast_in_dim3A_362 = vector.shape_cast %select_n3A_361 : vector<16xi32> to vector<16x1xi32>
    %gather3A_363 = vector.shape_cast %broadcast_in_dim3A_362 : vector<16x1xi32> to vector<16xi32>
    %gather3A_364 = tpu.dynamic_gather %select_n3A_351[%gather3A_363] in [0] : vector<16xi32>, vector<16xi32> -> vector<16xi32>
    %min3A_365 = arith.minsi %select_n3A_351, %gather3A_364 : vector<16xi32>
    %xor3A_366 = arith.constant 4 : i32
    %xor3A_367 = vector.broadcast %xor3A_366 : i32 to vector<16xi32>
    %xor3A_368 = arith.xori %iota3A, %xor3A_367 : vector<16xi32>
    %lt3A_369 = arith.constant 0 : i32
    %lt3A_370 = vector.broadcast %lt3A_369 : i32 to vector<16xi32>
    %lt3A_371 = arith.cmpi slt, %xor3A_368, %lt3A_370 : vector<16xi32>
    %add3A_372 = arith.constant 16 : i32
    %add3A_373 = vector.broadcast %add3A_372 : i32 to vector<16xi32>
    %add3A_374 = arith.addi %xor3A_368, %add3A_373 : vector<16xi32>
    %select_n3A_375 = arith.select %lt3A_371, %add3A_374, %xor3A_368 : vector<16xi1>, vector<16xi32>
    %broadcast_in_dim3A_376 = vector.shape_cast %select_n3A_375 : vector<16xi32> to vector<16x1xi32>
    %gather3A_377 = vector.shape_cast %broadcast_in_dim3A_376 : vector<16x1xi32> to vector<16xi32>
    %gather3A_378 = tpu.dynamic_gather %min3A_365[%gather3A_377] in [0] : vector<16xi32>, vector<16xi32> -> vector<16xi32>
    %min3A_379 = arith.minsi %min3A_365, %gather3A_378 : vector<16xi32>
    %xor3A_380 = arith.constant 2 : i32
    %xor3A_381 = vector.broadcast %xor3A_380 : i32 to vector<16xi32>
    %xor3A_382 = arith.xori %iota3A, %xor3A_381 : vector<16xi32>
    %lt3A_383 = arith.constant 0 : i32
    %lt3A_384 = vector.broadcast %lt3A_383 : i32 to vector<16xi32>
    %lt3A_385 = arith.cmpi slt, %xor3A_382, %lt3A_384 : vector<16xi32>
    %add3A_386 = arith.constant 16 : i32
    %add3A_387 = vector.broadcast %add3A_386 : i32 to vector<16xi32>
    %add3A_388 = arith.addi %xor3A_382, %add3A_387 : vector<16xi32>
    %select_n3A_389 = arith.select %lt3A_385, %add3A_388, %xor3A_382 : vector<16xi1>, vector<16xi32>
    %broadcast_in_dim3A_390 = vector.shape_cast %select_n3A_389 : vector<16xi32> to vector<16x1xi32>
    %gather3A_391 = vector.shape_cast %broadcast_in_dim3A_390 : vector<16x1xi32> to vector<16xi32>
    %gather3A_392 = tpu.dynamic_gather %min3A_379[%gather3A_391] in [0] : vector<16xi32>, vector<16xi32> -> vector<16xi32>
    %min3A_393 = arith.minsi %min3A_379, %gather3A_392 : vector<16xi32>
    %xor3A_394 = arith.constant 1 : i32
    %xor3A_395 = vector.broadcast %xor3A_394 : i32 to vector<16xi32>
    %xor3A_396 = arith.xori %iota3A, %xor3A_395 : vector<16xi32>
    %lt3A_397 = arith.constant 0 : i32
    %lt3A_398 = vector.broadcast %lt3A_397 : i32 to vector<16xi32>
    %lt3A_399 = arith.cmpi slt, %xor3A_396, %lt3A_398 : vector<16xi32>
    %add3A_400 = arith.constant 16 : i32
    %add3A_401 = vector.broadcast %add3A_400 : i32 to vector<16xi32>
    %add3A_402 = arith.addi %xor3A_396, %add3A_401 : vector<16xi32>
    %select_n3A_403 = arith.select %lt3A_399, %add3A_402, %xor3A_396 : vector<16xi1>, vector<16xi32>
    %broadcast_in_dim3A_404 = vector.shape_cast %select_n3A_403 : vector<16xi32> to vector<16x1xi32>
    %gather3A_405 = vector.shape_cast %broadcast_in_dim3A_404 : vector<16x1xi32> to vector<16xi32>
    %gather3A_406 = tpu.dynamic_gather %min3A_393[%gather3A_405] in [0] : vector<16xi32>, vector<16xi32> -> vector<16xi32>
    %min3A_407 = arith.minsi %min3A_393, %gather3A_406 : vector<16xi32>
    %add3A_408 = arith.constant 1 : i32
    %add3A_409 = arith.addi %min3A_1, %add3A_408 : i32
    %mul3A_410 = arith.constant 256 : i32
    %mul3A_411 = arith.muli %add3A_409, %mul3A_410 : i32
    %add3A_412 = vector.broadcast %mul3A_411 : i32 to vector<16xi32>
    %add3A_413 = arith.addi %min3A_407, %add3A_412 : vector<16xi32>
    %broadcast_in_dim3A_414 = arith.constant 0xFF800000 : f32
    %broadcast_in_dim3A_415 = vector.broadcast %broadcast_in_dim3A_414 : f32 to vector<16xf32>
    %broadcast_in_dim3A_416 = arith.constant 0 : i32
    %broadcast_in_dim3A_417 = vector.broadcast %broadcast_in_dim3A_416 : i32 to vector<16xi32>
    %scan3A_418 = arith.constant 0 : i32
    %scan3A_419 = arith.constant 16 : i32
    %scan3A_420 = arith.addi %scan3A_418, %scan3A_419 : i32
    %scan3A_421 = arith.constant 1 : i32
    %scan3A_422:2 = scf.for %scan3A_700 = %scan3A_418 to %scan3A_420 step %scan3A_421 iter_args(%scan3A_701 = %broadcast_in_dim3A_415, %scan3A_702 = %broadcast_in_dim3A_417) -> (vector<16xf32>, vector<16xi32>)  : i32 {
      %mul3A_703 = arith.constant 16 : i32
      %mul3A_704 = arith.muli %scan3A_700, %mul3A_703 : i32
      %add3A_705 = arith.constant 512 : i32
      %add3A_706 = arith.addi %add3A_705, %mul3A_704 : i32
      %mul3A_707 = arith.constant 16 : i32
      %mul3A_708 = arith.muli %add3A_706, %mul3A_707 : i32
      %mul3A_709 = arith.constant 16 : i32
      %mul3A_710 = vector.broadcast %mul3A_709 : i32 to vector<16xi32>
      %mul3A_711 = arith.muli %iota3A, %mul3A_710 : vector<16xi32>
      %add3A_712 = vector.broadcast %mul3A_708 : i32 to vector<16xi32>
      %add3A_713 = arith.addi %add3A_712, %mul3A_711 : vector<16xi32>
      %broadcast_in_dim3A_714 = arith.constant 0.000000e+00 : f32
      %broadcast_in_dim3A_715 = vector.broadcast %broadcast_in_dim3A_714 : f32 to vector<16xf32>
      %add3A_716 = arith.constant 0 : i32
      %add3A_717 = vector.broadcast %add3A_716 : i32 to vector<16xi32>
      %add3A_718 = arith.addi %add3A_713, %add3A_717 : vector<16xi32>
      %gather3A_719 = tpu.vector_load_idx %arg10[%add3A_718] : memref<16384xf32, #tpu.memory_space<vmem>>[vector<16xi32>], vector<16xf32>,
      %mul3A_720 = arith.mulf %get3A_90, %gather3A_719 : vector<16xf32>
      %add3A_721 = arith.addf %broadcast_in_dim3A_715, %mul3A_720 : vector<16xf32>
      %add3A_722 = arith.constant 1 : i32
      %add3A_723 = vector.broadcast %add3A_722 : i32 to vector<16xi32>
      %add3A_724 = arith.addi %add3A_713, %add3A_723 : vector<16xi32>
      %gather3A_725 = tpu.vector_load_idx %arg10[%add3A_724] : memref<16384xf32, #tpu.memory_space<vmem>>[vector<16xi32>], vector<16xf32>,
      %mul3A_726 = arith.mulf %get3A_94, %gather3A_725 : vector<16xf32>
      %add3A_727 = arith.addf %add3A_721, %mul3A_726 : vector<16xf32>
      %add3A_728 = arith.constant 2 : i32
      %add3A_729 = vector.broadcast %add3A_728 : i32 to vector<16xi32>
      %add3A_730 = arith.addi %add3A_713, %add3A_729 : vector<16xi32>
      %gather3A_731 = tpu.vector_load_idx %arg10[%add3A_730] : memref<16384xf32, #tpu.memory_space<vmem>>[vector<16xi32>], vector<16xf32>,
      %mul3A_732 = arith.mulf %get3A_98, %gather3A_731 : vector<16xf32>
      %add3A_733 = arith.addf %add3A_727, %mul3A_732 : vector<16xf32>
      %add3A_734 = arith.constant 3 : i32
      %add3A_735 = vector.broadcast %add3A_734 : i32 to vector<16xi32>
      %add3A_736 = arith.addi %add3A_713, %add3A_735 : vector<16xi32>
      %gather3A_737 = tpu.vector_load_idx %arg10[%add3A_736] : memref<16384xf32, #tpu.memory_space<vmem>>[vector<16xi32>], vector<16xf32>,
      %mul3A_738 = arith.mulf %get3A_102, %gather3A_737 : vector<16xf32>
      %add3A_739 = arith.addf %add3A_733, %mul3A_738 : vector<16xf32>
      %add3A_740 = arith.constant 4 : i32
      %add3A_741 = vector.broadcast %add3A_740 : i32 to vector<16xi32>
      %add3A_742 = arith.addi %add3A_713, %add3A_741 : vector<16xi32>
      %gather3A_743 = tpu.vector_load_idx %arg10[%add3A_742] : memref<16384xf32, #tpu.memory_space<vmem>>[vector<16xi32>], vector<16xf32>,
      %mul3A_744 = arith.mulf %get3A_106, %gather3A_743 : vector<16xf32>
      %add3A_745 = arith.addf %add3A_739, %mul3A_744 : vector<16xf32>
      %add3A_746 = arith.constant 5 : i32
      %add3A_747 = vector.broadcast %add3A_746 : i32 to vector<16xi32>
      %add3A_748 = arith.addi %add3A_713, %add3A_747 : vector<16xi32>
      %gather3A_749 = tpu.vector_load_idx %arg10[%add3A_748] : memref<16384xf32, #tpu.memory_space<vmem>>[vector<16xi32>], vector<16xf32>,
      %mul3A_750 = arith.mulf %get3A_110, %gather3A_749 : vector<16xf32>
      %add3A_751 = arith.addf %add3A_745, %mul3A_750 : vector<16xf32>
      %add3A_752 = arith.constant 6 : i32
      %add3A_753 = vector.broadcast %add3A_752 : i32 to vector<16xi32>
      %add3A_754 = arith.addi %add3A_713, %add3A_753 : vector<16xi32>
      %gather3A_755 = tpu.vector_load_idx %arg10[%add3A_754] : memref<16384xf32, #tpu.memory_space<vmem>>[vector<16xi32>], vector<16xf32>,
      %mul3A_756 = arith.mulf %get3A_114, %gather3A_755 : vector<16xf32>
      %add3A_757 = arith.addf %add3A_751, %mul3A_756 : vector<16xf32>
      %add3A_758 = arith.constant 7 : i32
      %add3A_759 = vector.broadcast %add3A_758 : i32 to vector<16xi32>
      %add3A_760 = arith.addi %add3A_713, %add3A_759 : vector<16xi32>
      %gather3A_761 = tpu.vector_load_idx %arg10[%add3A_760] : memref<16384xf32, #tpu.memory_space<vmem>>[vector<16xi32>], vector<16xf32>,
      %mul3A_762 = arith.mulf %get3A_118, %gather3A_761 : vector<16xf32>
      %add3A_763 = arith.addf %add3A_757, %mul3A_762 : vector<16xf32>
      %add3A_764 = arith.constant 8 : i32
      %add3A_765 = vector.broadcast %add3A_764 : i32 to vector<16xi32>
      %add3A_766 = arith.addi %add3A_713, %add3A_765 : vector<16xi32>
      %gather3A_767 = tpu.vector_load_idx %arg10[%add3A_766] : memref<16384xf32, #tpu.memory_space<vmem>>[vector<16xi32>], vector<16xf32>,
      %mul3A_768 = arith.mulf %get3A_122, %gather3A_767 : vector<16xf32>
      %add3A_769 = arith.addf %add3A_763, %mul3A_768 : vector<16xf32>
      %add3A_770 = arith.constant 9 : i32
      %add3A_771 = vector.broadcast %add3A_770 : i32 to vector<16xi32>
      %add3A_772 = arith.addi %add3A_713, %add3A_771 : vector<16xi32>
      %gather3A_773 = tpu.vector_load_idx %arg10[%add3A_772] : memref<16384xf32, #tpu.memory_space<vmem>>[vector<16xi32>], vector<16xf32>,
      %mul3A_774 = arith.mulf %get3A_126, %gather3A_773 : vector<16xf32>
      %add3A_775 = arith.addf %add3A_769, %mul3A_774 : vector<16xf32>
      %add3A_776 = arith.constant 10 : i32
      %add3A_777 = vector.broadcast %add3A_776 : i32 to vector<16xi32>
      %add3A_778 = arith.addi %add3A_713, %add3A_777 : vector<16xi32>
      %gather3A_779 = tpu.vector_load_idx %arg10[%add3A_778] : memref<16384xf32, #tpu.memory_space<vmem>>[vector<16xi32>], vector<16xf32>,
      %mul3A_780 = arith.mulf %get3A_130, %gather3A_779 : vector<16xf32>
      %add3A_781 = arith.addf %add3A_775, %mul3A_780 : vector<16xf32>
      %add3A_782 = arith.constant 11 : i32
      %add3A_783 = vector.broadcast %add3A_782 : i32 to vector<16xi32>
      %add3A_784 = arith.addi %add3A_713, %add3A_783 : vector<16xi32>
      %gather3A_785 = tpu.vector_load_idx %arg10[%add3A_784] : memref<16384xf32, #tpu.memory_space<vmem>>[vector<16xi32>], vector<16xf32>,
      %mul3A_786 = arith.mulf %get3A_134, %gather3A_785 : vector<16xf32>
      %add3A_787 = arith.addf %add3A_781, %mul3A_786 : vector<16xf32>
      %add3A_788 = arith.constant 12 : i32
      %add3A_789 = vector.broadcast %add3A_788 : i32 to vector<16xi32>
      %add3A_790 = arith.addi %add3A_713, %add3A_789 : vector<16xi32>
      %gather3A_791 = tpu.vector_load_idx %arg10[%add3A_790] : memref<16384xf32, #tpu.memory_space<vmem>>[vector<16xi32>], vector<16xf32>,
      %mul3A_792 = arith.mulf %get3A_138, %gather3A_791 : vector<16xf32>
      %add3A_793 = arith.addf %add3A_787, %mul3A_792 : vector<16xf32>
      %add3A_794 = arith.constant 13 : i32
      %add3A_795 = vector.broadcast %add3A_794 : i32 to vector<16xi32>
      %add3A_796 = arith.addi %add3A_713, %add3A_795 : vector<16xi32>
      %gather3A_797 = tpu.vector_load_idx %arg10[%add3A_796] : memref<16384xf32, #tpu.memory_space<vmem>>[vector<16xi32>], vector<16xf32>,
      %mul3A_798 = arith.mulf %get3A_142, %gather3A_797 : vector<16xf32>
      %add3A_799 = arith.addf %add3A_793, %mul3A_798 : vector<16xf32>
      %add3A_800 = arith.constant 14 : i32
      %add3A_801 = vector.broadcast %add3A_800 : i32 to vector<16xi32>
      %add3A_802 = arith.addi %add3A_713, %add3A_801 : vector<16xi32>
      %gather3A_803 = tpu.vector_load_idx %arg10[%add3A_802] : memref<16384xf32, #tpu.memory_space<vmem>>[vector<16xi32>], vector<16xf32>,
      %mul3A_804 = arith.mulf %get3A_146, %gather3A_803 : vector<16xf32>
      %add3A_805 = arith.addf %add3A_799, %mul3A_804 : vector<16xf32>
      %add3A_806 = arith.constant 15 : i32
      %add3A_807 = vector.broadcast %add3A_806 : i32 to vector<16xi32>
      %add3A_808 = arith.addi %add3A_713, %add3A_807 : vector<16xi32>
      %gather3A_809 = tpu.vector_load_idx %arg10[%add3A_808] : memref<16384xf32, #tpu.memory_space<vmem>>[vector<16xi32>], vector<16xf32>,
      %mul3A_810 = arith.mulf %get3A_150, %gather3A_809 : vector<16xf32>
      %add3A_811 = arith.addf %add3A_805, %mul3A_810 : vector<16xf32>
      %mul3A_812 = arith.constant 16 : i32
      %mul3A_813 = arith.muli %scan3A_700, %mul3A_812 : i32
      %add3A_814 = vector.broadcast %mul3A_813 : i32 to vector<16xi32>
      %add3A_815 = arith.addi %add3A_814, %iota3A : vector<16xi32>
      %gt3A = arith.cmpf ogt, %add3A_811, %scan3A_701 : vector<16xf32>
      %select_n3A_816 = arith.select %gt3A, %add3A_811, %scan3A_701 : vector<16xi1>, vector<16xf32>
      %select_n3A_817 = arith.select %gt3A, %add3A_815, %scan3A_702 : vector<16xi1>, vector<16xi32>
      scf.yield %select_n3A_816, %select_n3A_817 : vector<16xf32>, vector<16xi32>
    }
    %scan3A_423 = arith.constant 16 : i32
    %xor3A_424 = arith.constant 8 : i32
    %xor3A_425 = vector.broadcast %xor3A_424 : i32 to vector<16xi32>
    %xor3A_426 = arith.xori %iota3A, %xor3A_425 : vector<16xi32>
    %lt3A_427 = arith.constant 0 : i32
    %lt3A_428 = vector.broadcast %lt3A_427 : i32 to vector<16xi32>
    %lt3A_429 = arith.cmpi slt, %xor3A_426, %lt3A_428 : vector<16xi32>
    %add3A_430 = arith.constant 16 : i32
    %add3A_431 = vector.broadcast %add3A_430 : i32 to vector<16xi32>
    %add3A_432 = arith.addi %xor3A_426, %add3A_431 : vector<16xi32>
    %select_n3A_433 = arith.select %lt3A_429, %add3A_432, %xor3A_426 : vector<16xi1>, vector<16xi32>
    %broadcast_in_dim3A_434 = vector.shape_cast %select_n3A_433 : vector<16xi32> to vector<16x1xi32>
    %gather3A_435 = vector.shape_cast %broadcast_in_dim3A_434 : vector<16x1xi32> to vector<16xi32>
    %gather3A_436 = tpu.dynamic_gather %scan3A_422#0[%gather3A_435] in [0] : vector<16xf32>, vector<16xi32> -> vector<16xf32>
    %max3A_437 = arith.maximumf %scan3A_422#0, %gather3A_436 : vector<16xf32>
    %xor3A_438 = arith.constant 4 : i32
    %xor3A_439 = vector.broadcast %xor3A_438 : i32 to vector<16xi32>
    %xor3A_440 = arith.xori %iota3A, %xor3A_439 : vector<16xi32>
    %lt3A_441 = arith.constant 0 : i32
    %lt3A_442 = vector.broadcast %lt3A_441 : i32 to vector<16xi32>
    %lt3A_443 = arith.cmpi slt, %xor3A_440, %lt3A_442 : vector<16xi32>
    %add3A_444 = arith.constant 16 : i32
    %add3A_445 = vector.broadcast %add3A_444 : i32 to vector<16xi32>
    %add3A_446 = arith.addi %xor3A_440, %add3A_445 : vector<16xi32>
    %select_n3A_447 = arith.select %lt3A_443, %add3A_446, %xor3A_440 : vector<16xi1>, vector<16xi32>
    %broadcast_in_dim3A_448 = vector.shape_cast %select_n3A_447 : vector<16xi32> to vector<16x1xi32>
    %gather3A_449 = vector.shape_cast %broadcast_in_dim3A_448 : vector<16x1xi32> to vector<16xi32>
    %gather3A_450 = tpu.dynamic_gather %max3A_437[%gather3A_449] in [0] : vector<16xf32>, vector<16xi32> -> vector<16xf32>
    %max3A_451 = arith.maximumf %max3A_437, %gather3A_450 : vector<16xf32>
    %xor3A_452 = arith.constant 2 : i32
    %xor3A_453 = vector.broadcast %xor3A_452 : i32 to vector<16xi32>
    %xor3A_454 = arith.xori %iota3A, %xor3A_453 : vector<16xi32>
    %lt3A_455 = arith.constant 0 : i32
    %lt3A_456 = vector.broadcast %lt3A_455 : i32 to vector<16xi32>
    %lt3A_457 = arith.cmpi slt, %xor3A_454, %lt3A_456 : vector<16xi32>
    %add3A_458 = arith.constant 16 : i32
    %add3A_459 = vector.broadcast %add3A_458 : i32 to vector<16xi32>
    %add3A_460 = arith.addi %xor3A_454, %add3A_459 : vector<16xi32>
    %select_n3A_461 = arith.select %lt3A_457, %add3A_460, %xor3A_454 : vector<16xi1>, vector<16xi32>
    %broadcast_in_dim3A_462 = vector.shape_cast %select_n3A_461 : vector<16xi32> to vector<16x1xi32>
    %gather3A_463 = vector.shape_cast %broadcast_in_dim3A_462 : vector<16x1xi32> to vector<16xi32>
    %gather3A_464 = tpu.dynamic_gather %max3A_451[%gather3A_463] in [0] : vector<16xf32>, vector<16xi32> -> vector<16xf32>
    %max3A_465 = arith.maximumf %max3A_451, %gather3A_464 : vector<16xf32>
    %xor3A_466 = arith.constant 1 : i32
    %xor3A_467 = vector.broadcast %xor3A_466 : i32 to vector<16xi32>
    %xor3A_468 = arith.xori %iota3A, %xor3A_467 : vector<16xi32>
    %lt3A_469 = arith.constant 0 : i32
    %lt3A_470 = vector.broadcast %lt3A_469 : i32 to vector<16xi32>
    %lt3A_471 = arith.cmpi slt, %xor3A_468, %lt3A_470 : vector<16xi32>
    %add3A_472 = arith.constant 16 : i32
    %add3A_473 = vector.broadcast %add3A_472 : i32 to vector<16xi32>
    %add3A_474 = arith.addi %xor3A_468, %add3A_473 : vector<16xi32>
    %select_n3A_475 = arith.select %lt3A_471, %add3A_474, %xor3A_468 : vector<16xi1>, vector<16xi32>
    %broadcast_in_dim3A_476 = vector.shape_cast %select_n3A_475 : vector<16xi32> to vector<16x1xi32>
    %gather3A_477 = vector.shape_cast %broadcast_in_dim3A_476 : vector<16x1xi32> to vector<16xi32>
    %gather3A_478 = tpu.dynamic_gather %max3A_465[%gather3A_477] in [0] : vector<16xf32>, vector<16xi32> -> vector<16xf32>
    %max3A_479 = arith.maximumf %max3A_465, %gather3A_478 : vector<16xf32>
    %eq3A_480 = arith.cmpf oeq, %scan3A_422#0, %max3A_479 : vector<16xf32>
    %jit3A_481 = arith.constant 1073741824 : i32
    %broadcast_in_dim3A_482 = vector.broadcast %jit3A_481 : i32 to vector<16xi32>
    %select_n3A_483 = arith.select %eq3A_480, %scan3A_422#1, %broadcast_in_dim3A_482 : vector<16xi1>, vector<16xi32>
    %xor3A_484 = arith.constant 8 : i32
    %xor3A_485 = vector.broadcast %xor3A_484 : i32 to vector<16xi32>
    %xor3A_486 = arith.xori %iota3A, %xor3A_485 : vector<16xi32>
    %lt3A_487 = arith.constant 0 : i32
    %lt3A_488 = vector.broadcast %lt3A_487 : i32 to vector<16xi32>
    %lt3A_489 = arith.cmpi slt, %xor3A_486, %lt3A_488 : vector<16xi32>
    %add3A_490 = arith.constant 16 : i32
    %add3A_491 = vector.broadcast %add3A_490 : i32 to vector<16xi32>
    %add3A_492 = arith.addi %xor3A_486, %add3A_491 : vector<16xi32>
    %select_n3A_493 = arith.select %lt3A_489, %add3A_492, %xor3A_486 : vector<16xi1>, vector<16xi32>
    %broadcast_in_dim3A_494 = vector.shape_cast %select_n3A_493 : vector<16xi32> to vector<16x1xi32>
    %gather3A_495 = vector.shape_cast %broadcast_in_dim3A_494 : vector<16x1xi32> to vector<16xi32>
    %gather3A_496 = tpu.dynamic_gather %select_n3A_483[%gather3A_495] in [0] : vector<16xi32>, vector<16xi32> -> vector<16xi32>
    %min3A_497 = arith.minsi %select_n3A_483, %gather3A_496 : vector<16xi32>
    %xor3A_498 = arith.constant 4 : i32
    %xor3A_499 = vector.broadcast %xor3A_498 : i32 to vector<16xi32>
    %xor3A_500 = arith.xori %iota3A, %xor3A_499 : vector<16xi32>
    %lt3A_501 = arith.constant 0 : i32
    %lt3A_502 = vector.broadcast %lt3A_501 : i32 to vector<16xi32>
    %lt3A_503 = arith.cmpi slt, %xor3A_500, %lt3A_502 : vector<16xi32>
    %add3A_504 = arith.constant 16 : i32
    %add3A_505 = vector.broadcast %add3A_504 : i32 to vector<16xi32>
    %add3A_506 = arith.addi %xor3A_500, %add3A_505 : vector<16xi32>
    %select_n3A_507 = arith.select %lt3A_503, %add3A_506, %xor3A_500 : vector<16xi1>, vector<16xi32>
    %broadcast_in_dim3A_508 = vector.shape_cast %select_n3A_507 : vector<16xi32> to vector<16x1xi32>
    %gather3A_509 = vector.shape_cast %broadcast_in_dim3A_508 : vector<16x1xi32> to vector<16xi32>
    %gather3A_510 = tpu.dynamic_gather %min3A_497[%gather3A_509] in [0] : vector<16xi32>, vector<16xi32> -> vector<16xi32>
    %min3A_511 = arith.minsi %min3A_497, %gather3A_510 : vector<16xi32>
    %xor3A_512 = arith.constant 2 : i32
    %xor3A_513 = vector.broadcast %xor3A_512 : i32 to vector<16xi32>
    %xor3A_514 = arith.xori %iota3A, %xor3A_513 : vector<16xi32>
    %lt3A_515 = arith.constant 0 : i32
    %lt3A_516 = vector.broadcast %lt3A_515 : i32 to vector<16xi32>
    %lt3A_517 = arith.cmpi slt, %xor3A_514, %lt3A_516 : vector<16xi32>
    %add3A_518 = arith.constant 16 : i32
    %add3A_519 = vector.broadcast %add3A_518 : i32 to vector<16xi32>
    %add3A_520 = arith.addi %xor3A_514, %add3A_519 : vector<16xi32>
    %select_n3A_521 = arith.select %lt3A_517, %add3A_520, %xor3A_514 : vector<16xi1>, vector<16xi32>
    %broadcast_in_dim3A_522 = vector.shape_cast %select_n3A_521 : vector<16xi32> to vector<16x1xi32>
    %gather3A_523 = vector.shape_cast %broadcast_in_dim3A_522 : vector<16x1xi32> to vector<16xi32>
    %gather3A_524 = tpu.dynamic_gather %min3A_511[%gather3A_523] in [0] : vector<16xi32>, vector<16xi32> -> vector<16xi32>
    %min3A_525 = arith.minsi %min3A_511, %gather3A_524 : vector<16xi32>
    %xor3A_526 = arith.constant 1 : i32
    %xor3A_527 = vector.broadcast %xor3A_526 : i32 to vector<16xi32>
    %xor3A_528 = arith.xori %iota3A, %xor3A_527 : vector<16xi32>
    %lt3A_529 = arith.constant 0 : i32
    %lt3A_530 = vector.broadcast %lt3A_529 : i32 to vector<16xi32>
    %lt3A_531 = arith.cmpi slt, %xor3A_528, %lt3A_530 : vector<16xi32>
    %add3A_532 = arith.constant 16 : i32
    %add3A_533 = vector.broadcast %add3A_532 : i32 to vector<16xi32>
    %add3A_534 = arith.addi %xor3A_528, %add3A_533 : vector<16xi32>
    %select_n3A_535 = arith.select %lt3A_531, %add3A_534, %xor3A_528 : vector<16xi1>, vector<16xi32>
    %broadcast_in_dim3A_536 = vector.shape_cast %select_n3A_535 : vector<16xi32> to vector<16x1xi32>
    %gather3A_537 = vector.shape_cast %broadcast_in_dim3A_536 : vector<16x1xi32> to vector<16xi32>
    %gather3A_538 = tpu.dynamic_gather %min3A_525[%gather3A_537] in [0] : vector<16xi32>, vector<16xi32> -> vector<16xi32>
    %min3A_539 = arith.minsi %min3A_525, %gather3A_538 : vector<16xi32>
    %add3A_540 = arith.constant 2 : i32
    %add3A_541 = arith.addi %min3A_1, %add3A_540 : i32
    %mul3A_542 = arith.constant 256 : i32
    %mul3A_543 = arith.muli %add3A_541, %mul3A_542 : i32
    %add3A_544 = vector.broadcast %mul3A_543 : i32 to vector<16xi32>
    %add3A_545 = arith.addi %min3A_539, %add3A_544 : vector<16xi32>
    %broadcast_in_dim3A_546 = arith.constant 0xFF800000 : f32
    %broadcast_in_dim3A_547 = vector.broadcast %broadcast_in_dim3A_546 : f32 to vector<16xf32>
    %broadcast_in_dim3A_548 = arith.constant 0 : i32
    %broadcast_in_dim3A_549 = vector.broadcast %broadcast_in_dim3A_548 : i32 to vector<16xi32>
    %scan3A_550 = arith.constant 0 : i32
    %scan3A_551 = arith.constant 16 : i32
    %scan3A_552 = arith.addi %scan3A_550, %scan3A_551 : i32
    %scan3A_553 = arith.constant 1 : i32
    %scan3A_554:2 = scf.for %scan3A_700 = %scan3A_550 to %scan3A_552 step %scan3A_553 iter_args(%scan3A_701 = %broadcast_in_dim3A_547, %scan3A_702 = %broadcast_in_dim3A_549) -> (vector<16xf32>, vector<16xi32>)  : i32 {
      %mul3A_703 = arith.constant 16 : i32
      %mul3A_704 = arith.muli %scan3A_700, %mul3A_703 : i32
      %add3A_705 = arith.constant 768 : i32
      %add3A_706 = arith.addi %add3A_705, %mul3A_704 : i32
      %mul3A_707 = arith.constant 16 : i32
      %mul3A_708 = arith.muli %add3A_706, %mul3A_707 : i32
      %mul3A_709 = arith.constant 16 : i32
      %mul3A_710 = vector.broadcast %mul3A_709 : i32 to vector<16xi32>
      %mul3A_711 = arith.muli %iota3A, %mul3A_710 : vector<16xi32>
      %add3A_712 = vector.broadcast %mul3A_708 : i32 to vector<16xi32>
      %add3A_713 = arith.addi %add3A_712, %mul3A_711 : vector<16xi32>
      %broadcast_in_dim3A_714 = arith.constant 0.000000e+00 : f32
      %broadcast_in_dim3A_715 = vector.broadcast %broadcast_in_dim3A_714 : f32 to vector<16xf32>
      %add3A_716 = arith.constant 0 : i32
      %add3A_717 = vector.broadcast %add3A_716 : i32 to vector<16xi32>
      %add3A_718 = arith.addi %add3A_713, %add3A_717 : vector<16xi32>
      %gather3A_719 = tpu.vector_load_idx %arg10[%add3A_718] : memref<16384xf32, #tpu.memory_space<vmem>>[vector<16xi32>], vector<16xf32>,
      %mul3A_720 = arith.mulf %get3A_90, %gather3A_719 : vector<16xf32>
      %add3A_721 = arith.addf %broadcast_in_dim3A_715, %mul3A_720 : vector<16xf32>
      %add3A_722 = arith.constant 1 : i32
      %add3A_723 = vector.broadcast %add3A_722 : i32 to vector<16xi32>
      %add3A_724 = arith.addi %add3A_713, %add3A_723 : vector<16xi32>
      %gather3A_725 = tpu.vector_load_idx %arg10[%add3A_724] : memref<16384xf32, #tpu.memory_space<vmem>>[vector<16xi32>], vector<16xf32>,
      %mul3A_726 = arith.mulf %get3A_94, %gather3A_725 : vector<16xf32>
      %add3A_727 = arith.addf %add3A_721, %mul3A_726 : vector<16xf32>
      %add3A_728 = arith.constant 2 : i32
      %add3A_729 = vector.broadcast %add3A_728 : i32 to vector<16xi32>
      %add3A_730 = arith.addi %add3A_713, %add3A_729 : vector<16xi32>
      %gather3A_731 = tpu.vector_load_idx %arg10[%add3A_730] : memref<16384xf32, #tpu.memory_space<vmem>>[vector<16xi32>], vector<16xf32>,
      %mul3A_732 = arith.mulf %get3A_98, %gather3A_731 : vector<16xf32>
      %add3A_733 = arith.addf %add3A_727, %mul3A_732 : vector<16xf32>
      %add3A_734 = arith.constant 3 : i32
      %add3A_735 = vector.broadcast %add3A_734 : i32 to vector<16xi32>
      %add3A_736 = arith.addi %add3A_713, %add3A_735 : vector<16xi32>
      %gather3A_737 = tpu.vector_load_idx %arg10[%add3A_736] : memref<16384xf32, #tpu.memory_space<vmem>>[vector<16xi32>], vector<16xf32>,
      %mul3A_738 = arith.mulf %get3A_102, %gather3A_737 : vector<16xf32>
      %add3A_739 = arith.addf %add3A_733, %mul3A_738 : vector<16xf32>
      %add3A_740 = arith.constant 4 : i32
      %add3A_741 = vector.broadcast %add3A_740 : i32 to vector<16xi32>
      %add3A_742 = arith.addi %add3A_713, %add3A_741 : vector<16xi32>
      %gather3A_743 = tpu.vector_load_idx %arg10[%add3A_742] : memref<16384xf32, #tpu.memory_space<vmem>>[vector<16xi32>], vector<16xf32>,
      %mul3A_744 = arith.mulf %get3A_106, %gather3A_743 : vector<16xf32>
      %add3A_745 = arith.addf %add3A_739, %mul3A_744 : vector<16xf32>
      %add3A_746 = arith.constant 5 : i32
      %add3A_747 = vector.broadcast %add3A_746 : i32 to vector<16xi32>
      %add3A_748 = arith.addi %add3A_713, %add3A_747 : vector<16xi32>
      %gather3A_749 = tpu.vector_load_idx %arg10[%add3A_748] : memref<16384xf32, #tpu.memory_space<vmem>>[vector<16xi32>], vector<16xf32>,
      %mul3A_750 = arith.mulf %get3A_110, %gather3A_749 : vector<16xf32>
      %add3A_751 = arith.addf %add3A_745, %mul3A_750 : vector<16xf32>
      %add3A_752 = arith.constant 6 : i32
      %add3A_753 = vector.broadcast %add3A_752 : i32 to vector<16xi32>
      %add3A_754 = arith.addi %add3A_713, %add3A_753 : vector<16xi32>
      %gather3A_755 = tpu.vector_load_idx %arg10[%add3A_754] : memref<16384xf32, #tpu.memory_space<vmem>>[vector<16xi32>], vector<16xf32>,
      %mul3A_756 = arith.mulf %get3A_114, %gather3A_755 : vector<16xf32>
      %add3A_757 = arith.addf %add3A_751, %mul3A_756 : vector<16xf32>
      %add3A_758 = arith.constant 7 : i32
      %add3A_759 = vector.broadcast %add3A_758 : i32 to vector<16xi32>
      %add3A_760 = arith.addi %add3A_713, %add3A_759 : vector<16xi32>
      %gather3A_761 = tpu.vector_load_idx %arg10[%add3A_760] : memref<16384xf32, #tpu.memory_space<vmem>>[vector<16xi32>], vector<16xf32>,
      %mul3A_762 = arith.mulf %get3A_118, %gather3A_761 : vector<16xf32>
      %add3A_763 = arith.addf %add3A_757, %mul3A_762 : vector<16xf32>
      %add3A_764 = arith.constant 8 : i32
      %add3A_765 = vector.broadcast %add3A_764 : i32 to vector<16xi32>
      %add3A_766 = arith.addi %add3A_713, %add3A_765 : vector<16xi32>
      %gather3A_767 = tpu.vector_load_idx %arg10[%add3A_766] : memref<16384xf32, #tpu.memory_space<vmem>>[vector<16xi32>], vector<16xf32>,
      %mul3A_768 = arith.mulf %get3A_122, %gather3A_767 : vector<16xf32>
      %add3A_769 = arith.addf %add3A_763, %mul3A_768 : vector<16xf32>
      %add3A_770 = arith.constant 9 : i32
      %add3A_771 = vector.broadcast %add3A_770 : i32 to vector<16xi32>
      %add3A_772 = arith.addi %add3A_713, %add3A_771 : vector<16xi32>
      %gather3A_773 = tpu.vector_load_idx %arg10[%add3A_772] : memref<16384xf32, #tpu.memory_space<vmem>>[vector<16xi32>], vector<16xf32>,
      %mul3A_774 = arith.mulf %get3A_126, %gather3A_773 : vector<16xf32>
      %add3A_775 = arith.addf %add3A_769, %mul3A_774 : vector<16xf32>
      %add3A_776 = arith.constant 10 : i32
      %add3A_777 = vector.broadcast %add3A_776 : i32 to vector<16xi32>
      %add3A_778 = arith.addi %add3A_713, %add3A_777 : vector<16xi32>
      %gather3A_779 = tpu.vector_load_idx %arg10[%add3A_778] : memref<16384xf32, #tpu.memory_space<vmem>>[vector<16xi32>], vector<16xf32>,
      %mul3A_780 = arith.mulf %get3A_130, %gather3A_779 : vector<16xf32>
      %add3A_781 = arith.addf %add3A_775, %mul3A_780 : vector<16xf32>
      %add3A_782 = arith.constant 11 : i32
      %add3A_783 = vector.broadcast %add3A_782 : i32 to vector<16xi32>
      %add3A_784 = arith.addi %add3A_713, %add3A_783 : vector<16xi32>
      %gather3A_785 = tpu.vector_load_idx %arg10[%add3A_784] : memref<16384xf32, #tpu.memory_space<vmem>>[vector<16xi32>], vector<16xf32>,
      %mul3A_786 = arith.mulf %get3A_134, %gather3A_785 : vector<16xf32>
      %add3A_787 = arith.addf %add3A_781, %mul3A_786 : vector<16xf32>
      %add3A_788 = arith.constant 12 : i32
      %add3A_789 = vector.broadcast %add3A_788 : i32 to vector<16xi32>
      %add3A_790 = arith.addi %add3A_713, %add3A_789 : vector<16xi32>
      %gather3A_791 = tpu.vector_load_idx %arg10[%add3A_790] : memref<16384xf32, #tpu.memory_space<vmem>>[vector<16xi32>], vector<16xf32>,
      %mul3A_792 = arith.mulf %get3A_138, %gather3A_791 : vector<16xf32>
      %add3A_793 = arith.addf %add3A_787, %mul3A_792 : vector<16xf32>
      %add3A_794 = arith.constant 13 : i32
      %add3A_795 = vector.broadcast %add3A_794 : i32 to vector<16xi32>
      %add3A_796 = arith.addi %add3A_713, %add3A_795 : vector<16xi32>
      %gather3A_797 = tpu.vector_load_idx %arg10[%add3A_796] : memref<16384xf32, #tpu.memory_space<vmem>>[vector<16xi32>], vector<16xf32>,
      %mul3A_798 = arith.mulf %get3A_142, %gather3A_797 : vector<16xf32>
      %add3A_799 = arith.addf %add3A_793, %mul3A_798 : vector<16xf32>
      %add3A_800 = arith.constant 14 : i32
      %add3A_801 = vector.broadcast %add3A_800 : i32 to vector<16xi32>
      %add3A_802 = arith.addi %add3A_713, %add3A_801 : vector<16xi32>
      %gather3A_803 = tpu.vector_load_idx %arg10[%add3A_802] : memref<16384xf32, #tpu.memory_space<vmem>>[vector<16xi32>], vector<16xf32>,
      %mul3A_804 = arith.mulf %get3A_146, %gather3A_803 : vector<16xf32>
      %add3A_805 = arith.addf %add3A_799, %mul3A_804 : vector<16xf32>
      %add3A_806 = arith.constant 15 : i32
      %add3A_807 = vector.broadcast %add3A_806 : i32 to vector<16xi32>
      %add3A_808 = arith.addi %add3A_713, %add3A_807 : vector<16xi32>
      %gather3A_809 = tpu.vector_load_idx %arg10[%add3A_808] : memref<16384xf32, #tpu.memory_space<vmem>>[vector<16xi32>], vector<16xf32>,
      %mul3A_810 = arith.mulf %get3A_150, %gather3A_809 : vector<16xf32>
      %add3A_811 = arith.addf %add3A_805, %mul3A_810 : vector<16xf32>
      %mul3A_812 = arith.constant 16 : i32
      %mul3A_813 = arith.muli %scan3A_700, %mul3A_812 : i32
      %add3A_814 = vector.broadcast %mul3A_813 : i32 to vector<16xi32>
      %add3A_815 = arith.addi %add3A_814, %iota3A : vector<16xi32>
      %gt3A = arith.cmpf ogt, %add3A_811, %scan3A_701 : vector<16xf32>
      %select_n3A_816 = arith.select %gt3A, %add3A_811, %scan3A_701 : vector<16xi1>, vector<16xf32>
      %select_n3A_817 = arith.select %gt3A, %add3A_815, %scan3A_702 : vector<16xi1>, vector<16xi32>
      scf.yield %select_n3A_816, %select_n3A_817 : vector<16xf32>, vector<16xi32>
    }
    %scan3A_555 = arith.constant 16 : i32
    %xor3A_556 = arith.constant 8 : i32
    %xor3A_557 = vector.broadcast %xor3A_556 : i32 to vector<16xi32>
    %xor3A_558 = arith.xori %iota3A, %xor3A_557 : vector<16xi32>
    %lt3A_559 = arith.constant 0 : i32
    %lt3A_560 = vector.broadcast %lt3A_559 : i32 to vector<16xi32>
    %lt3A_561 = arith.cmpi slt, %xor3A_558, %lt3A_560 : vector<16xi32>
    %add3A_562 = arith.constant 16 : i32
    %add3A_563 = vector.broadcast %add3A_562 : i32 to vector<16xi32>
    %add3A_564 = arith.addi %xor3A_558, %add3A_563 : vector<16xi32>
    %select_n3A_565 = arith.select %lt3A_561, %add3A_564, %xor3A_558 : vector<16xi1>, vector<16xi32>
    %broadcast_in_dim3A_566 = vector.shape_cast %select_n3A_565 : vector<16xi32> to vector<16x1xi32>
    %gather3A_567 = vector.shape_cast %broadcast_in_dim3A_566 : vector<16x1xi32> to vector<16xi32>
    %gather3A_568 = tpu.dynamic_gather %scan3A_554#0[%gather3A_567] in [0] : vector<16xf32>, vector<16xi32> -> vector<16xf32>
    %max3A_569 = arith.maximumf %scan3A_554#0, %gather3A_568 : vector<16xf32>
    %xor3A_570 = arith.constant 4 : i32
    %xor3A_571 = vector.broadcast %xor3A_570 : i32 to vector<16xi32>
    %xor3A_572 = arith.xori %iota3A, %xor3A_571 : vector<16xi32>
    %lt3A_573 = arith.constant 0 : i32
    %lt3A_574 = vector.broadcast %lt3A_573 : i32 to vector<16xi32>
    %lt3A_575 = arith.cmpi slt, %xor3A_572, %lt3A_574 : vector<16xi32>
    %add3A_576 = arith.constant 16 : i32
    %add3A_577 = vector.broadcast %add3A_576 : i32 to vector<16xi32>
    %add3A_578 = arith.addi %xor3A_572, %add3A_577 : vector<16xi32>
    %select_n3A_579 = arith.select %lt3A_575, %add3A_578, %xor3A_572 : vector<16xi1>, vector<16xi32>
    %broadcast_in_dim3A_580 = vector.shape_cast %select_n3A_579 : vector<16xi32> to vector<16x1xi32>
    %gather3A_581 = vector.shape_cast %broadcast_in_dim3A_580 : vector<16x1xi32> to vector<16xi32>
    %gather3A_582 = tpu.dynamic_gather %max3A_569[%gather3A_581] in [0] : vector<16xf32>, vector<16xi32> -> vector<16xf32>
    %max3A_583 = arith.maximumf %max3A_569, %gather3A_582 : vector<16xf32>
    %xor3A_584 = arith.constant 2 : i32
    %xor3A_585 = vector.broadcast %xor3A_584 : i32 to vector<16xi32>
    %xor3A_586 = arith.xori %iota3A, %xor3A_585 : vector<16xi32>
    %lt3A_587 = arith.constant 0 : i32
    %lt3A_588 = vector.broadcast %lt3A_587 : i32 to vector<16xi32>
    %lt3A_589 = arith.cmpi slt, %xor3A_586, %lt3A_588 : vector<16xi32>
    %add3A_590 = arith.constant 16 : i32
    %add3A_591 = vector.broadcast %add3A_590 : i32 to vector<16xi32>
    %add3A_592 = arith.addi %xor3A_586, %add3A_591 : vector<16xi32>
    %select_n3A_593 = arith.select %lt3A_589, %add3A_592, %xor3A_586 : vector<16xi1>, vector<16xi32>
    %broadcast_in_dim3A_594 = vector.shape_cast %select_n3A_593 : vector<16xi32> to vector<16x1xi32>
    %gather3A_595 = vector.shape_cast %broadcast_in_dim3A_594 : vector<16x1xi32> to vector<16xi32>
    %gather3A_596 = tpu.dynamic_gather %max3A_583[%gather3A_595] in [0] : vector<16xf32>, vector<16xi32> -> vector<16xf32>
    %max3A_597 = arith.maximumf %max3A_583, %gather3A_596 : vector<16xf32>
    %xor3A_598 = arith.constant 1 : i32
    %xor3A_599 = vector.broadcast %xor3A_598 : i32 to vector<16xi32>
    %xor3A_600 = arith.xori %iota3A, %xor3A_599 : vector<16xi32>
    %lt3A_601 = arith.constant 0 : i32
    %lt3A_602 = vector.broadcast %lt3A_601 : i32 to vector<16xi32>
    %lt3A_603 = arith.cmpi slt, %xor3A_600, %lt3A_602 : vector<16xi32>
    %add3A_604 = arith.constant 16 : i32
    %add3A_605 = vector.broadcast %add3A_604 : i32 to vector<16xi32>
    %add3A_606 = arith.addi %xor3A_600, %add3A_605 : vector<16xi32>
    %select_n3A_607 = arith.select %lt3A_603, %add3A_606, %xor3A_600 : vector<16xi1>, vector<16xi32>
    %broadcast_in_dim3A_608 = vector.shape_cast %select_n3A_607 : vector<16xi32> to vector<16x1xi32>
    %gather3A_609 = vector.shape_cast %broadcast_in_dim3A_608 : vector<16x1xi32> to vector<16xi32>
    %gather3A_610 = tpu.dynamic_gather %max3A_597[%gather3A_609] in [0] : vector<16xf32>, vector<16xi32> -> vector<16xf32>
    %max3A_611 = arith.maximumf %max3A_597, %gather3A_610 : vector<16xf32>
    %eq3A_612 = arith.cmpf oeq, %scan3A_554#0, %max3A_611 : vector<16xf32>
    %jit3A_613 = arith.constant 1073741824 : i32
    %broadcast_in_dim3A_614 = vector.broadcast %jit3A_613 : i32 to vector<16xi32>
    %select_n3A_615 = arith.select %eq3A_612, %scan3A_554#1, %broadcast_in_dim3A_614 : vector<16xi1>, vector<16xi32>
    %xor3A_616 = arith.constant 8 : i32
    %xor3A_617 = vector.broadcast %xor3A_616 : i32 to vector<16xi32>
    %xor3A_618 = arith.xori %iota3A, %xor3A_617 : vector<16xi32>
    %lt3A_619 = arith.constant 0 : i32
    %lt3A_620 = vector.broadcast %lt3A_619 : i32 to vector<16xi32>
    %lt3A_621 = arith.cmpi slt, %xor3A_618, %lt3A_620 : vector<16xi32>
    %add3A_622 = arith.constant 16 : i32
    %add3A_623 = vector.broadcast %add3A_622 : i32 to vector<16xi32>
    %add3A_624 = arith.addi %xor3A_618, %add3A_623 : vector<16xi32>
    %select_n3A_625 = arith.select %lt3A_621, %add3A_624, %xor3A_618 : vector<16xi1>, vector<16xi32>
    %broadcast_in_dim3A_626 = vector.shape_cast %select_n3A_625 : vector<16xi32> to vector<16x1xi32>
    %gather3A_627 = vector.shape_cast %broadcast_in_dim3A_626 : vector<16x1xi32> to vector<16xi32>
    %gather3A_628 = tpu.dynamic_gather %select_n3A_615[%gather3A_627] in [0] : vector<16xi32>, vector<16xi32> -> vector<16xi32>
    %min3A_629 = arith.minsi %select_n3A_615, %gather3A_628 : vector<16xi32>
    %xor3A_630 = arith.constant 4 : i32
    %xor3A_631 = vector.broadcast %xor3A_630 : i32 to vector<16xi32>
    %xor3A_632 = arith.xori %iota3A, %xor3A_631 : vector<16xi32>
    %lt3A_633 = arith.constant 0 : i32
    %lt3A_634 = vector.broadcast %lt3A_633 : i32 to vector<16xi32>
    %lt3A_635 = arith.cmpi slt, %xor3A_632, %lt3A_634 : vector<16xi32>
    %add3A_636 = arith.constant 16 : i32
    %add3A_637 = vector.broadcast %add3A_636 : i32 to vector<16xi32>
    %add3A_638 = arith.addi %xor3A_632, %add3A_637 : vector<16xi32>
    %select_n3A_639 = arith.select %lt3A_635, %add3A_638, %xor3A_632 : vector<16xi1>, vector<16xi32>
    %broadcast_in_dim3A_640 = vector.shape_cast %select_n3A_639 : vector<16xi32> to vector<16x1xi32>
    %gather3A_641 = vector.shape_cast %broadcast_in_dim3A_640 : vector<16x1xi32> to vector<16xi32>
    %gather3A_642 = tpu.dynamic_gather %min3A_629[%gather3A_641] in [0] : vector<16xi32>, vector<16xi32> -> vector<16xi32>
    %min3A_643 = arith.minsi %min3A_629, %gather3A_642 : vector<16xi32>
    %xor3A_644 = arith.constant 2 : i32
    %xor3A_645 = vector.broadcast %xor3A_644 : i32 to vector<16xi32>
    %xor3A_646 = arith.xori %iota3A, %xor3A_645 : vector<16xi32>
    %lt3A_647 = arith.constant 0 : i32
    %lt3A_648 = vector.broadcast %lt3A_647 : i32 to vector<16xi32>
    %lt3A_649 = arith.cmpi slt, %xor3A_646, %lt3A_648 : vector<16xi32>
    %add3A_650 = arith.constant 16 : i32
    %add3A_651 = vector.broadcast %add3A_650 : i32 to vector<16xi32>
    %add3A_652 = arith.addi %xor3A_646, %add3A_651 : vector<16xi32>
    %select_n3A_653 = arith.select %lt3A_649, %add3A_652, %xor3A_646 : vector<16xi1>, vector<16xi32>
    %broadcast_in_dim3A_654 = vector.shape_cast %select_n3A_653 : vector<16xi32> to vector<16x1xi32>
    %gather3A_655 = vector.shape_cast %broadcast_in_dim3A_654 : vector<16x1xi32> to vector<16xi32>
    %gather3A_656 = tpu.dynamic_gather %min3A_643[%gather3A_655] in [0] : vector<16xi32>, vector<16xi32> -> vector<16xi32>
    %min3A_657 = arith.minsi %min3A_643, %gather3A_656 : vector<16xi32>
    %xor3A_658 = arith.constant 1 : i32
    %xor3A_659 = vector.broadcast %xor3A_658 : i32 to vector<16xi32>
    %xor3A_660 = arith.xori %iota3A, %xor3A_659 : vector<16xi32>
    %lt3A_661 = arith.constant 0 : i32
    %lt3A_662 = vector.broadcast %lt3A_661 : i32 to vector<16xi32>
    %lt3A_663 = arith.cmpi slt, %xor3A_660, %lt3A_662 : vector<16xi32>
    %add3A_664 = arith.constant 16 : i32
    %add3A_665 = vector.broadcast %add3A_664 : i32 to vector<16xi32>
    %add3A_666 = arith.addi %xor3A_660, %add3A_665 : vector<16xi32>
    %select_n3A_667 = arith.select %lt3A_663, %add3A_666, %xor3A_660 : vector<16xi1>, vector<16xi32>
    %broadcast_in_dim3A_668 = vector.shape_cast %select_n3A_667 : vector<16xi32> to vector<16x1xi32>
    %gather3A_669 = vector.shape_cast %broadcast_in_dim3A_668 : vector<16x1xi32> to vector<16xi32>
    %gather3A_670 = tpu.dynamic_gather %min3A_657[%gather3A_669] in [0] : vector<16xi32>, vector<16xi32> -> vector<16xi32>
    %min3A_671 = arith.minsi %min3A_657, %gather3A_670 : vector<16xi32>
    %add3A_672 = arith.constant 3 : i32
    %add3A_673 = arith.addi %min3A_1, %add3A_672 : i32
    %mul3A_674 = arith.constant 256 : i32
    %mul3A_675 = arith.muli %add3A_673, %mul3A_674 : i32
    %add3A_676 = vector.broadcast %mul3A_675 : i32 to vector<16xi32>
    %add3A_677 = arith.addi %min3A_671, %add3A_676 : vector<16xi32>
    %eq3A_678 = arith.constant 3 : i32
    %eq3A_679 = vector.broadcast %eq3A_678 : i32 to vector<16xi32>
    %eq3A_680 = arith.cmpi eq, %iota3A, %eq3A_679 : vector<16xi32>
    %select_n3A_681 = arith.select %eq3A_680, %add3A_677, %add3A_545 : vector<16xi1>, vector<16xi32>
    %eq3A_682 = arith.constant 1 : i32
    %eq3A_683 = vector.broadcast %eq3A_682 : i32 to vector<16xi32>
    %eq3A_684 = arith.cmpi eq, %iota3A, %eq3A_683 : vector<16xi32>
    %select_n3A_685 = arith.select %eq3A_684, %add3A_413, %select_n3A_681 : vector<16xi1>, vector<16xi32>
    %eq3A_686 = arith.constant 0 : i32
    %eq3A_687 = vector.broadcast %eq3A_686 : i32 to vector<16xi32>
    %eq3A_688 = arith.cmpi eq, %iota3A, %eq3A_687 : vector<16xi32>
    %select_n3A_689 = arith.select %eq3A_688, %add3A_281, %select_n3A_685 : vector<16xi1>, vector<16xi32>
    %swap3A_690 = arith.constant 0 : index
    %swap3A_691 = tpu.vector_load %arg13[%swap3A_690] {strides = array<i32>} : memref<16xi32, #tpu.memory_space<vmem>>, vector<16xi32>,
    tpu.vector_store %arg13[%swap3A_690], %select_n3A_689 {strides = array<i32>} : memref<16xi32, #tpu.memory_space<vmem>>, vector<16xi32>,
    "tpu.region"() ({
      %run_scoped3A = tpu.sem_alloc : memref<!tpu.dma_semaphore, #tpu.memory_space<semaphore_mem>>
      %dma_start3A_700 = arith.constant 0 : i32
      %dma_start3A_701 = tpu.memref_slice %arg7[%arg1, %dma_start3A_700] : memref<16x16xi32, #tpu.memory_space<hbm>> -> memref<1x16xi32, #tpu.memory_space<hbm>>
      %dma_start3A_702 = tpu.memref_squeeze %dma_start3A_701 : memref<1x16xi32, #tpu.memory_space<hbm>> -> memref<16xi32, #tpu.memory_space<hbm>>
      %dma_start3A_703 = arith.constant 0 : i32
      %dma_start3A_704 = tpu.memref_slice %arg7[%arg1, %dma_start3A_703] : memref<16x16xi32, #tpu.memory_space<hbm>> -> memref<1x16xi32, #tpu.memory_space<hbm>>
      %dma_start3A_705 = tpu.memref_squeeze %dma_start3A_704 : memref<1x16xi32, #tpu.memory_space<hbm>> -> memref<16xi32, #tpu.memory_space<hbm>>
      tpu.enqueue_dma source(%arg13 : memref<16xi32, #tpu.memory_space<vmem>>) target(%dma_start3A_705 : memref<16xi32, #tpu.memory_space<hbm>>) target_semaphore(%run_scoped3A : memref<!tpu.dma_semaphore, #tpu.memory_space<semaphore_mem>>)
      %dma_wait3A_706 = arith.constant 0 : i32
      %dma_wait3A_707 = tpu.memref_slice %arg7[%arg1, %dma_wait3A_706] : memref<16x16xi32, #tpu.memory_space<hbm>> -> memref<1x16xi32, #tpu.memory_space<hbm>>
      %dma_wait3A_708 = tpu.memref_squeeze %dma_wait3A_707 : memref<1x16xi32, #tpu.memory_space<hbm>> -> memref<16xi32, #tpu.memory_space<hbm>>
      %dma_wait3A_709 = arith.constant 0 : i32
      %dma_wait3A_710 = tpu.memref_slice %arg7[%arg1, %dma_wait3A_709] : memref<16x16xi32, #tpu.memory_space<hbm>> -> memref<1x16xi32, #tpu.memory_space<hbm>>
      %dma_wait3A_711 = tpu.memref_squeeze %dma_wait3A_710 : memref<1x16xi32, #tpu.memory_space<hbm>> -> memref<16xi32, #tpu.memory_space<hbm>>
      tpu.wait_dma2 semaphore(%run_scoped3A : memref<!tpu.dma_semaphore, #tpu.memory_space<semaphore_mem>>) src(%arg13 : memref<16xi32, #tpu.memory_space<vmem>>) dst(%dma_wait3A_711 : memref<16xi32, #tpu.memory_space<hbm>>)
      tpu.yield
    }) : () -> ()
    %barrier3A_692 = arith.constant 0 : index
    tpu.barrier barrier_id(%barrier3A_692)
    %shift_right_arithmetic3A = arith.constant 2 : i32
    %shift_right_arithmetic3A_693 = vector.broadcast %shift_right_arithmetic3A : i32 to vector<16xi32>
    %shift_right_arithmetic3A_694 = arith.shrsi %iota3A, %shift_right_arithmetic3A_693 : vector<16xi32>
    %and3A = arith.constant 3 : i32
    %and3A_695 = vector.broadcast %and3A : i32 to vector<16xi32>
    %and3A_696 = arith.andi %iota3A, %and3A_695 : vector<16xi32>
    %eq3A_697 = arith.constant 0 : i32
    %eq3A_698 = arith.cmpi eq, %arg1, %eq3A_697 : i32
    %convert_element_type3A = arith.extui %eq3A_698 : i1 to i32
    %cond3A = arith.constant 0 : i32
    %cond3A_699 = arith.cmpi ne, %convert_element_type3A, %cond3A : i32
    scf.if %cond3A_699 {
      "tpu.region"() ({
        %run_scoped3A = tpu.sem_alloc : memref<!tpu.dma_semaphore, #tpu.memory_space<semaphore_mem>>
        tpu.enqueue_dma source(%arg7 : memref<16x16xi32, #tpu.memory_space<hbm>>) target(%arg14 : memref<16x16xi32, #tpu.memory_space<vmem>>) target_semaphore(%run_scoped3A : memref<!tpu.dma_semaphore, #tpu.memory_space<semaphore_mem>>)
        tpu.wait_dma2 semaphore(%run_scoped3A : memref<!tpu.dma_semaphore, #tpu.memory_space<semaphore_mem>>) src(%arg7 : memref<16x16xi32, #tpu.memory_space<hbm>>) dst(%arg14 : memref<16x16xi32, #tpu.memory_space<vmem>>)
        tpu.yield
      }) : () -> ()
      %add3A_700 = arith.constant 0 : i32
      %add3A_701 = vector.broadcast %add3A_700 : i32 to vector<16xi32>
      %add3A_702 = arith.addi %add3A_701, %shift_right_arithmetic3A_694 : vector<16xi32>
      %gather3A_703 = tpu.vector_load_idx %arg14[%add3A_702, %and3A_696] : memref<16x16xi32, #tpu.memory_space<vmem>>[vector<16xi32>, vector<16xi32>], vector<16xi32>,
      %swap3A_704 = arith.constant 0 : index
      %swap3A_705 = tpu.vector_load %arg15[%swap3A_704] {strides = array<i32>} : memref<64xi32, #tpu.memory_space<vmem>>, vector<16xi32>,
      tpu.vector_store %arg15[%swap3A_704], %gather3A_703 {strides = array<i32>} : memref<64xi32, #tpu.memory_space<vmem>>, vector<16xi32>,
      %add3A_706 = arith.constant 4 : i32
      %add3A_707 = vector.broadcast %add3A_706 : i32 to vector<16xi32>
      %add3A_708 = arith.addi %add3A_707, %shift_right_arithmetic3A_694 : vector<16xi32>
      %gather3A_709 = tpu.vector_load_idx %arg14[%add3A_708, %and3A_696] : memref<16x16xi32, #tpu.memory_space<vmem>>[vector<16xi32>, vector<16xi32>], vector<16xi32>,
      %swap3A_710 = arith.constant 16 : index
      %swap3A_711 = tpu.vector_load %arg15[%swap3A_710] {strides = array<i32>} : memref<64xi32, #tpu.memory_space<vmem>>, vector<16xi32>,
      tpu.vector_store %arg15[%swap3A_710], %gather3A_709 {strides = array<i32>} : memref<64xi32, #tpu.memory_space<vmem>>, vector<16xi32>,
      %add3A_712 = arith.constant 8 : i32
      %add3A_713 = vector.broadcast %add3A_712 : i32 to vector<16xi32>
      %add3A_714 = arith.addi %add3A_713, %shift_right_arithmetic3A_694 : vector<16xi32>
      %gather3A_715 = tpu.vector_load_idx %arg14[%add3A_714, %and3A_696] : memref<16x16xi32, #tpu.memory_space<vmem>>[vector<16xi32>, vector<16xi32>], vector<16xi32>,
      %swap3A_716 = arith.constant 32 : index
      %swap3A_717 = tpu.vector_load %arg15[%swap3A_716] {strides = array<i32>} : memref<64xi32, #tpu.memory_space<vmem>>, vector<16xi32>,
      tpu.vector_store %arg15[%swap3A_716], %gather3A_715 {strides = array<i32>} : memref<64xi32, #tpu.memory_space<vmem>>, vector<16xi32>,
      %add3A_718 = arith.constant 12 : i32
      %add3A_719 = vector.broadcast %add3A_718 : i32 to vector<16xi32>
      %add3A_720 = arith.addi %add3A_719, %shift_right_arithmetic3A_694 : vector<16xi32>
      %gather3A_721 = tpu.vector_load_idx %arg14[%add3A_720, %and3A_696] : memref<16x16xi32, #tpu.memory_space<vmem>>[vector<16xi32>, vector<16xi32>], vector<16xi32>,
      %swap3A_722 = arith.constant 48 : index
      %swap3A_723 = tpu.vector_load %arg15[%swap3A_722] {strides = array<i32>} : memref<64xi32, #tpu.memory_space<vmem>>, vector<16xi32>,
      tpu.vector_store %arg15[%swap3A_722], %gather3A_721 {strides = array<i32>} : memref<64xi32, #tpu.memory_space<vmem>>, vector<16xi32>,
      "tpu.region"() ({
        %run_scoped3A = tpu.sem_alloc : memref<!tpu.dma_semaphore, #tpu.memory_space<semaphore_mem>>
        %dma_start3A_724 = arith.constant 0 : i32
        %dma_start3A_725 = tpu.memref_slice %arg15[%dma_start3A_724] : memref<64xi32, #tpu.memory_space<vmem>> -> memref<56xi32, #tpu.memory_space<vmem>>
        %dma_start3A_726 = arith.constant 0 : i32
        %dma_start3A_727 = tpu.memref_slice %arg15[%dma_start3A_726] : memref<64xi32, #tpu.memory_space<vmem>> -> memref<56xi32, #tpu.memory_space<vmem>>
        tpu.enqueue_dma source(%dma_start3A_727 : memref<56xi32, #tpu.memory_space<vmem>>) target(%arg5 : memref<56xi32, #tpu.memory_space<hbm>>) target_semaphore(%run_scoped3A : memref<!tpu.dma_semaphore, #tpu.memory_space<semaphore_mem>>)
        %dma_wait3A_728 = arith.constant 0 : i32
        %dma_wait3A_729 = tpu.memref_slice %arg15[%dma_wait3A_728] : memref<64xi32, #tpu.memory_space<vmem>> -> memref<56xi32, #tpu.memory_space<vmem>>
        %dma_wait3A_730 = arith.constant 0 : i32
        %dma_wait3A_731 = tpu.memref_slice %arg15[%dma_wait3A_730] : memref<64xi32, #tpu.memory_space<vmem>> -> memref<56xi32, #tpu.memory_space<vmem>>
        tpu.wait_dma2 semaphore(%run_scoped3A : memref<!tpu.dma_semaphore, #tpu.memory_space<semaphore_mem>>) src(%dma_wait3A_731 : memref<56xi32, #tpu.memory_space<vmem>>) dst(%arg5 : memref<56xi32, #tpu.memory_space<hbm>>)
        tpu.yield
      }) : () -> ()
    } else {
    }
    return
  }
}

</mosaic_0001>

<sc_bundles>
// kernel: kernel.3.cloned.1.call-start
scs
__scs_entry_jumppad:
0x0: {  	(pc) =	sbr.rel $0x88, $3  }
0x1: {  	(tag) =	ssettag $0x0;
	lr =	simm.s32 $0x1  }
0x2: {  	[smem:$0x3F9E] =	sst lr;
	_ =	strace $0xD0000000  }
0x3: {  	_ = 	snop  }
0x4: {  	_ = 	snop  }
0x5: {  	_ = 	snop  }
0x6: {  	_ = 	snop  }
0x7: {  	_ = 	snop  }
__scs_overlays_trampoline_lowered:
0x8: {  	[smem:$0x3FAD] =	sst s0  }
0x9: {  	[smem:$0x3FAE] =	sst s1  }
0xa: {  	[smem:$0x3FAF] =	sst s2  }
0xb: {  	[smem:$0x3FB0] =	sst s3  }
0xc: {  	[smem:$0x3FB1] =	sst s4  }
0xd: {  	[smem:$0x3FB2] =	sst s5  }
0xe: {  	[smem:$0x3FB3] =	sst s6  }
0xf: {  	[smem:$0x3FB4] =	sst s7  }
0x10: {  	[smem:$0x3FB5] =	sst s8  }
0x11: {  	[smem:$0x3FB6] =	sst s9;
	s0 =	simm.s32 @!p0 $0x0  }
0x12: {  	s1 =	sld [smem:$0x3F9C];
	s0 =	simm.s32 @p0 $0x1  }
0x13: {  	[smem:$0x3FB7] =	sst s0;
	s0 =	simm.s32 @!p1 $0x0  }
0x14: {  	s2 =	sld [smem:$0x3F9B];
	s0 =	simm.s32 @p1 $0x1  }
0x15: {  	[smem:$0x3FB8] =	sst s0;
	s0 =	simm.s32 @!p2 $0x0  }
0x16: {  	s3 =	sld [smem:$0x3FDB];
	s0 =	simm.s32 @p2 $0x1  }
0x17: {  	s4 =	simm.s32 $0x1BF5;
	[smem:$0x3FBA] =	sst s0  }
0x18: {  	s0 =	sld [smem:$0x3F9D];
	_ =	swait.ge [sflag:s4], $0x0  }
0x19: {  	s7 =	sld [smem:$0x3F9E]  }
0x1a: {  	s8 =	sadd.s32 $0xFFFFE003, lr  }
0x1b: {  	s9 =	sadd.s32 $0xFFFFFEF7, lr;
	s5 =	simm.s32 $0xFFFFFFFF;
	p2 =	slt.u32 s8, $0xFFFFF086  }
0x1c: {  	p1 =	slt.u32 s9, $0xF7A;
	s5 =	simm.s32 @!p2 $0x0  }
0x1d: {  	s5 =	simm.s32 @p1 $0x1;
	p0 =	seq.s32 s7, s2  }
0x1e: {  	s7 =	smul.u32 @!p0 $0xF7A, s2;
	p2 =	seq.s32 @!p0 s5, $0x0  }
0x1f: {  	s9 =	smul.u32 $0xF7A, s1;
	s8 =	simm.s32 @!p0 $0x1BF5;
	p2 =	por !p2, p0  }
0x20: {  	[sflag:s8] =	ssyncset.s32 @!p0 $0xFFFFF086;
	s6 =	sadd.s32 @!p0 s3, s7;
	s7 =	simm.s32 @!p0 $0x108  }
0x21: {  	s3 =	sadd.s32 s3, s9;
	s6 =	sadd.s32 @!p0 $0x88, s6;
	s7 =	simm.s32 @p2 $0x1082  }
0x22: {  	[simem:s7], [sflag:s8] =	dma.local @!p0 [hbm:s6], $0xF7A  }
0x23: {  	s9 =	sor.u32 $0xD0000000, s2;
	s6 =	simm.s32 $0x108;
	_ =	swait.ge @!p0 [sflag:s8], $0x0  }
0x24: {  	s3 =	sadd.s32 $0x88, s3;
	s6 =	simm.s32 @!p1 $0x1082;
	[sflag:s4] =	ssyncset.s32 $0xFFFFF086  }
0x25: {  	[simem:s6], [sflag:s4] =	dma.local [hbm:s3], $0xF7A  }
0x26: {  	[smem:$0x3F9E] =	sst s1;
	(tag) =	ssettag s2;
	_ =	strace s9  }
0x27: {  	s1 =	sld [smem:$0x3FAE]  }
0x28: {  	s2 =	sld [smem:$0x3FAF]  }
0x29: {  	s4 =	sld [smem:$0x3FB1]  }
0x2a: {  	p0 =	seq.s32 s5, $0x0;
	s5 =	sld [smem:$0x3FB2]  }
0x2b: {  	s6 =	sld [smem:$0x3FB3]  }
0x2c: {  	s7 =	sld [smem:$0x3FB4]  }
0x2d: {  	s3 =	simm.s32 $0x108;
	s8 =	sld [smem:$0x3FB5]  }
0x2e: {  	s3 =	simm.s32 @!p0 $0x1082;
	s9 =	sld [smem:$0x3FB6]  }
0x2f: {  	lr =	sadd.s32 s0, s3;
	s0 =	sld [smem:$0x3FAD]  }
0x30: {  	s3 =	sld [smem:$0x3FB0]  }
0x31: {  	[smem:$0x3FB9] =	sst s10  }
0x32: {  	s10 =	sld [smem:$0x3FB7];
	_ =	sdelay $0x3  }
0x33: {  	p0 =	seq.s32 s10, $0x1;
	s10 =	sld [smem:$0x3FB9];
	_ =	sdelay $0x3  }
0x34: {  	[smem:$0x3FB9] =	sst s10  }
0x35: {  	s10 =	sld [smem:$0x3FB8];
	_ =	sdelay $0x3  }
0x36: {  	p1 =	seq.s32 s10, $0x1;
	s10 =	sld [smem:$0x3FB9];
	_ =	sdelay $0x3  }
0x37: {  	[smem:$0x3FB9] =	sst s10  }
0x38: {  	s10 =	sld [smem:$0x3FBA]  }
0x39: {  	_ = 	snop;
	(pc) =	sbr.ind lr, $3  }
0x3a: {  	_ = 	snop  }
0x3b: {  	_ = 	snop  }
0x3c: {  	p2 =	seq.s32 s10, $0x1;
	s10 =	sld [smem:$0x3FB9]  }
0x3d: {  	_ =	shalt  }
0x3e: {  	_ =	shalt  }
0x3f: {  	_ =	shalt  }
0x40: {  	_ =	shalt  }
0x41: {  	_ =	shalt  }
0x42: {  	_ =	shalt  }
0x43: {  	_ =	shalt  }
0x44: {  	_ =	shalt  }
0x45: {  	_ =	shalt  }
0x46: {  	_ =	shalt  }
0x47: {  	_ =	shalt  }
0x48: {  	_ =	shalt  }
0x49: {  	_ =	shalt  }
0x4a: {  	_ =	shalt  }
0x4b: {  	_ =	shalt  }
0x4c: {  	_ =	shalt  }
0x4d: {  	_ =	shalt  }
0x4e: {  	_ =	shalt  }
0x4f: {  	_ =	shalt  }
0x50: {  	_ =	shalt  }
0x51: {  	_ =	shalt  }
0x52: {  	_ =	shalt  }
0x53: {  	_ =	shalt  }
0x54: {  	_ =	shalt  }
0x55: {  	_ =	shalt  }
0x56: {  	_ =	shalt  }
0x57: {  	_ =	shalt  }
0x58: {  	_ =	shalt  }
0x59: {  	_ =	shalt  }
0x5a: {  	_ =	shalt  }
0x5b: {  	_ =	shalt  }
0x5c: {  	_ =	shalt  }
0x5d: {  	_ =	shalt  }
0x5e: {  	_ =	shalt  }
0x5f: {  	_ =	shalt  }
0x60: {  	_ =	shalt  }
0x61: {  	_ =	shalt  }
0x62: {  	_ =	shalt  }
0x63: {  	_ =	shalt  }
0x64: {  	_ =	shalt  }
0x65: {  	_ =	shalt  }
0x66: {  	_ =	shalt  }
0x67: {  	_ =	shalt  }
0x68: {  	_ =	shalt  }
0x69: {  	_ =	shalt  }
0x6a: {  	_ =	shalt  }
0x6b: {  	_ =	shalt  }
0x6c: {  	_ =	shalt  }
0x6d: {  	_ =	shalt  }
0x6e: {  	_ =	shalt  }
0x6f: {  	_ =	shalt  }
0x70: {  	_ =	shalt  }
0x71: {  	_ =	shalt  }
0x72: {  	_ =	shalt  }
0x73: {  	_ =	shalt  }
0x74: {  	_ =	shalt  }
0x75: {  	_ =	shalt  }
0x76: {  	_ =	shalt  }
0x77: {  	_ =	shalt  }
0x78: {  	_ =	shalt  }
0x79: {  	_ =	shalt  }
0x7a: {  	_ =	shalt  }
0x7b: {  	_ =	shalt  }
0x7c: {  	_ =	shalt  }
0x7d: {  	_ =	shalt  }
0x7e: {  	_ =	shalt  }
0x7f: {  	_ =	shalt  }
0x80: {  	_ =	shalt  }
0x81: {  	_ =	shalt  }
0x82: {  	_ =	shalt  }
0x83: {  	_ =	shalt  }
0x84: {  	_ =	shalt  }
0x85: {  	_ =	shalt  }
0x86: {  	_ =	shalt  }
0x87: {  	_ =	shalt  }
.Lfunc_end0:
.L_simem_size_0:
called_computation_lowered:
.L_overlay_start_0:
0x88: {  	s0 =	sld [smem:$0x3FD9]  }
0x89: {  	s1 =	sld [smem:$0x3FFE];
	_ =	sdelay $0x3  }
0x8a: {  	s0 =	sadd.s32 s1, s0  }
0x8b: {  	[smem:$0x3FC5] =	sst s0  }
0x8c: {  	_ = 	snop  }
0x8d: {  	s0 =	sld [smem:$0x3FC9]  }
0x8e: {  	s16 =	sld [smem:$0x3FC8]  }
0x8f: {  	s2 =	sld [smem:$0x3FD0];
	(tm) =	ssettm $0x1  }
0x90: {  	s3 =	sld [smem:$0x3FFB];
	_ =	sdelay $0x3  }
0x91: {  	_ =	strace s3  }
0x92: {  	s3 =	sld [smem:$0x3FFC];
	_ =	sdelay $0x3  }
0x93: {  	_ =	strace s3  }
0x94: {  	s3 =	sld [smem:$0x3FFD];
	_ =	sdelay $0x3  }
0x95: {  	_ =	strace s3  }
0x96: {  	_ =	strace $0x8FFFFFFF  }
0x97: {  	s17 =	sld [smem:$0x3FDB];
	_ =	sdelay $0x1  }
0x98: {  	s4 =	simm.s32 $_scs_section_size  }
0x99: {  	s5 =	simm.s32 $_size__tile_overlayer_lowered;
	s6 =	simm.s32 $_tile_overlayer_lowered  }
0x9a: {  	s20 =	simm.s32 $0x1BFF;
	s19 =	sshll.u32 s6, $0x1;
	s3 =	sadd.s32 s4, s17  }
0x9b: {  	s7 =	simm.s32 $0x0;
	s18 =	sshll.u32 s5, $0x1;
	s5 =	sadd.s32 s19, s3  }
0x9c: {  	[timem:s7], [sflag:s20] =	dma.local [hbm:s5], s18  }
0x9d: {  	_ =	swait.ge [sflag:s20], s18  }
0x9e: {  	s4 =	ssub.s32 $0x0, s18;
	[sflag:s20] =	ssyncset.done $0x0  }
0x9f: {  	[sflag:s20] =	ssyncadd.s32 s4;
	_ =	sdelay $0x1  }
0xa0: {  	s21 =	simm.s32 $0x1B8B  }
0xa1: {  	_ =	swait.ge [sflag:s21], $0x1  }
0xa2: {  	[sflag:s21] =	ssyncset.done $0x0  }
0xa3: {  	s23 =	simm.s32 $0x1B8E;
	s22 =	sld [smem:$0x3FFE];
	[sflag:s21] =	ssyncadd.s32 $0xFFFFFFFF  }
0xa4: {  	s24 =	simm.s32 $execute0_lowered;
	[smem:$0x3FD2] =	sst s23  }
0xa5: {  	s5 =	sshll.u32 s24, $0x1;
	_ =	strace $0x80000046;
	[dreg:$0x1] =	wrdreg $0xFFFFFFFF  }
0xa6: {  	s25 =	simm.s32 $_size_execute0_lowered;
	s3 =	sadd.s32 s3, s5;
	[dreg:$0x0] =	wrdreg $0x0  }
0xa7: {  	s5 =	sshll.u32 s25, $0x1;
	[dreg:$0x2] =	wrdreg s3  }
0xa8: {  	[dreg:$0x3] =	wrdreg s5  }
0xa9: {  	[dreg:$0x4] =	wrdreg $0xC0  }
0xaa: {  	_ =	task [dreg:s7], $0x5FFFF  }
0xab: {  	[dreg:$0x1] =	wrdreg $0xFFFFFFFF  }
0xac: {  	[dreg:$0x0] =	wrdreg $0x60  }
0xad: {  	[dreg:$0x2] =	wrdreg s0  }
0xae: {  	[dreg:$0x3] =	wrdreg s16  }
0xaf: {  	[dreg:$0x4] =	wrdreg s22  }
0xb0: {  	[dreg:$0x5] =	wrdreg s2  }
0xb1: {  	[dreg:$0x6] =	wrdreg $0x9  }
0xb2: {  	_ =	task.clear_ibuf [dreg:s7], $0x7FFFF;
	_ =	strace $0x90000046  }
0xb3: {  	s26 =	simm.s32 $0x9;
	_ =	strace $0x80000048  }
0xb4: {  	_ =	swait.ge [sflag:s26], $0x1  }
0xb5: {  	[sflag:s26] =	ssyncadd.s32 $0xFFFFFFFF  }
0xb6: {  	_ =	strace $0x90000048  }
0xb7: {  	_ =	sfence  }
0xb8: {  	s28 =	sld [smem:$0x0];
	_ =	sdelay $0x1  }
0xb9: {  	s29 =	srdreg.scid  }
0xba: {  	s30 =	sshll.u32 s29, $0xD;
	s31 =	sshrl.u32 s29, $0x2  }
0xbb: {  	s1 =	sand.u32 $0x1, s29;
	s2 =	sand.u32 $0x4000, s30;
	s0 =	sadd.s32 s31, s28  }
0xbc: {  	s1 =	sor.u32 s2, s1;
	s0 =	sshll.u32 s0, $0x11  }
0xbd: {  	s0 =	sor.u32 s0, s1  }
0xbe: {  	s0 =	sadd.s32 $0x8F2B, s0  }
0xbf: {  	[sflag:s0] =	ssyncadd.remote.s32 $0x1  }
0xc0: {  	_ =	sfence.sel $0xFFFF  }
0xc1: {  	[dreg:$0x0] =	wrdreg $0xFFFFFFFF;
	(pc) =	sbr.abs _section_cstart, $3  }
0xc2: {  	[dreg:$0x1] =	wrdreg $0xFFFFFFFF  }
0xc3: {  	_ =	task.clear_ibuf [dreg:s7], $0x2FFFF;
	_ =	strace $0x9FFFFFFF  }
0xc4: {  	(tm) =	ssettm $0x7FFFFFFF  }
0xc5: {  	_ =	shalt  }
tec
execute0_lowered:
.L_overlay_start_1:
0x0: {  	(tag) =	ssettag $0x1  }
0x1: {  	s7 =	rddreg [dreg:$0x0]  }
0x2: {  	s8 =	rddreg [dreg:$0x1]  }
0x3: {  	s4 =	rddreg [dreg:$0x2]  }
0x4: {  	s1 =	rddreg [dreg:$0x3];
	s2 =	stileid.u32  }
0x5: {  	s0 =	rddreg [dreg:$0x4];
	s9 =	simm.s32 $0x0;
	s3 =	sshll.u32 s2, $0x2  }
0x6: {  	s12 =	simm.s32 $0x2000;
	[smem:$0x7FF] =	sst s9;
	s3 =	smin.u32 s3, $0x34  }
0x7: {  	s5 =	sshrl.u32 s2, $0x3;
	s6 =	sshll.u32 s2, $0x7;
	s10 =	sshll.u32 s3, $0x9  }
0x8: {  	s6 =	sand.u32 $0x380, s6;
	s11 =	sshll.u32 s5, $0xF;
	s10 =	sadd.s32 s10, s4  }
0x9: {  	_ =	strace $0x80000047;
	s11 =	sor.u32 s6, s11;
	s10 =	sadd.s32 $0x800, s10  }
0xa: {  	[tilespmem:s12], [sflag:$0x1] =	stream.linear.gather [hbm4b:s10+s9], $0x4000, $0x38;
	[tilespmem:$0x7180] =	vst v63  }
0xb: {  	s26 =	simm.s32 $0x80;
	s28 =	simm.s32 $0x400;
	s11 =	sshrl.u32 s11, $0x3  }
0xc: {  	[tilespmem:s9], [sflag:$0x2] =	stream.linear.gather [hbm4b:s7+s9], $0x1000, $0x38;
	[tilespmem:$0x7180] =	vst v63  }
0xd: {  	s29 =	simm.s32 $0x1000;
	s30 =	simm.s32 $0x2;
	s8 =	sadd.s32 s8, s11  }
0xe: {  	[tilespmem:s29], [sflag:$0x3] =	stream.strided.gather [hbm4b:s8+s26], $0x1000, s28, s26, $0x38;
	[tilespmem:$0x7180] =	vst v63  }
0xf: {  	_ =	swait.ge [sflag:s30], $0x1000  }
0x10: {  	[sflag:s30] =	ssyncset.done $0x0  }
0x11: {  	s31 =	simm.s32 $0x3;
	[sflag:s30] =	ssyncadd.s32 $0xFFFFF000  }
0x12: {  	_ =	swait.ge [sflag:s31], $0x1000  }
0x13: {  	[sflag:s31] =	ssyncset.done $0x0  }
0x14: {  	[sflag:s31] =	ssyncadd.s32 $0xFFFFF000  }
0x15: {  	s8 =	simm.s32 $0x1080;
	v0 =	vld [tilespmem:s26+$0xFFFFFF80]  }
0x16: {  	v1 =	vld [tilespmem:s8+$0xFFFFFF80]  }
0x17: {  	v2 =	vld [tilespmem:s26+$0xFFFFFF90]  }
0x18: {  	v3 =	vld [tilespmem:s8+$0xFFFFFF90]  }
0x19: {  	v4 =	vld [tilespmem:s26+$0xFFFFFFA0]  }
0x1a: {  	v5 =	vld [tilespmem:s8+$0xFFFFFFA0]  }
0x1b: {  	v6 =	vld [tilespmem:s26+$0xFFFFFFB0];
	v0 =	vmul.f32 v1, v0  }
0x1c: {  	v7 =	vimm.f32 $0.0e+00;
	v1 =	vld [tilespmem:s8+$0xFFFFFFB0]  }
0x1d: {  	v8 =	vld [tilespmem:s26+$0xFFFFFFC0];
	v2 =	vmul.f32 v3, v2;
	v0 =	vadd.f32 v0, v7  }
0x1e: {  	v3 =	vld [tilespmem:s8+$0xFFFFFFC0]  }
0x1f: {  	v7 =	vld [tilespmem:s26+$0xFFFFFFD0];
	v0 =	vadd.f32 v2, v0;
	v2 =	vmul.f32 v5, v4  }
0x20: {  	v4 =	vld [tilespmem:s8+$0xFFFFFFD0]  }
0x21: {  	v5 =	vld [tilespmem:s26+$0xFFFFFFE0];
	v1 =	vmul.f32 v1, v6;
	v0 =	vadd.f32 v2, v0  }
0x22: {  	v2 =	vld [tilespmem:s8+$0xFFFFFFE0]  }
0x23: {  	v6 =	vld [tilespmem:s26+$0xFFFFFFF0];
	v0 =	vadd.f32 v1, v0;
	v1 =	vmul.f32 v3, v8  }
0x24: {  	v3 =	vld [tilespmem:s8+$0xFFFFFFF0]  }
0x25: {  	v8 =	vld [tilespmem:s26+$0x0];
	v0 =	vadd.f32 v1, v0;
	v1 =	vmul.f32 v4, v7  }
0x26: {  	v4 =	vld [tilespmem:s8+$0x0]  }
0x27: {  	v7 =	vld [tilespmem:s26+$0x10];
	v0 =	vadd.f32 v1, v0;
	v1 =	vmul.f32 v2, v5  }
0x28: {  	v2 =	vld [tilespmem:s8+$0x10]  }
0x29: {  	v5 =	vld [tilespmem:s26+$0x20];
	v0 =	vadd.f32 v1, v0;
	v1 =	vmul.f32 v3, v6  }
0x2a: {  	v3 =	vld [tilespmem:s8+$0x20]  }
0x2b: {  	v6 =	vld [tilespmem:s26+$0x30];
	v0 =	vadd.f32 v1, v0;
	v1 =	vmul.f32 v4, v8  }
0x2c: {  	v8 =	vld [tilespmem:s8+$0x30]  }
0x2d: {  	v9 =	vld [tilespmem:s26+$0x40];
	v0 =	vadd.f32 v1, v0;
	v1 =	vmul.f32 v2, v7  }
0x2e: {  	v7 =	vld [tilespmem:s8+$0x40]  }
0x2f: {  	v4 =	vld [tilespmem:s8+$0x50];
	v3 =	vmul.f32 v3, v5;
	v1 =	vadd.f32 v1, v0  }
0x30: {  	v2 =	vld [tilespmem:s26+$0x50]  }
0x31: {  	v0 =	vld [tilespmem:s26+$0x60];
	v6 =	vmul.f32 v8, v6;
	v5 =	vadd.f32 v3, v1  }
0x32: {  	v3 =	vld [tilespmem:s8+$0x60]  }
0x33: {  	s10 =	simm.s32 $0x180;
	v1 =	vld [tilespmem:s26+$0x70];
	v7 =	vmul.f32 v7, v9;
	v6 =	vadd.f32 v6, v5  }
0x34: {  	s7 =	sadd.s32 $0x7800, s4;
	s4 =	sadd.s32 $0x7A00, s4;
	s9 =	simm.s32 $0x0;
	v5 =	vld [tilespmem:s8+$0x70]  }
.LBB2_1:
0x35: {  	v8 =	vld [tilespmem:s10+$0xFFFFFF80];
	v6 =	vadd.f32 v7, v6;
	v2 =	vmul.f32 v4, v2;
	s8 =	sadd.s32 $0x100, s8  }
0x36: {  	s9 =	sadd.s32 $0x10, s9;
	v4 =	vld [tilespmem:s8+$0xFFFFFF80]  }
0x37: {  	p0 =	slt.u32 s9, $0xF0;
	v7 =	vld [tilespmem:s10+$0xFFFFFF90];
	v2 =	vadd.f32 v2, v6;
	v0 =	vmul.f32 v3, v0  }
0x38: {  	v3 =	vld [tilespmem:s8+$0xFFFFFF90]  }
0x39: {  	v6 =	vld [tilespmem:s10+$0xFFFFFFA0];
	v0 =	vadd.f32 v0, v2;
	v1 =	vmul.f32 v5, v1  }
0x3a: {  	v2 =	vld [tilespmem:s8+$0xFFFFFFA0]  }
0x3b: {  	v4 =	vmul.f32 v4, v8;
	v5 =	vld [tilespmem:s10+$0xFFFFFFB0];
	v0 =	vadd.f32 v1, v0  }
0x3c: {  	v1 =	vld [tilespmem:s8+$0xFFFFFFB0]  }
0x3d: {  	v0 =	vadd.f32 v4, v0;
	v3 =	vmul.f32 v3, v7;
	v4 =	vld [tilespmem:s10+$0xFFFFFFC0]  }
0x3e: {  	v7 =	vld [tilespmem:s8+$0xFFFFFFC0]  }
0x3f: {  	v0 =	vadd.f32 v3, v0;
	v2 =	vmul.f32 v2, v6;
	v3 =	vld [tilespmem:s10+$0xFFFFFFD0]  }
0x40: {  	v6 =	vld [tilespmem:s8+$0xFFFFFFD0]  }
0x41: {  	v0 =	vadd.f32 v2, v0;
	v1 =	vmul.f32 v1, v5;
	v2 =	vld [tilespmem:s10+$0xFFFFFFE0]  }
0x42: {  	v5 =	vld [tilespmem:s8+$0xFFFFFFE0]  }
0x43: {  	v0 =	vadd.f32 v1, v0;
	v1 =	vmul.f32 v7, v4;
	v4 =	vld [tilespmem:s10+$0xFFFFFFF0]  }
0x44: {  	v7 =	vld [tilespmem:s8+$0xFFFFFFF0]  }
0x45: {  	v0 =	vadd.f32 v1, v0;
	v1 =	vmul.f32 v6, v3;
	v3 =	vld [tilespmem:s10+$0x0]  }
0x46: {  	v6 =	vld [tilespmem:s8+$0x0]  }
0x47: {  	v0 =	vadd.f32 v1, v0;
	v1 =	vmul.f32 v5, v2;
	v2 =	vld [tilespmem:s10+$0x10]  }
0x48: {  	v5 =	vld [tilespmem:s8+$0x10]  }
0x49: {  	v0 =	vadd.f32 v1, v0;
	v1 =	vmul.f32 v7, v4;
	v4 =	vld [tilespmem:s10+$0x20]  }
0x4a: {  	v7 =	vld [tilespmem:s8+$0x20]  }
0x4b: {  	v0 =	vadd.f32 v1, v0;
	v1 =	vmul.f32 v6, v3;
	v3 =	vld [tilespmem:s10+$0x30]  }
0x4c: {  	v6 =	vld [tilespmem:s8+$0x30]  }
0x4d: {  	v0 =	vadd.f32 v1, v0;
	v1 =	vmul.f32 v5, v2;
	v5 =	vld [tilespmem:s10+$0x40]  }
0x4e: {  	v8 =	vld [tilespmem:s8+$0x40]  }
0x4f: {  	v0 =	vadd.f32 v1, v0;
	v1 =	vmul.f32 v7, v4;
	v2 =	vld [tilespmem:s10+$0x50]  }
.Ltmp0:
0x50: {  	v4 =	vld [tilespmem:s8+$0x50];
	(pc) =	sbr.rel @p0 .LBB2_1-.Ltmp0, $4  }
0x51: {  	v1 =	vadd.f32 v1, v0;
	v6 =	vmul.f32 v6, v3;
	v0 =	vld [tilespmem:s10+$0x60]  }
0x52: {  	v3 =	vld [tilespmem:s8+$0x60]  }
0x53: {  	v6 =	vadd.f32 v6, v1;
	v7 =	vmul.f32 v8, v5;
	v1 =	vld [tilespmem:s10+$0x70]  }
0x54: {  	s10 =	sadd.s32 $0x100, s10;
	v5 =	vld [tilespmem:s8+$0x70]  }
0x55: {  	v6 =	vadd.f32 v7, v6;
	v2 =	vmul.f32 v4, v2;
	v4 =	vimm.s32 $0xFEDCBA98  }
0x56: {  	v4 =	vunpack.c.l.s4.s8 v4  }
0x57: {  	v2 =	vadd.f32 v2, v6;
	v0 =	vmul.f32 v3, v0;
	v3 =	vimm.s32 $0x76543210  }
0x58: {  	v3 =	vunpack.c.l.s4.s8 v3  }
0x59: {  	v0 =	vadd.f32 v0, v2;
	v1 =	vmul.f32 v5, v1;
	v2 =	vunpack.c.0.s8.s32 v4  }
0x5a: {  	v3 =	vunpack.c.0.s8.s32 v3  }
0x5b: {  	v0 =	vadd.f32 v1, v0;
	v1 =	vand.u32 $0xF, v2  }
0x5c: {  	v2 =	vimm.s32 $0xBA98FEDC;
	v1 =	vcombine.low v1, v3;
	v3 =	vimm.s32 $0x32107654  }
0x5d: {  	v2 =	vunpack.c.l.s4.s8 v2;
	v3 =	vunpack.c.l.s4.s8 v3  }
0x5e: {  	v1 =	vperm.xlane v0, v1  }
0x5f: {  	v2 =	vunpack.c.0.s8.s32 v2;
	v3 =	vunpack.c.0.s8.s32 v3  }
0x60: {  	v0 =	vadd.f32 v1, v0  }
0x61: {  	v1 =	vcombine.low v3, v2;
	v2 =	vimm.s32 $0xDCFE98BA;
	v3 =	vimm.s32 $0x54761032  }
0x62: {  	v2 =	vunpack.c.l.s4.s8 v2;
	v3 =	vunpack.c.l.s4.s8 v3  }
0x63: {  	v1 =	vperm.xlane v0, v1  }
0x64: {  	v2 =	vunpack.c.0.s8.s32 v2;
	v3 =	vunpack.c.0.s8.s32 v3  }
0x65: {  	v4 =	vimm.s32 $0x67452301;
	v0 =	vadd.f32 v1, v0;
	v1 =	vimm.s32 $0xEFCDAB89  }
0x66: {  	v2 =	vcombine.low v3, v2;
	v1 =	vunpack.c.l.s4.s8 v1;
	v3 =	vunpack.c.l.s4.s8 v4;
	_ =	sdelay $0x1  }
0x67: {  	v2 =	vperm.xlane v0, v2;
	v1 =	vunpack.c.0.s8.s32 v1;
	v3 =	vunpack.c.0.s8.s32 v3;
	_ =	sdelay $0x1  }
0x68: {  	v0 =	vadd.f32 v2, v0;
	v1 =	vcombine.low v3, v1;
	_ =	sdelay $0x1  }
0x69: {  	v1 =	vperm.xlane v0, v1  }
0x6a: {  	s5 =	sshll.u32 s5, $0xA  }
0x6b: {  	s5 =	sor.u32 s6, s5;
	v0 =	vadd.f32 v1, v0  }
0x6c: {  	s9 =	simm.s32 $0x6800;
	s5 =	sshrl.u32 s5, $0x3  }
0x6d: {  	s28 =	simm.s32 $0x4;
	s6 =	simm.s32 $0x0;
	s8 =	sadd.s32 s7, s5;
	[tilespmem:$0x6800] =	vst v0  }
0x6e: {  	[hbm4b:s8+s6] =	stream.linear.scatter [tilespmem:s9], [sflag:$0x4], $0x80, $0x38;
	[tilespmem:$0x7180] =	vst v63  }
0x6f: {  	_ =	swait.ge [sflag:s28], $0x80  }
0x70: {  	[sflag:s28] =	ssyncset.done $0x0  }
0x71: {  	[sflag:s28] =	ssyncadd.s32 $0xFFFFFF80  }
0x72: {  	s29 =	simm.s32 $0x6000;
	[bflag:$0x0] =	sbarrier.arrive $0xFFFF  }
0x73: {  	[tilespmem:s29], [sflag:$0x4] =	stream.linear.gather [hbm4b:s7+s6], $0x800, $0x38;
	[tilespmem:$0x7180] =	vst v63  }
0x74: {  	_ =	swait.ge [sflag:s28], $0x800  }
0x75: {  	[sflag:s28] =	ssyncset.done $0x0  }
0x76: {  	[sflag:s28] =	ssyncadd.s32 $0xFFFFF800  }
0x77: {  	v15 =	vld [tilespmem:$0x6000]  }
0x78: {  	v14 =	vld [tilespmem:$0x6080]  }
0x79: {  	v13 =	vld [tilespmem:$0x6100]  }
0x7a: {  	v12 =	vld [tilespmem:$0x6180]  }
0x7b: {  	v11 =	vld [tilespmem:$0x6200]  }
0x7c: {  	v10 =	vld [tilespmem:$0x6280]  }
0x7d: {  	v9 =	vld [tilespmem:$0x6300]  }
0x7e: {  	v8 =	vld [tilespmem:$0x6380]  }
0x7f: {  	v16 =	vlaneseq.u32;
	v7 =	vld [tilespmem:$0x6400]  }
0x80: {  	v0 =	vand.u32 $0x7, v16;
	v6 =	vld [tilespmem:$0x6480]  }
0x81: {  	v19 =	vmul.u32 $0x10, v16;
	v0 =	vmul.u32 $0x10, v0;
	v5 =	vld [tilespmem:$0x6500]  }
0x82: {  	v4 =	vld [tilespmem:$0x6580]  }
0x83: {  	v22 =	vor.u32 $0xFFFFFF80, v0;
	v0 =	vor.u32 s6, v19;
	v3 =	vld [tilespmem:$0x6600]  }
0x84: {  	v17 =	vand.u32 v22, v0;
	v2 =	vld [tilespmem:$0x6680]  }
0x85: {  	s30 =	simm.s32 $0x1;
	v27 =	vor.u32 $0x1, v19;
	v1 =	vld [tilespmem:$0x6700]  }
0x86: {  	v18 =	vor.u32 s6, v27;
	v0 =	vld [tilespmem:$0x6780];
	_ =	swait.ge [sflag:s30], $0x4000  }
0x87: {  	v28 =	vor.u32 $0x2, v19;
	[sflag:s30] =	ssyncset.done $0x0  }
0x88: {  	v20 =	vor.u32 s6, v28;
	s7 =	simm.s32 $0x2000;
	[sflag:s30] =	ssyncadd.s32 $0xFFFFC000  }
0x89: {  	v29 =	vor.u32 $0x3, v19;
	v17 =	vld.idx.msk [tilespmem:v17+s7+$0x0], $0xffff  }
0x8a: {  	v21 =	vor.u32 s6, v29  }
0x8b: {  	v31 =	vor.u32 $0x4, v19;
	v18 =	vld.idx.msk [tilespmem:v18+s7+$0x0], $0xffff  }
0x8c: {  	v33 =	vor.u32 $0x6, v19;
	v23 =	vor.u32 s6, v31  }
0x8d: {  	v32 =	vor.u32 $0x5, v19;
	v35 =	vor.u32 s6, v33;
	v20 =	vld.idx.msk [tilespmem:v20+s7+$0x0], $0xffff  }
0x8e: {  	s31 =	simm.s32 $0x100;
	v34 =	vor.u32 $0x7, v19;
	v24 =	vor.u32 s6, v32;
	v17 =	vmul.f32 v17, v15  }
0x8f: {  	v25 =	vor.u32 $0xA, v19;
	v37 =	vor.u32 s31, v19;
	v36 =	vor.u32 s6, v34;
	v21 =	vld.idx.msk [tilespmem:v21+s7+$0x0], $0xffff  }
0x90: {  	v37 =	vand.u32 v22, v37;
	v18 =	vmul.f32 v18, v14;
	v17 =	vadd.f32 $0.0e+00, v17  }
0x91: {  	v38 =	vor.u32 s6, v25;
	v23 =	vld.idx.msk [tilespmem:v23+s7+$0x0], $0xffff  }
0x92: {  	v39 =	vor.u32 s31, v27;
	v35 =	vld.idx.msk [tilespmem:v35+s7+$0x0], $0xffff;
	v17 =	vadd.f32 v18, v17;
	v18 =	vmul.f32 v20, v13  }
0x93: {  	v30 =	vor.u32 $0x8, v19;
	v26 =	vor.u32 $0x9, v19;
	v41 =	vor.u32 s31, v28;
	v20 =	vld.idx.msk [tilespmem:v24+s7+$0x0], $0xffff  }
0x94: {  	v36 =	vld.idx.msk [tilespmem:v36+s7+$0x0], $0xffff;
	v24 =	vor.u32 s6, v30;
	v17 =	vadd.f32 v18, v17;
	v18 =	vmul.f32 v21, v12  }
0x95: {  	v44 =	vimm.f32 $-Inf;
	v43 =	vor.u32 s31, v29;
	v37 =	vld.idx.msk [tilespmem:v37+s7+$0x0], $0xffff;
	v21 =	vor.u32 s6, v26  }
0x96: {  	v46 =	vor.u32 s31, v31;
	v38 =	vld.idx.msk [tilespmem:v38+s7+$0x0], $0xffff;
	v17 =	vadd.f32 v18, v17;
	v18 =	vmul.f32 v23, v11  }
0x97: {  	v48 =	vor.u32 s31, v32;
	v49 =	vor.u32 s31, v33;
	v55 =	vor.u32 s31, v34;
	v39 =	vld.idx.msk [tilespmem:v39+s7+$0x0], $0xffff  }
0x98: {  	v50 =	vor.u32 s31, v26;
	v41 =	vld.idx.msk [tilespmem:v41+s7+$0x0], $0xffff;
	v17 =	vadd.f32 v18, v17;
	v18 =	vmul.f32 v20, v10  }
0x99: {  	v59 =	vor.u32 s31, v30;
	v62 =	vor.u32 s31, v25;
	v23 =	vor.u32 $0xB, v19;
	v24 =	vld.idx.msk [tilespmem:v24+s7+$0x0], $0xffff  }
0x9a: {  	v40 =	vor.u32 s6, v23;
	v42 =	vld.idx.msk [tilespmem:v21+s7+$0x0], $0xffff;
	v21 =	vmul.f32 v35, v9;
	v18 =	vadd.f32 v18, v17  }
0x9b: {  	v43 =	vld.idx.msk [tilespmem:v43+s7+$0x0], $0xffff;
	v36 =	vmul.f32 v36, v8;
	v37 =	vmul.f32 v37, v15;
	v20 =	vor.u32 $0xC, v19  }
0x9c: {  	v54 =	vld.idx.msk [tilespmem:v46+s7+$0x0], $0xffff;
	v63 =	vor.u32 s6, v20;
	v17 =	vor.u32 $0xD, v19;
	v21 =	vadd.f32 v21, v18  }
0x9d: {  	v57 =	vld.idx.msk [tilespmem:v48+s7+$0x0], $0xffff;
	v39 =	vmul.f32 v39, v14;
	v37 =	vadd.f32 $0.0e+00, v37;
	v45 =	vor.u32 s6, v17  }
0x9e: {  	v61 =	vld.idx.msk [tilespmem:v49+s7+$0x0], $0xffff;
	v18 =	vor.u32 $0xE, v19;
	v24 =	vmul.f32 v24, v7;
	v36 =	vadd.f32 v36, v21  }
0x9f: {  	v56 =	vmul.f32 v41, v13;
	v37 =	vadd.f32 v39, v37;
	v40 =	vld.idx.msk [tilespmem:v40+s7+$0x0], $0xffff;
	v47 =	vor.u32 s6, v18  }
0xa0: {  	v48 =	vld.idx.msk [tilespmem:v50+s7+$0x0], $0xffff;
	v21 =	vor.u32 $0xF, v19;
	v52 =	vmul.f32 v42, v6;
	v24 =	vadd.f32 v24, v36  }
0xa1: {  	s8 =	simm.s32 $0x200;
	v60 =	vmul.f32 v43, v12;
	v37 =	vadd.f32 v56, v37;
	v35 =	vld.idx.msk [tilespmem:v63+s7+$0x0], $0xffff;
	v53 =	vor.u32 s6, v21  }
0xa2: {  	v58 =	vor.u32 s8, v19;
	v38 =	vmul.f32 v38, v5;
	v43 =	vld.idx.msk [tilespmem:v62+s7+$0x0], $0xffff;
	v24 =	vadd.f32 v52, v24  }
0xa3: {  	v41 =	vand.u32 v22, v58;
	v37 =	vadd.f32 v60, v37;
	v45 =	vld.idx.msk [tilespmem:v45+s7+$0x0], $0xffff;
	v36 =	vmul.f32 v54, v11  }
0xa4: {  	v58 =	vmul.f32 v61, v9;
	v63 =	vld.idx.msk [tilespmem:v55+s7+$0x0], $0xffff;
	v40 =	vmul.f32 v40, v4;
	v24 =	vadd.f32 v38, v24  }
0xa5: {  	v61 =	vor.u32 s8, v31;
	v55 =	vmul.f32 v57, v10;
	v47 =	vld.idx.msk [tilespmem:v47+s7+$0x0], $0xffff;
	v36 =	vadd.f32 v36, v37  }
0xa6: {  	v35 =	vmul.f32 v35, v3;
	v42 =	vld.idx.msk [tilespmem:v53+s7+$0x0], $0xffff;
	v53 =	vor.u32 s8, v27;
	v24 =	vadd.f32 v40, v24  }
0xa7: {  	v49 =	vmul.f32 v48, v6;
	v60 =	vor.u32 s31, v17;
	v38 =	vld.idx.msk [tilespmem:v59+s7+$0x0], $0xffff;
	v36 =	vadd.f32 v55, v36  }
0xa8: {  	v41 =	vld.idx.msk [tilespmem:v41+s7+$0x0], $0xffff;
	v54 =	vor.u32 s31, v23;
	v45 =	vmul.f32 v45, v2;
	v24 =	vadd.f32 v35, v24  }
0xa9: {  	v56 =	vor.u32 s8, v28;
	v57 =	vor.u32 s31, v20;
	v36 =	vadd.f32 v58, v36  }
0xaa: {  	v47 =	vmul.f32 v47, v1;
	v35 =	vmul.f32 v63, v8;
	v24 =	vadd.f32 v45, v24  }
0xab: {  	v59 =	vor.u32 s8, v29;
	v55 =	vor.u32 s31, v21;
	v42 =	vmul.f32 v42, v0;
	v51 =	vld.idx.msk [tilespmem:v53+s7+$0x0], $0xffff  }
0xac: {  	v39 =	vld.idx.msk [tilespmem:v60+s7+$0x0], $0xffff;
	v38 =	vmul.f32 v38, v7;
	v36 =	vadd.f32 v35, v36;
	v24 =	vadd.f32 v47, v24  }
0xad: {  	v43 =	vmul.f32 v43, v5;
	v41 =	vmul.f32 v41, v15;
	v52 =	vor.u32 s6, v16;
	v62 =	vld.idx.msk [tilespmem:v54+s7+$0x0], $0xffff  }
0xae: {  	v63 =	vor.u32 s31, v18;
	v45 =	vld.idx.msk [tilespmem:v56+s7+$0x0], $0xffff;
	v36 =	vadd.f32 v38, v36;
	v24 =	vadd.f32 v42, v24  }
0xaf: {  	v54 =	vld.idx.msk [tilespmem:v57+s7+$0x0], $0xffff;
	v57 =	vor.u32 s8, v33;
	v40 =	vimm.s32 $0x0;
	v53 =	vor.u32 s8, v32  }
0xb0: {  	v56 =	vld.idx.msk [tilespmem:v59+s7+$0x0], $0xffff;
	v58 =	vmul.f32 v51, v14;
	v59 =	vadd.f32 v49, v36;
	vm0 =	vgt.f32 v24, v44  }
0xb1: {  	v37 =	vld.idx.msk [tilespmem:v55+s7+$0x0], $0xffff;
	v35 =	vsel vm0, v24, v44;
	v24 =	vsel vm0, v52, v40;
	v52 =	vadd.f32 $0.0e+00, v41  }
0xb2: {  	v60 =	vmul.f32 v62, v4;
	v38 =	vor.u32 s8, v26;
	v40 =	vld.idx.msk [tilespmem:v61+s7+$0x0], $0xffff;
	v41 =	vor.u32 s8, v34  }
0xb3: {  	s9 =	simm.s32 $0x300;
	v36 =	vld.idx.msk [tilespmem:v63+s7+$0x0], $0xffff;
	v62 =	vmul.f32 v45, v13;
	v63 =	vadd.f32 v43, v59;
	v61 =	vadd.f32 v58, v52  }
0xb4: {  	v42 =	vld.idx.msk [tilespmem:v53+s7+$0x0], $0xffff;
	v49 =	vor.u32 s9, v19;
	v45 =	vmul.f32 v54, v3;
	v44 =	vor.u32 s8, v30  }
0xb5: {  	s10 =	simm.s32 $0x400;
	v48 =	vmul.f32 v56, v12;
	v43 =	vld.idx.msk [tilespmem:v57+s7+$0x0], $0xffff;
	v46 =	vadd.f32 v60, v63;
	v47 =	vadd.f32 v62, v61  }
.LBB2_3:
0xb6: {  	p0 =	sne.s32 s10, $0xF00;
	v49 =	vand.u32 v22, v49;
	v50 =	vor.u32 s8, v25;
	v39 =	vmul.f32 v39, v2  }
0xb7: {  	v40 =	vmul.f32 v40, v11;
	v47 =	vadd.f32 v48, v47;
	v41 =	vld.idx.msk [tilespmem:v41+s7+$0x0], $0xffff;
	v45 =	vadd.f32 v45, v46  }
0xb8: {  	v46 =	vor.u32 s9, v27;
	v48 =	vor.u32 s8, v23;
	v36 =	vmul.f32 v36, v1  }
0xb9: {  	v42 =	vmul.f32 v42, v10;
	v40 =	vadd.f32 v40, v47;
	v44 =	vld.idx.msk [tilespmem:v44+s7+$0x0], $0xffff;
	v39 =	vadd.f32 v39, v45  }
0xba: {  	v45 =	vor.u32 s9, v28;
	v47 =	vor.u32 s8, v20;
	v37 =	vmul.f32 v37, v0;
	v38 =	vld.idx.msk [tilespmem:v38+s7+$0x0], $0xffff  }
0xbb: {  	v49 =	vld.idx.msk [tilespmem:v49+s7+$0x0], $0xffff;
	v40 =	vadd.f32 v42, v40;
	v42 =	vmul.f32 v43, v9;
	v36 =	vadd.f32 v36, v39  }
0xbc: {  	v39 =	vor.u32 s9, v29;
	v43 =	vld.idx.msk [tilespmem:v50+s7+$0x0], $0xffff;
	v50 =	vor.u32 s8, v17  }
0xbd: {  	s6 =	sadd.s32 $0x10, s6;
	v41 =	vmul.f32 v41, v8;
	v46 =	vld.idx.msk [tilespmem:v46+s7+$0x0], $0xffff;
	v40 =	vadd.f32 v42, v40;
	v36 =	vadd.f32 v37, v36  }
0xbe: {  	v51 =	vor.u32 s6, v16;
	v37 =	vor.u32 s9, v31;
	v42 =	vld.idx.msk [tilespmem:v48+s7+$0x0], $0xffff;
	v48 =	vor.u32 s8, v18  }
0xbf: {  	v45 =	vld.idx.msk [tilespmem:v45+s7+$0x0], $0xffff;
	v40 =	vadd.f32 v41, v40;
	v41 =	vmul.f32 v44, v7;
	vm0 =	vgt.f32 v36, v35  }
0xc0: {  	v52 =	vor.u32 s8, v21;
	s8 =	smov.u32 s9;
	v44 =	vor.u32 s9, v32;
	s9 =	smov.u32 s10;
	v47 =	vld.idx.msk [tilespmem:v47+s7+$0x0], $0xffff;
	v35 =	vsel vm0, v36, v35  }
0xc1: {  	v38 =	vmul.f32 v38, v6;
	v36 =	vmul.f32 v49, v15;
	v53 =	vld.idx.msk [tilespmem:v39+s7+$0x0], $0xffff;
	v41 =	vadd.f32 v41, v40  }
0xc2: {  	v54 =	vor.u32 s8, v33;
	v24 =	vsel vm0, v51, v24;
	v43 =	vmul.f32 v43, v5;
	v39 =	vld.idx.msk [tilespmem:v50+s7+$0x0], $0xffff  }
.Ltmp1:
0xc3: {  	v49 =	vadd.f32 $0.0e+00, v36;
	v46 =	vmul.f32 v46, v14;
	v40 =	vld.idx.msk [tilespmem:v37+s7+$0x0], $0xffff;
	v37 =	vadd.f32 v38, v41;
	(pc) =	sbr.rel @p0 .LBB2_3-.Ltmp1, $4  }
0xc4: {  	v41 =	vor.u32 s8, v34;
	v38 =	vor.u32 s8, v26;
	v50 =	vmul.f32 v42, v4;
	v36 =	vld.idx.msk [tilespmem:v48+s7+$0x0], $0xffff  }
0xc5: {  	v46 =	vadd.f32 v46, v49;
	v48 =	vmul.f32 v45, v13;
	v42 =	vld.idx.msk [tilespmem:v44+s7+$0x0], $0xffff;
	v51 =	vadd.f32 v43, v37  }
0xc6: {  	v49 =	vor.u32 s10, v19;
	v44 =	vor.u32 s8, v30;
	v45 =	vmul.f32 v47, v3;
	v37 =	vld.idx.msk [tilespmem:v52+s7+$0x0], $0xffff  }
0xc7: {  	s10 =	sadd.s32 $0x100, s10;
	v47 =	vadd.f32 v48, v46;
	v48 =	vmul.f32 v53, v12;
	v43 =	vld.idx.msk [tilespmem:v54+s7+$0x0], $0xffff;
	v46 =	vadd.f32 v50, v51  }
0xc8: {  	v19 =	vand.u32 v22, v49;
	_ =	sdelay $0x1  }
0xc9: {  	v22 =	vor.u32 s9, v27;
	_ =	sdelay $0x1  }
0xca: {  	v27 =	vor.u32 s9, v28  }
0xcb: {  	v19 =	vld.idx.msk [tilespmem:v19+s7+$0x0], $0xffff  }
0xcc: {  	v28 =	vor.u32 s9, v29  }
0xcd: {  	v22 =	vld.idx.msk [tilespmem:v22+s7+$0x0], $0xffff  }
0xce: {  	v29 =	vor.u32 s9, v31  }
0xcf: {  	v27 =	vld.idx.msk [tilespmem:v27+s7+$0x0], $0xffff  }
0xd0: {  	v31 =	vor.u32 s9, v32;
	v19 =	vmul.f32 v19, v15  }
0xd1: {  	v28 =	vld.idx.msk [tilespmem:v28+s7+$0x0], $0xffff  }
0xd2: {  	v56 =	vor.u32 s9, v33;
	v22 =	vmul.f32 v22, v14;
	v19 =	vadd.f32 $0.0e+00, v19  }
0xd3: {  	v57 =	vor.u32 s8, v25;
	v29 =	vld.idx.msk [tilespmem:v29+s7+$0x0], $0xffff  }
0xd4: {  	v34 =	vor.u32 s9, v34;
	v41 =	vld.idx.msk [tilespmem:v41+s7+$0x0], $0xffff;
	v19 =	vadd.f32 v22, v19;
	v22 =	vmul.f32 v27, v13  }
0xd5: {  	v40 =	vmul.f32 v40, v11;
	v30 =	vor.u32 s9, v30;
	v58 =	vadd.f32 v48, v47;
	v31 =	vld.idx.msk [tilespmem:v31+s7+$0x0], $0xffff  }
0xd6: {  	v60 =	vld.idx.msk [tilespmem:v44+s7+$0x0], $0xffff;
	v26 =	vor.u32 s9, v26;
	v19 =	vadd.f32 v22, v19;
	v22 =	vmul.f32 v28, v12  }
0xd7: {  	v59 =	vmul.f32 v42, v10;
	v32 =	vld.idx.msk [tilespmem:v56+s7+$0x0], $0xffff;
	v27 =	vmul.f32 v39, v2;
	v39 =	vadd.f32 v40, v58  }
0xd8: {  	v38 =	vld.idx.msk [tilespmem:v38+s7+$0x0], $0xffff;
	v25 =	vor.u32 s9, v25;
	v19 =	vadd.f32 v22, v19;
	v22 =	vmul.f32 v29, v11  }
0xd9: {  	v61 =	vmul.f32 v43, v9;
	v34 =	vld.idx.msk [tilespmem:v34+s7+$0x0], $0xffff;
	v39 =	vadd.f32 v59, v39;
	v29 =	vor.u32 s8, v23  }
0xda: {  	v63 =	vor.u32 s8, v17;
	v19 =	vadd.f32 v22, v19;
	v22 =	vmul.f32 v31, v10  }
0xdb: {  	v62 =	vmul.f32 v41, v8;
	v30 =	vld.idx.msk [tilespmem:v30+s7+$0x0], $0xffff;
	v39 =	vadd.f32 v61, v39;
	v31 =	vor.u32 s8, v20  }
0xdc: {  	v33 =	vld.idx.msk [tilespmem:v57+s7+$0x0], $0xffff;
	v23 =	vor.u32 s9, v23;
	v19 =	vadd.f32 v22, v19;
	v22 =	vmul.f32 v32, v9  }
0xdd: {  	v44 =	vmul.f32 v60, v7;
	v26 =	vld.idx.msk [tilespmem:v26+s7+$0x0], $0xffff;
	v38 =	vmul.f32 v38, v6;
	v39 =	vadd.f32 v62, v39  }
0xde: {  	v20 =	vor.u32 s9, v20;
	v29 =	vld.idx.msk [tilespmem:v29+s7+$0x0], $0xffff;
	v19 =	vadd.f32 v22, v19;
	v22 =	vmul.f32 v34, v8  }
0xdf: {  	v25 =	vld.idx.msk [tilespmem:v25+s7+$0x0], $0xffff;
	v28 =	vadd.f32 v45, v46;
	v45 =	vor.u32 s8, v18;
	v39 =	vadd.f32 v44, v39  }
0xe0: {  	v17 =	vor.u32 s9, v17;
	v31 =	vld.idx.msk [tilespmem:v31+s7+$0x0], $0xffff;
	v19 =	vadd.f32 v22, v19;
	v22 =	vmul.f32 v30, v7  }
0xe1: {  	v33 =	vmul.f32 v33, v5;
	v23 =	vld.idx.msk [tilespmem:v23+s7+$0x0], $0xffff;
	v38 =	vadd.f32 v38, v39;
	v30 =	vor.u32 s8, v21  }
0xe2: {  	v18 =	vor.u32 s9, v18;
	v32 =	vld.idx.msk [tilespmem:v63+s7+$0x0], $0xffff;
	v19 =	vadd.f32 v22, v19;
	v22 =	vmul.f32 v26, v6  }
0xe3: {  	v20 =	vld.idx.msk [tilespmem:v20+s7+$0x0], $0xffff;
	v21 =	vor.u32 s9, v21;
	v26 =	vmul.f32 v29, v4;
	v29 =	vadd.f32 v33, v38  }
0xe4: {  	v25 =	vmul.f32 v25, v5;
	v46 =	vmul.f32 v36, v1;
	v34 =	vld.idx.msk [tilespmem:v45+s7+$0x0], $0xffff;
	v19 =	vadd.f32 v22, v19  }
0xe5: {  	v17 =	vld.idx.msk [tilespmem:v17+s7+$0x0], $0xffff;
	v22 =	vadd.f32 v27, v28;
	v27 =	vmul.f32 v31, v3;
	v26 =	vadd.f32 v26, v29  }
0xe6: {  	v23 =	vmul.f32 v23, v4;
	v28 =	vmul.f32 v37, v0;
	v29 =	vld.idx.msk [tilespmem:v30+s7+$0x0], $0xffff;
	v19 =	vadd.f32 v25, v19  }
0xe7: {  	v18 =	vld.idx.msk [tilespmem:v18+s7+$0x0], $0xffff;
	v22 =	vadd.f32 v46, v22;
	v25 =	vmul.f32 v32, v2;
	v26 =	vadd.f32 v27, v26  }
0xe8: {  	v20 =	vmul.f32 v20, v3;
	v21 =	vld.idx.msk [tilespmem:v21+s7+$0x0], $0xffff;
	v19 =	vadd.f32 v23, v19  }
0xe9: {  	v22 =	vadd.f32 v28, v22;
	v23 =	vmul.f32 v34, v1;
	v25 =	vadd.f32 v25, v26  }
0xea: {  	v17 =	vmul.f32 v17, v2;
	v19 =	vadd.f32 v20, v19  }
0xeb: {  	vm0 =	vgt.f32 v22, v35;
	v20 =	vmul.f32 v29, v0;
	v23 =	vadd.f32 v23, v25  }
0xec: {  	v18 =	vmul.f32 v18, v1;
	v22 =	vsel vm0, v22, v35;
	v17 =	vadd.f32 v17, v19  }
0xed: {  	v19 =	vadd.f32 v20, v23;
	v20 =	vmul.f32 v21, v0;
	v21 =	vimm.s32 $0xFEDCBA98  }
0xee: {  	v21 =	vunpack.c.l.s4.s8 v21;
	v17 =	vadd.f32 v18, v17;
	v18 =	vimm.s32 $0x76543210  }
0xef: {  	vm1 =	vgt.f32 v19, v22;
	v18 =	vunpack.c.l.s4.s8 v18  }
0xf0: {  	v19 =	vsel vm1, v19, v22;
	v17 =	vadd.f32 v20, v17;
	v20 =	vunpack.c.0.s8.s32 v21  }
0xf1: {  	v22 =	vimm.s32 $0x32107654;
	v21 =	vimm.s32 $0xBA98FEDC;
	v18 =	vunpack.c.0.s8.s32 v18  }
0xf2: {  	v22 =	vunpack.c.l.s4.s8 v22;
	v21 =	vunpack.c.l.s4.s8 v21;
	v20 =	vand.u32 $0xF, v20  }
0xf3: {  	vm2 =	vgt.f32 v17, v19;
	v23 =	vcombine.low v20, v18  }
0xf4: {  	v17 =	vsel vm2, v17, v19;
	v18 =	vunpack.c.0.s8.s32 v21;
	v19 =	vunpack.c.0.s8.s32 v22  }
0xf5: {  	v21 =	vimm.s32 $0xDCFE98BA;
	v22 =	vimm.s32 $0x54761032  }
0xf6: {  	v18 =	vcombine.low v19, v18;
	v19 =	vunpack.c.l.s4.s8 v21;
	v21 =	vunpack.c.l.s4.s8 v22  }
0xf7: {  	v25 =	vimm.s32 $0x67452301;
	v20 =	vperm.xlane v17, v23  }
0xf8: {  	v22 =	vand.u32 $0xF, v18;
	v18 =	vunpack.c.0.s8.s32 v19;
	v19 =	vunpack.c.0.s8.s32 v21  }
0xf9: {  	v25 =	vunpack.c.l.s4.s8 v25;
	v20 =	vmax.f32 v17, v20  }
0xfa: {  	v21 =	vperm.xlane v20, v22;
	v18 =	vcombine.low v19, v18;
	v19 =	vimm.s32 $0xEFCDAB89  }
0xfb: {  	v19 =	vunpack.c.l.s4.s8 v19  }
0xfc: {  	v20 =	vmax.f32 v20, v21;
	v21 =	vunpack.c.0.s8.s32 v25  }
0xfd: {  	s6 =	sadd.s32 $0x10, s6;
	v26 =	vand.u32 $0xF, v18;
	v18 =	vlaneseq.u32;
	v19 =	vunpack.c.0.s8.s32 v19  }
0xfe: {  	v25 =	vor.u32 s6, v16;
	v27 =	vperm.xlane v20, v26;
	v28 =	vand.u32 $0x7, v18  }
0xff: {  	v28 =	vmul.u32 $0x10, v28;
	v21 =	vcombine.low v21, v19;
	v19 =	vmul.u32 $0x10, v18  }
0x100: {  	s30 =	simm.s32 $0x1000;
	v24 =	vsel vm0, v25, v24;
	v25 =	vmax.f32 v20, v27  }
0x101: {  	s6 =	sadd.s32 $0x10, s6;
	v20 =	vor.u32 $0xFFFFFF80, v28;
	v31 =	vand.u32 $0xF, v21;
	v21 =	vor.u32 s30, v19  }
0x102: {  	v27 =	vor.u32 s6, v16;
	v28 =	vperm.xlane v25, v31;
	v29 =	vand.u32 v20, v21  }
0x103: {  	s6 =	sadd.s32 $0x10, s6;
	v24 =	vsel vm1, v27, v24;
	v21 =	vor.u32 $0x1, v19  }
0x104: {  	v16 =	vor.u32 s6, v16;
	v27 =	vor.u32 s30, v21;
	v25 =	vmax.f32 v25, v28  }
0x105: {  	v16 =	vsel vm2, v16, v24;
	vm14 =	veq.f32 v17, v25;
	v25 =	vor.u32 $0x2, v19  }
0x106: {  	s6 =	simm.s32 $0x2000;
	v16 =	vnsel vm14, $0x40000000, v16;
	v17 =	vor.u32 s30, v25  }
0x107: {  	v30 =	vor.u32 $0x3, v19;
	v23 =	vperm.xlane v16, v23;
	v24 =	vld.idx.msk [tilespmem:v29+s6+$0x0], $0xffff  }
0x108: {  	v28 =	vor.u32 s30, v30  }
0x109: {  	v32 =	vor.u32 $0x4, v19;
	v27 =	vld.idx.msk [tilespmem:v27+s6+$0x0], $0xffff;
	vm0 =	vlt.s32 v16, v23  }
0x10a: {  	v16 =	vsel vm0, v16, v23;
	v23 =	vor.u32 s30, v32  }
0x10b: {  	v33 =	vor.u32 $0x5, v19;
	v35 =	vor.u32 $0x6, v19;
	v34 =	vor.u32 $0x8, v19;
	v17 =	vld.idx.msk [tilespmem:v17+s6+$0x0], $0xffff  }
0x10c: {  	v47 =	vor.u32 s30, v33;
	v22 =	vperm.xlane v16, v22;
	v24 =	vmul.f32 v24, v15  }
0x10d: {  	v48 =	vor.u32 s30, v35;
	v50 =	vor.u32 s30, v34;
	v28 =	vld.idx.msk [tilespmem:v28+s6+$0x0], $0xffff  }
0x10e: {  	s31 =	simm.s32 $0x1100;
	vm0 =	vlt.s32 v16, v22;
	v27 =	vmul.f32 v27, v14;
	v24 =	vadd.f32 $0.0e+00, v24  }
0x10f: {  	v36 =	vor.u32 $0x7, v19;
	v53 =	vor.u32 s31, v21;
	v16 =	vsel vm0, v16, v22;
	v22 =	vld.idx.msk [tilespmem:v23+s6+$0x0], $0xffff  }
0x110: {  	v23 =	vor.u32 s30, v36;
	v24 =	vadd.f32 v27, v24;
	v17 =	vmul.f32 v17, v13  }
0x111: {  	v56 =	vor.u32 s31, v25;
	v29 =	vor.u32 $0x9, v19;
	v37 =	vld.idx.msk [tilespmem:v47+s6+$0x0], $0xffff;
	v27 =	vor.u32 s31, v19  }
0x112: {  	v38 =	vld.idx.msk [tilespmem:v48+s6+$0x0], $0xffff;
	v51 =	vand.u32 v20, v27;
	v17 =	vadd.f32 v17, v24;
	v24 =	vmul.f32 v28, v12  }
0x113: {  	v42 =	vimm.f32 $-Inf;
	v58 =	vor.u32 s31, v30;
	v55 =	vld.idx.msk [tilespmem:v50+s6+$0x0], $0xffff;
	v28 =	vor.u32 s30, v29  }
0x114: {  	v62 =	vor.u32 s31, v32;
	v43 =	vld.idx.msk [tilespmem:v53+s6+$0x0], $0xffff;
	v17 =	vadd.f32 v24, v17;
	v22 =	vmul.f32 v22, v11  }
0x115: {  	v50 =	vor.u32 s31, v33;
	v49 =	vperm.xlane v16, v26;
	v26 =	vor.u32 $0xA, v19;
	v52 =	vld.idx.msk [tilespmem:v23+s6+$0x0], $0xffff  }
0x116: {  	v40 =	vld.idx.msk [tilespmem:v56+s6+$0x0], $0xffff;
	v24 =	vor.u32 s30, v26;
	v23 =	vmul.f32 v37, v10;
	v17 =	vadd.f32 v22, v17  }
0x117: {  	v38 =	vmul.f32 v38, v9;
	vm0 =	vlt.s32 v16, v49;
	v27 =	vor.u32 $0xB, v19;
	v41 =	vld.idx.msk [tilespmem:v51+s6+$0x0], $0xffff  }
0x118: {  	v16 =	vsel vm0, v16, v49;
	v54 =	vor.u32 s30, v27;
	v57 =	vld.idx.msk [tilespmem:v28+s6+$0x0], $0xffff;
	v28 =	vadd.f32 v23, v17  }
0x119: {  	v39 =	vmul.f32 v55, v7;
	v22 =	vor.u32 $0xC, v19;
	v17 =	vperm.xlane v16, v31  }
0x11a: {  	v45 =	vld.idx.msk [tilespmem:v58+s6+$0x0], $0xffff;
	v31 =	vor.u32 s30, v22;
	v60 =	vmul.f32 v52, v8;
	v28 =	vadd.f32 v38, v28  }
0x11b: {  	v53 =	vor.u32 s31, v34;
	v43 =	vmul.f32 v43, v14;
	v40 =	vmul.f32 v40, v13;
	v59 =	vld.idx.msk [tilespmem:v24+s6+$0x0], $0xffff  }
0x11c: {  	v58 =	vld.idx.msk [tilespmem:v62+s6+$0x0], $0xffff;
	v62 =	vor.u32 s31, v26;
	v23 =	vor.u32 $0xD, v19;
	v38 =	vadd.f32 v60, v28  }
0x11d: {  	v37 =	vld.idx.msk [tilespmem:v54+s6+$0x0], $0xffff;
	v24 =	vor.u32 $0xE, v19;
	v61 =	vor.u32 s30, v23;
	v41 =	vmul.f32 v41, v15  }
0x11e: {  	v63 =	vor.u32 s30, v24;
	v56 =	vmul.f32 v57, v6;
	v38 =	vadd.f32 v39, v38  }
0x11f: {  	v51 =	vor.u32 s31, v35;
	v28 =	vor.u32 $0xF, v19;
	v31 =	vld.idx.msk [tilespmem:v31+s6+$0x0], $0xffff;
	v41 =	vadd.f32 $0.0e+00, v41  }
0x120: {  	v57 =	vor.u32 s30, v28;
	v46 =	vmul.f32 v59, v5;
	v38 =	vadd.f32 v56, v38  }
0x121: {  	v54 =	vmul.f32 v45, v12;
	v60 =	vld.idx.msk [tilespmem:v50+s6+$0x0], $0xffff;
	v59 =	vor.u32 s31, v36;
	v41 =	vadd.f32 v43, v41  }
0x122: {  	s8 =	simm.s32 $0x1200;
	v52 =	vor.u32 s31, v29;
	v37 =	vmul.f32 v37, v4;
	v47 =	vld.idx.msk [tilespmem:v61+s6+$0x0], $0xffff;
	v38 =	vadd.f32 v46, v38  }
0x123: {  	v48 =	vor.u32 s31, v24;
	v49 =	vld.idx.msk [tilespmem:v63+s6+$0x0], $0xffff;
	v63 =	vor.u32 s8, v19;
	v40 =	vadd.f32 v40, v41  }
0x124: {  	s9 =	simm.s32 $0x1300;
	v55 =	vld.idx.msk [tilespmem:v51+s6+$0x0], $0xffff;
	v61 =	vand.u32 v20, v63;
	v31 =	vmul.f32 v31, v3;
	v37 =	vadd.f32 v37, v38  }
0x125: {  	v51 =	vor.u32 s9, v19;
	v39 =	vmul.f32 v58, v11;
	v44 =	vld.idx.msk [tilespmem:v57+s6+$0x0], $0xffff;
	v40 =	vadd.f32 v54, v40  }
0x126: {  	v63 =	vor.u32 s8, v21;
	v57 =	vmul.f32 v60, v10;
	v31 =	vadd.f32 v31, v37;
	v37 =	vld.idx.msk [tilespmem:v59+s6+$0x0], $0xffff  }
0x127: {  	v58 =	vld.idx.msk [tilespmem:v53+s6+$0x0], $0xffff;
	v47 =	vmul.f32 v47, v2;
	v39 =	vadd.f32 v39, v40;
	v59 =	vor.u32 s8, v25  }
0x128: {  	v50 =	vld.idx.msk [tilespmem:v52+s6+$0x0], $0xffff;
	v56 =	vor.u32 s31, v27;
	v60 =	vor.u32 s31, v22;
	v49 =	vmul.f32 v49, v1  }
0x129: {  	v38 =	vmul.f32 v55, v9;
	v45 =	vld.idx.msk [tilespmem:v61+s6+$0x0], $0xffff;
	v39 =	vadd.f32 v57, v39;
	v31 =	vadd.f32 v47, v31  }
0x12a: {  	v46 =	vld.idx.msk [tilespmem:v62+s6+$0x0], $0xffff;
	v62 =	vor.u32 s31, v23;
	v61 =	vor.u32 s8, v30;
	v44 =	vmul.f32 v44, v0  }
0x12b: {  	s7 =	simm.s32 $0x0;
	v53 =	vld.idx.msk [tilespmem:v63+s6+$0x0], $0xffff;
	v38 =	vadd.f32 v38, v39;
	v31 =	vadd.f32 v49, v31;
	v37 =	vmul.f32 v37, v8  }
0x12c: {  	v54 =	vor.u32 s7, v18;
	v63 =	vmul.f32 v58, v7;
	v39 =	vor.u32 s8, v32;
	v47 =	vld.idx.msk [tilespmem:v59+s6+$0x0], $0xffff  }
0x12d: {  	v57 =	vor.u32 s31, v28;
	v31 =	vadd.f32 v44, v31;
	v44 =	vld.idx.msk [tilespmem:v56+s6+$0x0], $0xffff;
	v38 =	vadd.f32 v37, v38  }
0x12e: {  	v55 =	vor.u32 s8, v33;
	v40 =	vimm.s32 $0x0;
	v56 =	vld.idx.msk [tilespmem:v60+s6+$0x0], $0xffff;
	v60 =	vmul.f32 v45, v15  }
0x12f: {  	v58 =	vor.u32 s8, v35;
	v45 =	vld.idx.msk [tilespmem:v61+s6+$0x0], $0xffff;
	v61 =	vmul.f32 v50, v6;
	v38 =	vadd.f32 v63, v38  }
0x130: {  	v46 =	vmul.f32 v46, v5;
	v41 =	vld.idx.msk [tilespmem:v62+s6+$0x0], $0xffff;
	vm15 =	vgt.f32 v31, v42;
	v62 =	vadd.f32 $0.0e+00, v60  }
0x131: {  	v37 =	vsel vm15, v31, v42;
	v63 =	vmul.f32 v53, v14;
	v42 =	vld.idx.msk [tilespmem:v39+s6+$0x0], $0xffff;
	v59 =	vadd.f32 v61, v38  }
0x132: {  	v43 =	vor.u32 s8, v36;
	v31 =	vsel vm15, v54, v40;
	v39 =	vld.idx.msk [tilespmem:v57+s6+$0x0], $0xffff;
	v60 =	vmul.f32 v44, v4  }
0x133: {  	v38 =	vld.idx.msk [tilespmem:v48+s6+$0x0], $0xffff;
	v61 =	vadd.f32 v63, v62;
	v62 =	vmul.f32 v47, v13;
	v63 =	vadd.f32 v46, v59  }
0x134: {  	v40 =	vor.u32 s8, v29;
	v44 =	vld.idx.msk [tilespmem:v55+s6+$0x0], $0xffff;
	v47 =	vmul.f32 v56, v3;
	v46 =	vor.u32 s8, v34  }
0x135: {  	s10 =	simm.s32 $0x1400;
	v50 =	vmul.f32 v45, v12;
	v45 =	vld.idx.msk [tilespmem:v58+s6+$0x0], $0xffff;
	v49 =	vadd.f32 v62, v61;
	v48 =	vadd.f32 v60, v63  }
.LBB2_5:
0x136: {  	p0 =	sne.s32 s10, $0x1F00;
	v51 =	vand.u32 v20, v51;
	v52 =	vor.u32 s8, v26;
	v41 =	vmul.f32 v41, v2  }
0x137: {  	v42 =	vmul.f32 v42, v11;
	v49 =	vadd.f32 v50, v49;
	v43 =	vld.idx.msk [tilespmem:v43+s6+$0x0], $0xffff;
	v47 =	vadd.f32 v47, v48  }
0x138: {  	v48 =	vor.u32 s9, v21;
	v50 =	vor.u32 s8, v27;
	v38 =	vmul.f32 v38, v1  }
0x139: {  	v44 =	vmul.f32 v44, v10;
	v42 =	vadd.f32 v42, v49;
	v46 =	vld.idx.msk [tilespmem:v46+s6+$0x0], $0xffff;
	v41 =	vadd.f32 v41, v47  }
0x13a: {  	v47 =	vor.u32 s9, v25;
	v49 =	vor.u32 s8, v22;
	v39 =	vmul.f32 v39, v0;
	v40 =	vld.idx.msk [tilespmem:v40+s6+$0x0], $0xffff  }
0x13b: {  	v51 =	vld.idx.msk [tilespmem:v51+s6+$0x0], $0xffff;
	v42 =	vadd.f32 v44, v42;
	v44 =	vmul.f32 v45, v9;
	v38 =	vadd.f32 v38, v41  }
0x13c: {  	v41 =	vor.u32 s9, v30;
	v45 =	vld.idx.msk [tilespmem:v52+s6+$0x0], $0xffff;
	v52 =	vor.u32 s8, v23  }
0x13d: {  	s7 =	sadd.s32 $0x10, s7;
	v43 =	vmul.f32 v43, v8;
	v48 =	vld.idx.msk [tilespmem:v48+s6+$0x0], $0xffff;
	v42 =	vadd.f32 v44, v42;
	v38 =	vadd.f32 v39, v38  }
0x13e: {  	v53 =	vor.u32 s7, v18;
	v39 =	vor.u32 s9, v32;
	v44 =	vld.idx.msk [tilespmem:v50+s6+$0x0], $0xffff;
	v50 =	vor.u32 s8, v24  }
0x13f: {  	v47 =	vld.idx.msk [tilespmem:v47+s6+$0x0], $0xffff;
	v42 =	vadd.f32 v43, v42;
	v43 =	vmul.f32 v46, v7;
	vm0 =	vgt.f32 v38, v37  }
0x140: {  	v54 =	vor.u32 s8, v28;
	s8 =	smov.u32 s9;
	v46 =	vor.u32 s9, v33;
	s9 =	smov.u32 s10;
	v49 =	vld.idx.msk [tilespmem:v49+s6+$0x0], $0xffff;
	v37 =	vsel vm0, v38, v37  }
0x141: {  	v40 =	vmul.f32 v40, v6;
	v38 =	vmul.f32 v51, v15;
	v55 =	vld.idx.msk [tilespmem:v41+s6+$0x0], $0xffff;
	v43 =	vadd.f32 v43, v42  }
0x142: {  	v56 =	vor.u32 s8, v35;
	v31 =	vsel vm0, v53, v31;
	v45 =	vmul.f32 v45, v5;
	v41 =	vld.idx.msk [tilespmem:v52+s6+$0x0], $0xffff  }
.Ltmp2:
0x143: {  	v51 =	vadd.f32 $0.0e+00, v38;
	v48 =	vmul.f32 v48, v14;
	v42 =	vld.idx.msk [tilespmem:v39+s6+$0x0], $0xffff;
	v39 =	vadd.f32 v40, v43;
	(pc) =	sbr.rel @p0 .LBB2_5-.Ltmp2, $4  }
0x144: {  	v43 =	vor.u32 s8, v36;
	v40 =	vor.u32 s8, v29;
	v52 =	vmul.f32 v44, v4;
	v38 =	vld.idx.msk [tilespmem:v50+s6+$0x0], $0xffff  }
0x145: {  	v48 =	vadd.f32 v48, v51;
	v50 =	vmul.f32 v47, v13;
	v44 =	vld.idx.msk [tilespmem:v46+s6+$0x0], $0xffff;
	v53 =	vadd.f32 v45, v39  }
0x146: {  	v51 =	vor.u32 s10, v19;
	v46 =	vor.u32 s8, v34;
	v47 =	vmul.f32 v49, v3;
	v39 =	vld.idx.msk [tilespmem:v54+s6+$0x0], $0xffff  }
0x147: {  	s10 =	sadd.s32 $0x100, s10;
	v49 =	vadd.f32 v50, v48;
	v50 =	vmul.f32 v55, v12;
	v45 =	vld.idx.msk [tilespmem:v56+s6+$0x0], $0xffff;
	v48 =	vadd.f32 v52, v53  }
0x148: {  	v19 =	vand.u32 v20, v51;
	_ =	sdelay $0x1  }
0x149: {  	v20 =	vor.u32 s9, v21;
	_ =	sdelay $0x1  }
0x14a: {  	v21 =	vor.u32 s9, v25  }
0x14b: {  	v19 =	vld.idx.msk [tilespmem:v19+s6+$0x0], $0xffff  }
0x14c: {  	v25 =	vor.u32 s9, v30  }
0x14d: {  	v20 =	vld.idx.msk [tilespmem:v20+s6+$0x0], $0xffff  }
0x14e: {  	v30 =	vor.u32 s9, v32  }
0x14f: {  	v21 =	vld.idx.msk [tilespmem:v21+s6+$0x0], $0xffff  }
0x150: {  	v62 =	vor.u32 s9, v33;
	v19 =	vmul.f32 v19, v15  }
0x151: {  	v25 =	vld.idx.msk [tilespmem:v25+s6+$0x0], $0xffff  }
0x152: {  	v63 =	vor.u32 s9, v35;
	v20 =	vmul.f32 v20, v14;
	v19 =	vadd.f32 $0.0e+00, v19  }
0x153: {  	v51 =	vor.u32 s8, v26;
	v36 =	vor.u32 s9, v36;
	v30 =	vld.idx.msk [tilespmem:v30+s6+$0x0], $0xffff  }
0x154: {  	v42 =	vmul.f32 v42, v11;
	v43 =	vld.idx.msk [tilespmem:v43+s6+$0x0], $0xffff;
	v19 =	vadd.f32 v20, v19;
	v20 =	vmul.f32 v21, v13  }
0x155: {  	v34 =	vor.u32 s9, v34;
	v29 =	vor.u32 s9, v29;
	v52 =	vadd.f32 v50, v49;
	v32 =	vld.idx.msk [tilespmem:v62+s6+$0x0], $0xffff  }
0x156: {  	v54 =	vld.idx.msk [tilespmem:v46+s6+$0x0], $0xffff;
	v26 =	vor.u32 s9, v26;
	v19 =	vadd.f32 v20, v19;
	v20 =	vmul.f32 v25, v12  }
0x157: {  	v53 =	vmul.f32 v44, v10;
	v33 =	vld.idx.msk [tilespmem:v63+s6+$0x0], $0xffff;
	v21 =	vmul.f32 v41, v2;
	v41 =	vadd.f32 v42, v52  }
0x158: {  	v40 =	vld.idx.msk [tilespmem:v40+s6+$0x0], $0xffff;
	v56 =	vor.u32 s8, v22;
	v19 =	vadd.f32 v20, v19;
	v20 =	vmul.f32 v30, v11  }
0x159: {  	v55 =	vmul.f32 v45, v9;
	v36 =	vld.idx.msk [tilespmem:v36+s6+$0x0], $0xffff;
	v41 =	vadd.f32 v53, v41;
	v30 =	vor.u32 s8, v27  }
0x15a: {  	v22 =	vor.u32 s9, v22;
	v34 =	vld.idx.msk [tilespmem:v34+s6+$0x0], $0xffff;
	v19 =	vadd.f32 v20, v19;
	v20 =	vmul.f32 v32, v10  }
0x15b: {  	v57 =	vmul.f32 v43, v8;
	v35 =	vld.idx.msk [tilespmem:v51+s6+$0x0], $0xffff;
	v41 =	vadd.f32 v55, v41  }
0x15c: {  	v29 =	vld.idx.msk [tilespmem:v29+s6+$0x0], $0xffff;
	v27 =	vor.u32 s9, v27;
	v19 =	vadd.f32 v20, v19;
	v20 =	vmul.f32 v33, v9  }
0x15d: {  	v58 =	vor.u32 s8, v23;
	v59 =	vmul.f32 v54, v7;
	v26 =	vld.idx.msk [tilespmem:v26+s6+$0x0], $0xffff;
	v41 =	vadd.f32 v57, v41  }
0x15e: {  	v30 =	vld.idx.msk [tilespmem:v30+s6+$0x0], $0xffff;
	v19 =	vadd.f32 v20, v19;
	v20 =	vmul.f32 v36, v8  }
0x15f: {  	v60 =	vor.u32 s8, v24;
	v40 =	vmul.f32 v40, v6;
	v22 =	vld.idx.msk [tilespmem:v22+s6+$0x0], $0xffff;
	v41 =	vadd.f32 v59, v41  }
0x160: {  	v23 =	vor.u32 s9, v23;
	v32 =	vld.idx.msk [tilespmem:v56+s6+$0x0], $0xffff;
	v19 =	vadd.f32 v20, v19;
	v20 =	vmul.f32 v34, v7  }
0x161: {  	v61 =	vor.u32 s8, v28;
	v35 =	vmul.f32 v35, v5;
	v27 =	vld.idx.msk [tilespmem:v27+s6+$0x0], $0xffff;
	v40 =	vadd.f32 v40, v41  }
0x162: {  	v24 =	vor.u32 s9, v24;
	v33 =	vld.idx.msk [tilespmem:v58+s6+$0x0], $0xffff;
	v19 =	vadd.f32 v20, v19;
	v20 =	vmul.f32 v29, v6  }
0x163: {  	v25 =	vadd.f32 v47, v48;
	v29 =	vmul.f32 v30, v4;
	v30 =	vadd.f32 v35, v40  }
0x164: {  	v28 =	vor.u32 s9, v28;
	v26 =	vmul.f32 v26, v5;
	v36 =	vld.idx.msk [tilespmem:v60+s6+$0x0], $0xffff;
	v19 =	vadd.f32 v20, v19  }
0x165: {  	v23 =	vld.idx.msk [tilespmem:v23+s6+$0x0], $0xffff;
	v20 =	vadd.f32 v21, v25;
	v21 =	vmul.f32 v32, v3;
	v25 =	vadd.f32 v29, v30  }
0x166: {  	v62 =	vmul.f32 v38, v1;
	v27 =	vmul.f32 v27, v4;
	v30 =	vld.idx.msk [tilespmem:v61+s6+$0x0], $0xffff;
	v19 =	vadd.f32 v26, v19  }
0x167: {  	v24 =	vld.idx.msk [tilespmem:v24+s6+$0x0], $0xffff;
	v22 =	vmul.f32 v22, v3;
	v26 =	vmul.f32 v33, v2;
	v21 =	vadd.f32 v21, v25  }
0x168: {  	v29 =	vmul.f32 v39, v0;
	v20 =	vadd.f32 v62, v20;
	v19 =	vadd.f32 v27, v19  }
0x169: {  	v27 =	vmul.f32 v36, v1;
	v21 =	vadd.f32 v26, v21  }
0x16a: {  	v23 =	vmul.f32 v23, v2;
	v25 =	vld.idx.msk [tilespmem:v28+s6+$0x0], $0xffff;
	v20 =	vadd.f32 v29, v20;
	v19 =	vadd.f32 v22, v19  }
0x16b: {  	v22 =	vmul.f32 v30, v0;
	v21 =	vadd.f32 v27, v21  }
0x16c: {  	v24 =	vmul.f32 v24, v1;
	vm0 =	vgt.f32 v20, v37;
	v19 =	vadd.f32 v23, v19  }
0x16d: {  	v20 =	vsel vm0, v20, v37;
	v21 =	vadd.f32 v22, v21;
	v23 =	vimm.s32 $0xFEDCBA98  }
0x16e: {  	v23 =	vunpack.c.l.s4.s8 v23;
	v19 =	vadd.f32 v24, v19;
	v24 =	vimm.s32 $0x76543210  }
0x16f: {  	v22 =	vmul.f32 v25, v0;
	vm1 =	vgt.f32 v21, v20;
	v24 =	vunpack.c.l.s4.s8 v24  }
0x170: {  	v20 =	vsel vm1, v21, v20;
	v21 =	vunpack.c.0.s8.s32 v23;
	v23 =	vimm.s32 $0xBA98FEDC  }
0x171: {  	v19 =	vadd.f32 v22, v19;
	v22 =	vunpack.c.0.s8.s32 v24;
	v24 =	vimm.s32 $0x32107654  }
0x172: {  	v23 =	vunpack.c.l.s4.s8 v23;
	v21 =	vand.u32 $0xF, v21;
	v24 =	vunpack.c.l.s4.s8 v24  }
0x173: {  	vm2 =	vgt.f32 v19, v20;
	v25 =	vcombine.low v21, v22  }
0x174: {  	v19 =	vsel vm2, v19, v20;
	v20 =	vunpack.c.0.s8.s32 v23;
	v21 =	vunpack.c.0.s8.s32 v24  }
0x175: {  	v23 =	vimm.s32 $0xDCFE98BA;
	v24 =	vimm.s32 $0x54761032  }
0x176: {  	v20 =	vcombine.low v21, v20;
	v21 =	vunpack.c.l.s4.s8 v23;
	v23 =	vunpack.c.l.s4.s8 v24  }
0x177: {  	v26 =	vimm.s32 $0x67452301;
	v22 =	vperm.xlane v19, v25  }
0x178: {  	v24 =	vand.u32 $0xF, v20;
	v20 =	vunpack.c.0.s8.s32 v21;
	v21 =	vunpack.c.0.s8.s32 v23  }
0x179: {  	v26 =	vunpack.c.l.s4.s8 v26;
	v22 =	vmax.f32 v19, v22  }
0x17a: {  	v23 =	vperm.xlane v22, v24;
	v20 =	vcombine.low v21, v20;
	v21 =	vimm.s32 $0xEFCDAB89  }
0x17b: {  	v21 =	vunpack.c.l.s4.s8 v21  }
0x17c: {  	v22 =	vmax.f32 v22, v23;
	v23 =	vunpack.c.0.s8.s32 v26  }
0x17d: {  	s7 =	sadd.s32 $0x10, s7;
	v27 =	vand.u32 $0xF, v20;
	v20 =	vlaneseq.u32;
	v21 =	vunpack.c.0.s8.s32 v21  }
0x17e: {  	v26 =	vor.u32 s7, v18;
	v28 =	vperm.xlane v22, v27;
	v29 =	vand.u32 $0x7, v20  }
0x17f: {  	v29 =	vmul.u32 $0x10, v29;
	v23 =	vcombine.low v23, v21;
	v21 =	vmul.u32 $0x10, v20  }
0x180: {  	s6 =	simm.s32 $0x2000;
	v26 =	vsel vm0, v26, v31;
	v28 =	vmax.f32 v22, v28  }
0x181: {  	s7 =	sadd.s32 $0x10, s7;
	v22 =	vor.u32 $0xFFFFFF80, v29;
	v63 =	vand.u32 $0xF, v23;
	v23 =	vor.u32 s6, v21  }
0x182: {  	v29 =	vor.u32 s7, v18;
	v30 =	vperm.xlane v28, v63;
	v31 =	vand.u32 v22, v23  }
0x183: {  	s7 =	sadd.s32 $0x10, s7;
	v26 =	vsel vm1, v29, v26;
	v23 =	vor.u32 $0x1, v21  }
0x184: {  	v18 =	vor.u32 s7, v18;
	v29 =	vor.u32 s6, v23;
	v28 =	vmax.f32 v28, v30  }
0x185: {  	v18 =	vsel vm2, v18, v26;
	v30 =	vor.u32 $0x2, v21;
	vm14 =	veq.f32 v19, v28  }
0x186: {  	v19 =	vor.u32 s6, v30;
	v18 =	vnsel vm14, $0x40000000, v18  }
0x187: {  	v32 =	vor.u32 $0x3, v21;
	v25 =	vperm.xlane v18, v25;
	v26 =	vld.idx.msk [tilespmem:v31+s6+$0x0], $0xffff  }
0x188: {  	v28 =	vor.u32 s6, v32  }
0x189: {  	v34 =	vor.u32 $0x4, v21;
	v29 =	vld.idx.msk [tilespmem:v29+s6+$0x0], $0xffff;
	vm0 =	vlt.s32 v18, v25  }
0x18a: {  	v35 =	vor.u32 $0x5, v21;
	v18 =	vsel vm0, v18, v25;
	v25 =	vor.u32 s6, v34  }
0x18b: {  	v37 =	vor.u32 $0x6, v21;
	v36 =	vor.u32 $0x8, v21;
	v47 =	vor.u32 s6, v35;
	v19 =	vld.idx.msk [tilespmem:v19+s6+$0x0], $0xffff  }
0x18c: {  	s31 =	simm.s32 $0x2100;
	v48 =	vor.u32 s6, v37;
	v24 =	vperm.xlane v18, v24;
	v26 =	vmul.f32 v26, v15  }
0x18d: {  	v49 =	vor.u32 s6, v36;
	v53 =	vor.u32 s31, v23;
	v28 =	vld.idx.msk [tilespmem:v28+s6+$0x0], $0xffff  }
0x18e: {  	vm0 =	vlt.s32 v18, v24;
	v29 =	vmul.f32 v29, v14;
	v26 =	vadd.f32 $0.0e+00, v26  }
0x18f: {  	v38 =	vor.u32 $0x7, v21;
	v55 =	vor.u32 s31, v30;
	v18 =	vsel vm0, v18, v24;
	v24 =	vld.idx.msk [tilespmem:v25+s6+$0x0], $0xffff  }
0x190: {  	v39 =	vld.idx.msk [tilespmem:v47+s6+$0x0], $0xffff;
	v25 =	vor.u32 s6, v38;
	v19 =	vmul.f32 v19, v13;
	v26 =	vadd.f32 v29, v26  }
0x191: {  	v58 =	vor.u32 s31, v32;
	v61 =	vor.u32 s31, v34;
	v31 =	vor.u32 $0x9, v21;
	v40 =	vld.idx.msk [tilespmem:v48+s6+$0x0], $0xffff  }
0x192: {  	v54 =	vld.idx.msk [tilespmem:v49+s6+$0x0], $0xffff;
	v19 =	vadd.f32 v19, v26;
	v26 =	vmul.f32 v28, v12;
	v28 =	vor.u32 s31, v21  }
0x193: {  	v50 =	vor.u32 s6, v31;
	v45 =	vld.idx.msk [tilespmem:v53+s6+$0x0], $0xffff;
	v29 =	vperm.xlane v18, v27;
	v51 =	vand.u32 v22, v28  }
0x194: {  	v53 =	vor.u32 s31, v37;
	v41 =	vld.idx.msk [tilespmem:v55+s6+$0x0], $0xffff;
	v19 =	vadd.f32 v26, v19;
	v24 =	vmul.f32 v24, v11  }
0x195: {  	v27 =	vor.u32 $0xA, v21;
	vm0 =	vlt.s32 v18, v29;
	v28 =	vor.u32 $0xB, v21;
	v52 =	vld.idx.msk [tilespmem:v25+s6+$0x0], $0xffff  }
0x196: {  	v47 =	vld.idx.msk [tilespmem:v58+s6+$0x0], $0xffff;
	v26 =	vor.u32 s6, v27;
	v25 =	vmul.f32 v39, v10;
	v19 =	vadd.f32 v24, v19  }
0x197: {  	v58 =	vld.idx.msk [tilespmem:v61+s6+$0x0], $0xffff;
	v18 =	vsel vm0, v18, v29;
	v29 =	vor.u32 s6, v28  }
0x198: {  	v46 =	vimm.f32 $-Inf;
	v40 =	vmul.f32 v40, v9;
	v56 =	vadd.f32 v25, v19;
	v43 =	vld.idx.msk [tilespmem:v51+s6+$0x0], $0xffff  }
0x199: {  	v42 =	vld.idx.msk [tilespmem:v50+s6+$0x0], $0xffff;
	v45 =	vmul.f32 v45, v14;
	v41 =	vmul.f32 v41, v13;
	v24 =	vor.u32 $0xC, v21  }
0x19a: {  	v61 =	vld.idx.msk [tilespmem:v53+s6+$0x0], $0xffff;
	v57 =	vor.u32 s6, v24;
	v44 =	vmul.f32 v52, v8;
	v40 =	vadd.f32 v40, v56  }
0x19b: {  	v39 =	vmul.f32 v54, v7;
	v19 =	vperm.xlane v18, v63;
	v25 =	vor.u32 $0xD, v21;
	v59 =	vld.idx.msk [tilespmem:v26+s6+$0x0], $0xffff  }
0x19c: {  	v26 =	vor.u32 $0xE, v21;
	v60 =	vor.u32 s6, v25;
	v62 =	vld.idx.msk [tilespmem:v29+s6+$0x0], $0xffff;
	v40 =	vadd.f32 v44, v40  }
0x19d: {  	v29 =	vor.u32 $0xF, v21;
	v52 =	vor.u32 s31, v35;
	v43 =	vmul.f32 v43, v15  }
0x19e: {  	v63 =	vor.u32 s6, v26;
	v56 =	vmul.f32 v42, v6;
	v39 =	vadd.f32 v39, v40  }
0x19f: {  	v61 =	vmul.f32 v61, v9;
	v33 =	vld.idx.msk [tilespmem:v57+s6+$0x0], $0xffff;
	v57 =	vor.u32 s6, v29;
	v43 =	vadd.f32 $0.0e+00, v43  }
0x1a0: {  	v54 =	vor.u32 s31, v31;
	v48 =	vmul.f32 v59, v5;
	v39 =	vadd.f32 v56, v39  }
0x1a1: {  	s8 =	simm.s32 $0x2200;
	v49 =	vld.idx.msk [tilespmem:v60+s6+$0x0], $0xffff;
	v59 =	vor.u32 s31, v38;
	v51 =	vmul.f32 v62, v4;
	v43 =	vadd.f32 v45, v43  }
0x1a2: {  	v62 =	vor.u32 s8, v21;
	v56 =	vor.u32 s31, v27;
	v45 =	vld.idx.msk [tilespmem:v52+s6+$0x0], $0xffff;
	v39 =	vadd.f32 v48, v39  }
0x1a3: {  	v60 =	vmul.f32 v47, v12;
	v44 =	vld.idx.msk [tilespmem:v63+s6+$0x0], $0xffff;
	v63 =	vor.u32 s31, v36;
	v41 =	vadd.f32 v41, v43  }
0x1a4: {  	v33 =	vmul.f32 v33, v3;
	v42 =	vld.idx.msk [tilespmem:v57+s6+$0x0], $0xffff;
	v48 =	vand.u32 v22, v62;
	v39 =	vadd.f32 v51, v39  }
0x1a5: {  	v40 =	vmul.f32 v58, v11;
	v58 =	vor.u32 s8, v23;
	v52 =	vld.idx.msk [tilespmem:v54+s6+$0x0], $0xffff;
	v41 =	vadd.f32 v60, v41  }
0x1a6: {  	v54 =	vor.u32 s31, v25;
	v49 =	vmul.f32 v49, v2;
	v57 =	vld.idx.msk [tilespmem:v59+s6+$0x0], $0xffff;
	v33 =	vadd.f32 v33, v39  }
0x1a7: {  	v59 =	vor.u32 s31, v28;
	v51 =	vld.idx.msk [tilespmem:v56+s6+$0x0], $0xffff;
	v62 =	vmul.f32 v45, v10;
	v40 =	vadd.f32 v40, v41  }
0x1a8: {  	v44 =	vmul.f32 v44, v1;
	v45 =	vld.idx.msk [tilespmem:v63+s6+$0x0], $0xffff;
	v63 =	vor.u32 s8, v30;
	v33 =	vadd.f32 v49, v33  }
0x1a9: {  	v60 =	vor.u32 s31, v24;
	v56 =	vor.u32 s31, v26;
	v48 =	vld.idx.msk [tilespmem:v48+s6+$0x0], $0xffff;
	v40 =	vadd.f32 v62, v40  }
0x1aa: {  	v42 =	vmul.f32 v42, v0;
	v41 =	vor.u32 s8, v34;
	v33 =	vadd.f32 v44, v33  }
0x1ab: {  	v55 =	vld.idx.msk [tilespmem:v58+s6+$0x0], $0xffff;
	v39 =	vmul.f32 v57, v8;
	v62 =	vor.u32 s8, v32;
	v40 =	vadd.f32 v61, v40  }
0x1ac: {  	v50 =	vld.idx.msk [tilespmem:v59+s6+$0x0], $0xffff;
	v57 =	vor.u32 s8, v35;
	v59 =	vor.u32 s31, v29;
	v33 =	vadd.f32 v42, v33  }
0x1ad: {  	v44 =	vimm.s32 $0x0;
	v49 =	vld.idx.msk [tilespmem:v63+s6+$0x0], $0xffff;
	v63 =	vmul.f32 v45, v7;
	v40 =	vadd.f32 v39, v40  }
0x1ae: {  	v58 =	vld.idx.msk [tilespmem:v60+s6+$0x0], $0xffff;
	v60 =	vor.u32 s8, v37;
	v53 =	vmul.f32 v48, v15;
	vm15 =	vgt.f32 v33, v46  }
0x1af: {  	s7 =	simm.s32 $0x0;
	v43 =	vld.idx.msk [tilespmem:v54+s6+$0x0], $0xffff;
	v39 =	vsel vm15, v33, v46;
	v40 =	vadd.f32 v63, v40;
	v46 =	vmul.f32 v52, v6  }
0x1b0: {  	v42 =	vor.u32 s7, v20;
	v48 =	vmul.f32 v51, v5;
	v47 =	vld.idx.msk [tilespmem:v62+s6+$0x0], $0xffff;
	v62 =	vadd.f32 $0.0e+00, v53  }
0x1b1: {  	s9 =	simm.s32 $0x2300;
	v33 =	vsel vm15, v42, v44;
	v63 =	vmul.f32 v55, v14;
	v44 =	vld.idx.msk [tilespmem:v41+s6+$0x0], $0xffff;
	v61 =	vadd.f32 v46, v40  }
0x1b2: {  	v45 =	vor.u32 s8, v38;
	v50 =	vmul.f32 v50, v4;
	v53 =	vor.u32 s9, v21;
	v41 =	vld.idx.msk [tilespmem:v59+s6+$0x0], $0xffff  }
0x1b3: {  	v40 =	vld.idx.msk [tilespmem:v56+s6+$0x0], $0xffff;
	v51 =	vadd.f32 v63, v62;
	v62 =	vmul.f32 v49, v13;
	v63 =	vadd.f32 v48, v61  }
0x1b4: {  	v42 =	vor.u32 s8, v31;
	v46 =	vld.idx.msk [tilespmem:v57+s6+$0x0], $0xffff;
	v49 =	vmul.f32 v58, v3;
	v48 =	vor.u32 s8, v36  }
0x1b5: {  	s10 =	simm.s32 $0x2400;
	v51 =	vadd.f32 v62, v51;
	v52 =	vmul.f32 v47, v12;
	v47 =	vld.idx.msk [tilespmem:v60+s6+$0x0], $0xffff;
	v50 =	vadd.f32 v50, v63  }
.LBB2_7:
0x1b6: {  	p0 =	sne.s32 s10, $0x2F00;
	v53 =	vand.u32 v22, v53;
	v54 =	vor.u32 s8, v27;
	v43 =	vmul.f32 v43, v2  }
0x1b7: {  	v44 =	vmul.f32 v44, v11;
	v51 =	vadd.f32 v52, v51;
	v45 =	vld.idx.msk [tilespmem:v45+s6+$0x0], $0xffff;
	v49 =	vadd.f32 v49, v50  }
0x1b8: {  	v50 =	vor.u32 s9, v23;
	v52 =	vor.u32 s8, v28;
	v40 =	vmul.f32 v40, v1  }
0x1b9: {  	v46 =	vmul.f32 v46, v10;
	v44 =	vadd.f32 v44, v51;
	v48 =	vld.idx.msk [tilespmem:v48+s6+$0x0], $0xffff;
	v43 =	vadd.f32 v43, v49  }
0x1ba: {  	v49 =	vor.u32 s9, v30;
	v51 =	vor.u32 s8, v24;
	v41 =	vmul.f32 v41, v0;
	v42 =	vld.idx.msk [tilespmem:v42+s6+$0x0], $0xffff  }
0x1bb: {  	v53 =	vld.idx.msk [tilespmem:v53+s6+$0x0], $0xffff;
	v44 =	vadd.f32 v46, v44;
	v46 =	vmul.f32 v47, v9;
	v40 =	vadd.f32 v40, v43  }
0x1bc: {  	v43 =	vor.u32 s9, v32;
	v47 =	vld.idx.msk [tilespmem:v54+s6+$0x0], $0xffff;
	v54 =	vor.u32 s8, v25  }
0x1bd: {  	s7 =	sadd.s32 $0x10, s7;
	v45 =	vmul.f32 v45, v8;
	v50 =	vld.idx.msk [tilespmem:v50+s6+$0x0], $0xffff;
	v44 =	vadd.f32 v46, v44;
	v40 =	vadd.f32 v41, v40  }
0x1be: {  	v55 =	vor.u32 s7, v20;
	v41 =	vor.u32 s9, v34;
	v46 =	vld.idx.msk [tilespmem:v52+s6+$0x0], $0xffff;
	v52 =	vor.u32 s8, v26  }
0x1bf: {  	v49 =	vld.idx.msk [tilespmem:v49+s6+$0x0], $0xffff;
	v44 =	vadd.f32 v45, v44;
	v45 =	vmul.f32 v48, v7;
	vm0 =	vgt.f32 v40, v39  }
0x1c0: {  	v56 =	vor.u32 s8, v29;
	s8 =	smov.u32 s9;
	v48 =	vor.u32 s9, v35;
	s9 =	smov.u32 s10;
	v51 =	vld.idx.msk [tilespmem:v51+s6+$0x0], $0xffff;
	v39 =	vsel vm0, v40, v39  }
0x1c1: {  	v42 =	vmul.f32 v42, v6;
	v40 =	vmul.f32 v53, v15;
	v57 =	vld.idx.msk [tilespmem:v43+s6+$0x0], $0xffff;
	v45 =	vadd.f32 v45, v44  }
0x1c2: {  	v58 =	vor.u32 s8, v37;
	v33 =	vsel vm0, v55, v33;
	v47 =	vmul.f32 v47, v5;
	v43 =	vld.idx.msk [tilespmem:v54+s6+$0x0], $0xffff  }
.Ltmp3:
0x1c3: {  	v53 =	vadd.f32 $0.0e+00, v40;
	v50 =	vmul.f32 v50, v14;
	v44 =	vld.idx.msk [tilespmem:v41+s6+$0x0], $0xffff;
	v41 =	vadd.f32 v42, v45;
	(pc) =	sbr.rel @p0 .LBB2_7-.Ltmp3, $4  }
0x1c4: {  	v45 =	vor.u32 s8, v38;
	v42 =	vor.u32 s8, v31;
	v54 =	vmul.f32 v46, v4;
	v40 =	vld.idx.msk [tilespmem:v52+s6+$0x0], $0xffff  }
0x1c5: {  	v50 =	vadd.f32 v50, v53;
	v52 =	vmul.f32 v49, v13;
	v46 =	vld.idx.msk [tilespmem:v48+s6+$0x0], $0xffff;
	v55 =	vadd.f32 v47, v41  }
0x1c6: {  	v53 =	vor.u32 s10, v21;
	v48 =	vor.u32 s8, v36;
	v49 =	vmul.f32 v51, v3;
	v41 =	vld.idx.msk [tilespmem:v56+s6+$0x0], $0xffff  }
0x1c7: {  	s10 =	sadd.s32 $0x100, s10;
	v51 =	vadd.f32 v52, v50;
	v52 =	vmul.f32 v57, v12;
	v47 =	vld.idx.msk [tilespmem:v58+s6+$0x0], $0xffff;
	v50 =	vadd.f32 v54, v55  }
0x1c8: {  	v21 =	vand.u32 v22, v53;
	_ =	sdelay $0x1  }
0x1c9: {  	v22 =	vor.u32 s9, v23;
	_ =	sdelay $0x1  }
0x1ca: {  	v23 =	vor.u32 s9, v30  }
0x1cb: {  	v21 =	vld.idx.msk [tilespmem:v21+s6+$0x0], $0xffff  }
0x1cc: {  	v30 =	vor.u32 s9, v32  }
0x1cd: {  	v22 =	vld.idx.msk [tilespmem:v22+s6+$0x0], $0xffff  }
0x1ce: {  	v62 =	vor.u32 s9, v34  }
0x1cf: {  	v23 =	vld.idx.msk [tilespmem:v23+s6+$0x0], $0xffff  }
0x1d0: {  	v63 =	vor.u32 s9, v35;
	v21 =	vmul.f32 v21, v15  }
0x1d1: {  	v30 =	vld.idx.msk [tilespmem:v30+s6+$0x0], $0xffff  }
0x1d2: {  	v53 =	vor.u32 s9, v37;
	v22 =	vmul.f32 v22, v14;
	v21 =	vadd.f32 $0.0e+00, v21  }
0x1d3: {  	v54 =	vor.u32 s8, v27;
	v32 =	vld.idx.msk [tilespmem:v62+s6+$0x0], $0xffff  }
0x1d4: {  	v38 =	vor.u32 s9, v38;
	v45 =	vld.idx.msk [tilespmem:v45+s6+$0x0], $0xffff;
	v21 =	vadd.f32 v22, v21;
	v22 =	vmul.f32 v23, v13  }
0x1d5: {  	v44 =	vmul.f32 v44, v11;
	v36 =	vor.u32 s9, v36;
	v55 =	vadd.f32 v52, v51;
	v34 =	vld.idx.msk [tilespmem:v63+s6+$0x0], $0xffff  }
0x1d6: {  	v57 =	vld.idx.msk [tilespmem:v48+s6+$0x0], $0xffff;
	v31 =	vor.u32 s9, v31;
	v21 =	vadd.f32 v22, v21;
	v22 =	vmul.f32 v30, v12  }
0x1d7: {  	v56 =	vmul.f32 v46, v10;
	v35 =	vld.idx.msk [tilespmem:v53+s6+$0x0], $0xffff;
	v23 =	vmul.f32 v43, v2;
	v43 =	vadd.f32 v44, v55  }
0x1d8: {  	v42 =	vld.idx.msk [tilespmem:v42+s6+$0x0], $0xffff;
	v27 =	vor.u32 s9, v27;
	v21 =	vadd.f32 v22, v21;
	v22 =	vmul.f32 v32, v11  }
0x1d9: {  	v58 =	vor.u32 s8, v28;
	v59 =	vmul.f32 v47, v9;
	v38 =	vld.idx.msk [tilespmem:v38+s6+$0x0], $0xffff;
	v43 =	vadd.f32 v56, v43  }
0x1da: {  	v28 =	vor.u32 s9, v28;
	v36 =	vld.idx.msk [tilespmem:v36+s6+$0x0], $0xffff;
	v21 =	vadd.f32 v22, v21;
	v22 =	vmul.f32 v34, v10  }
0x1db: {  	v60 =	vor.u32 s8, v24;
	v61 =	vmul.f32 v45, v8;
	v37 =	vld.idx.msk [tilespmem:v54+s6+$0x0], $0xffff;
	v43 =	vadd.f32 v59, v43  }
0x1dc: {  	v24 =	vor.u32 s9, v24;
	v31 =	vld.idx.msk [tilespmem:v31+s6+$0x0], $0xffff;
	v21 =	vadd.f32 v22, v21;
	v22 =	vmul.f32 v35, v9  }
0x1dd: {  	v62 =	vor.u32 s8, v25;
	v63 =	vmul.f32 v57, v7;
	v27 =	vld.idx.msk [tilespmem:v27+s6+$0x0], $0xffff;
	v43 =	vadd.f32 v61, v43  }
0x1de: {  	v32 =	vld.idx.msk [tilespmem:v58+s6+$0x0], $0xffff;
	v21 =	vadd.f32 v22, v21;
	v22 =	vmul.f32 v38, v8  }
0x1df: {  	v46 =	vor.u32 s8, v26;
	v42 =	vmul.f32 v42, v6;
	v28 =	vld.idx.msk [tilespmem:v28+s6+$0x0], $0xffff;
	v43 =	vadd.f32 v63, v43  }
0x1e0: {  	v25 =	vor.u32 s9, v25;
	v34 =	vld.idx.msk [tilespmem:v60+s6+$0x0], $0xffff;
	v21 =	vadd.f32 v22, v21;
	v22 =	vmul.f32 v36, v7  }
0x1e1: {  	v47 =	vor.u32 s8, v29;
	v24 =	vld.idx.msk [tilespmem:v24+s6+$0x0], $0xffff;
	v37 =	vmul.f32 v37, v5;
	v42 =	vadd.f32 v42, v43  }
0x1e2: {  	v26 =	vor.u32 s9, v26;
	v35 =	vld.idx.msk [tilespmem:v62+s6+$0x0], $0xffff;
	v21 =	vadd.f32 v22, v21;
	v22 =	vmul.f32 v31, v6  }
0x1e3: {  	v30 =	vadd.f32 v49, v50;
	v48 =	vadd.f32 v37, v42;
	v31 =	vmul.f32 v32, v4  }
0x1e4: {  	v29 =	vor.u32 s9, v29;
	v27 =	vmul.f32 v27, v5;
	v38 =	vld.idx.msk [tilespmem:v46+s6+$0x0], $0xffff;
	v21 =	vadd.f32 v22, v21  }
0x1e5: {  	v25 =	vld.idx.msk [tilespmem:v25+s6+$0x0], $0xffff;
	v22 =	vadd.f32 v23, v30;
	v23 =	vmul.f32 v34, v3;
	v30 =	vadd.f32 v31, v48  }
0x1e6: {  	v28 =	vmul.f32 v28, v4;
	v49 =	vmul.f32 v40, v1;
	v50 =	vld.idx.msk [tilespmem:v47+s6+$0x0], $0xffff;
	v21 =	vadd.f32 v27, v21  }
0x1e7: {  	v26 =	vld.idx.msk [tilespmem:v26+s6+$0x0], $0xffff;
	v24 =	vmul.f32 v24, v3;
	v27 =	vmul.f32 v35, v2;
	v23 =	vadd.f32 v23, v30  }
0x1e8: {  	v31 =	vmul.f32 v41, v0;
	v22 =	vadd.f32 v49, v22;
	v21 =	vadd.f32 v28, v21  }
0x1e9: {  	v28 =	vmul.f32 v38, v1;
	v23 =	vadd.f32 v27, v23  }
0x1ea: {  	v29 =	vld.idx.msk [tilespmem:v29+s6+$0x0], $0xffff;
	v25 =	vmul.f32 v25, v2;
	v22 =	vadd.f32 v31, v22;
	v21 =	vadd.f32 v24, v21  }
0x1eb: {  	v24 =	vmul.f32 v50, v0;
	v23 =	vadd.f32 v28, v23  }
0x1ec: {  	v26 =	vmul.f32 v26, v1;
	vm0 =	vgt.f32 v22, v39;
	v21 =	vadd.f32 v25, v21  }
0x1ed: {  	v22 =	vsel vm0, v22, v39;
	v23 =	vadd.f32 v24, v23;
	v25 =	vimm.s32 $0xFEDCBA98  }
0x1ee: {  	v25 =	vunpack.c.l.s4.s8 v25;
	v21 =	vadd.f32 v26, v21;
	v26 =	vimm.s32 $0x76543210  }
0x1ef: {  	v24 =	vmul.f32 v29, v0;
	vm1 =	vgt.f32 v23, v22;
	v26 =	vunpack.c.l.s4.s8 v26  }
0x1f0: {  	v22 =	vsel vm1, v23, v22;
	v23 =	vunpack.c.0.s8.s32 v25;
	v25 =	vimm.s32 $0xBA98FEDC  }
0x1f1: {  	v21 =	vadd.f32 v24, v21;
	v24 =	vunpack.c.0.s8.s32 v26;
	v26 =	vimm.s32 $0x32107654  }
0x1f2: {  	v25 =	vunpack.c.l.s4.s8 v25;
	v23 =	vand.u32 $0xF, v23;
	v26 =	vunpack.c.l.s4.s8 v26  }
0x1f3: {  	vm2 =	vgt.f32 v21, v22;
	v27 =	vcombine.low v23, v24  }
0x1f4: {  	v22 =	vsel vm2, v21, v22;
	v21 =	vunpack.c.0.s8.s32 v25;
	v23 =	vunpack.c.0.s8.s32 v26  }
0x1f5: {  	v25 =	vimm.s32 $0xDCFE98BA;
	v26 =	vimm.s32 $0x54761032  }
0x1f6: {  	v21 =	vcombine.low v23, v21;
	v23 =	vunpack.c.l.s4.s8 v25;
	v25 =	vunpack.c.l.s4.s8 v26  }
0x1f7: {  	v24 =	vperm.xlane v22, v27;
	v26 =	vimm.s32 $0x67452301  }
0x1f8: {  	v28 =	vand.u32 $0xF, v21;
	v21 =	vunpack.c.0.s8.s32 v23;
	v23 =	vunpack.c.0.s8.s32 v25  }
0x1f9: {  	v24 =	vmax.f32 v22, v24;
	v26 =	vunpack.c.l.s4.s8 v26  }
0x1fa: {  	v25 =	vperm.xlane v24, v28;
	v21 =	vcombine.low v23, v21;
	v23 =	vimm.s32 $0xEFCDAB89  }
0x1fb: {  	v23 =	vunpack.c.l.s4.s8 v23  }
0x1fc: {  	v24 =	vmax.f32 v24, v25;
	v25 =	vunpack.c.0.s8.s32 v26  }
0x1fd: {  	s29 =	sadd.s32 $0x10, s7;
	v29 =	vand.u32 $0xF, v21;
	v21 =	vlaneseq.u32;
	v23 =	vunpack.c.0.s8.s32 v23  }
0x1fe: {  	v26 =	vor.u32 s29, v20;
	v30 =	vperm.xlane v24, v29;
	v31 =	vand.u32 $0x7, v21  }
0x1ff: {  	v31 =	vmul.u32 $0x10, v31;
	v25 =	vcombine.low v25, v23;
	v23 =	vmul.u32 $0x10, v21  }
0x200: {  	s30 =	simm.s32 $0x3000;
	v26 =	vsel vm0, v26, v33;
	v30 =	vmax.f32 v24, v30  }
0x201: {  	s6 =	sadd.s32 $0x10, s29;
	v24 =	vor.u32 $0xFFFFFF80, v31;
	v32 =	vand.u32 $0xF, v25;
	v25 =	vor.u32 s30, v23  }
0x202: {  	v31 =	vor.u32 s6, v20;
	v51 =	vperm.xlane v30, v32;
	v52 =	vand.u32 v24, v25  }
0x203: {  	s6 =	sadd.s32 $0x10, s6;
	v26 =	vsel vm1, v31, v26;
	v25 =	vor.u32 $0x1, v23  }
0x204: {  	v20 =	vor.u32 s6, v20;
	v31 =	vor.u32 s30, v25;
	v30 =	vmax.f32 v30, v51  }
0x205: {  	v20 =	vsel vm2, v20, v26;
	v26 =	vor.u32 $0x2, v23;
	vm14 =	veq.f32 v22, v30  }
0x206: {  	s6 =	simm.s32 $0x2000;
	v22 =	vor.u32 s30, v26;
	v20 =	vnsel vm14, $0x40000000, v20  }
0x207: {  	v33 =	vor.u32 $0x3, v23;
	v27 =	vperm.xlane v20, v27;
	v30 =	vld.idx.msk [tilespmem:v52+s6+$0x0], $0xffff  }
0x208: {  	v53 =	vor.u32 s30, v33  }
0x209: {  	v36 =	vor.u32 $0x4, v23;
	v37 =	vor.u32 $0x5, v23;
	v31 =	vld.idx.msk [tilespmem:v31+s6+$0x0], $0xffff;
	vm0 =	vlt.s32 v20, v27  }
0x20a: {  	s31 =	simm.s32 $0x3100;
	v38 =	vor.u32 $0x6, v23;
	v20 =	vsel vm0, v20, v27;
	v27 =	vor.u32 s30, v36  }
0x20b: {  	v34 =	vor.u32 $0x9, v23;
	v59 =	vor.u32 s31, v23;
	v54 =	vor.u32 s30, v37;
	v22 =	vld.idx.msk [tilespmem:v22+s6+$0x0], $0xffff  }
0x20c: {  	v56 =	vor.u32 s30, v38;
	v28 =	vperm.xlane v20, v28;
	v30 =	vmul.f32 v30, v15  }
0x20d: {  	v40 =	vor.u32 $0x7, v23;
	v58 =	vor.u32 s30, v34;
	v44 =	vand.u32 v24, v59;
	v55 =	vld.idx.msk [tilespmem:v53+s6+$0x0], $0xffff  }
0x20e: {  	vm0 =	vlt.s32 v20, v28;
	v31 =	vmul.f32 v31, v14;
	v30 =	vadd.f32 $0.0e+00, v30  }
0x20f: {  	v39 =	vor.u32 $0x8, v23;
	v62 =	vor.u32 s31, v25;
	v20 =	vsel vm0, v20, v28;
	v27 =	vld.idx.msk [tilespmem:v27+s6+$0x0], $0xffff  }
0x210: {  	v35 =	vld.idx.msk [tilespmem:v54+s6+$0x0], $0xffff;
	v28 =	vor.u32 s30, v40;
	v22 =	vmul.f32 v22, v13;
	v30 =	vadd.f32 v31, v30  }
0x211: {  	v57 =	vor.u32 s30, v39;
	v42 =	vld.idx.msk [tilespmem:v56+s6+$0x0], $0xffff  }
0x212: {  	v44 =	vld.idx.msk [tilespmem:v44+s6+$0x0], $0xffff;
	v31 =	vmul.f32 v55, v12;
	v22 =	vadd.f32 v22, v30  }
0x213: {  	v46 =	vimm.f32 $-Inf;
	v56 =	vor.u32 s31, v26;
	v41 =	vld.idx.msk [tilespmem:v58+s6+$0x0], $0xffff;
	v58 =	vor.u32 s31, v33  }
0x214: {  	v47 =	vld.idx.msk [tilespmem:v62+s6+$0x0], $0xffff;
	v30 =	vor.u32 $0xA, v23;
	v22 =	vadd.f32 v31, v22;
	v27 =	vmul.f32 v27, v11  }
0x215: {  	v52 =	vor.u32 s31, v40;
	v29 =	vperm.xlane v20, v29;
	v60 =	vor.u32 s30, v30;
	v61 =	vld.idx.msk [tilespmem:v28+s6+$0x0], $0xffff  }
0x216: {  	v43 =	vld.idx.msk [tilespmem:v57+s6+$0x0], $0xffff;
	v42 =	vmul.f32 v42, v9;
	v28 =	vmul.f32 v35, v10;
	v22 =	vadd.f32 v27, v22  }
0x217: {  	v44 =	vmul.f32 v44, v15;
	vm0 =	vlt.s32 v20, v29;
	v31 =	vor.u32 $0xB, v23  }
0x218: {  	v20 =	vsel vm0, v20, v29;
	v63 =	vor.u32 s30, v31;
	v29 =	vadd.f32 v28, v22  }
0x219: {  	v48 =	vld.idx.msk [tilespmem:v56+s6+$0x0], $0xffff;
	v47 =	vmul.f32 v47, v14;
	v44 =	vadd.f32 $0.0e+00, v44;
	v27 =	vor.u32 $0xC, v23  }
0x21a: {  	v57 =	vor.u32 s30, v27;
	v45 =	vld.idx.msk [tilespmem:v60+s6+$0x0], $0xffff;
	v60 =	vmul.f32 v61, v8;
	v59 =	vadd.f32 v42, v29  }
0x21b: {  	v62 =	vor.u32 s31, v36;
	v43 =	vmul.f32 v43, v7;
	v50 =	vld.idx.msk [tilespmem:v58+s6+$0x0], $0xffff;
	v28 =	vor.u32 $0xD, v23  }
0x21c: {  	v44 =	vadd.f32 v47, v44;
	v47 =	vld.idx.msk [tilespmem:v52+s6+$0x0], $0xffff;
	v61 =	vor.u32 s30, v28;
	v42 =	vadd.f32 v60, v59  }
0x21d: {  	v54 =	vor.u32 s31, v37;
	v41 =	vmul.f32 v41, v6;
	v29 =	vor.u32 $0xE, v23;
	v35 =	vld.idx.msk [tilespmem:v63+s6+$0x0], $0xffff  }
0x21e: {  	v56 =	vor.u32 s31, v34;
	v63 =	vor.u32 s30, v29;
	v42 =	vadd.f32 v43, v42  }
0x21f: {  	v55 =	vor.u32 s31, v38;
	v22 =	vperm.xlane v20, v32;
	v32 =	vor.u32 $0xF, v23;
	v49 =	vld.idx.msk [tilespmem:v57+s6+$0x0], $0xffff  }
0x220: {  	v45 =	vmul.f32 v45, v5;
	v43 =	vor.u32 s30, v32;
	v41 =	vadd.f32 v41, v42;
	v42 =	vld.idx.msk [tilespmem:v62+s6+$0x0], $0xffff  }
0x221: {  	v52 =	vor.u32 s31, v31;
	v47 =	vmul.f32 v47, v8;
	v60 =	vmul.f32 v48, v13;
	v51 =	vld.idx.msk [tilespmem:v61+s6+$0x0], $0xffff  }
0x222: {  	s8 =	simm.s32 $0x3200;
	v57 =	vmul.f32 v50, v12;
	v61 =	vld.idx.msk [tilespmem:v54+s6+$0x0], $0xffff;
	v35 =	vmul.f32 v35, v4;
	v41 =	vadd.f32 v45, v41  }
0x223: {  	v44 =	vadd.f32 v60, v44;
	v53 =	vld.idx.msk [tilespmem:v63+s6+$0x0], $0xffff;
	v62 =	vor.u32 s8, v23;
	v63 =	vor.u32 s31, v39  }
0x224: {  	v58 =	vld.idx.msk [tilespmem:v55+s6+$0x0], $0xffff;
	v49 =	vmul.f32 v49, v3;
	v48 =	vand.u32 v24, v62;
	v35 =	vadd.f32 v35, v41  }
0x225: {  	v59 =	vor.u32 s31, v30;
	v44 =	vadd.f32 v57, v44;
	v43 =	vld.idx.msk [tilespmem:v43+s6+$0x0], $0xffff;
	v42 =	vmul.f32 v42, v11  }
0x226: {  	v54 =	vld.idx.msk [tilespmem:v56+s6+$0x0], $0xffff;
	v56 =	vor.u32 s31, v28;
	v51 =	vmul.f32 v51, v2;
	v35 =	vadd.f32 v49, v35  }
0x227: {  	v60 =	vmul.f32 v61, v10;
	v49 =	vor.u32 s8, v25;
	v42 =	vadd.f32 v42, v44  }
0x228: {  	v62 =	vor.u32 s8, v26;
	v53 =	vmul.f32 v53, v1;
	v61 =	vld.idx.msk [tilespmem:v63+s6+$0x0], $0xffff;
	v35 =	vadd.f32 v51, v35  }
0x229: {  	v41 =	vmul.f32 v58, v9;
	v63 =	vor.u32 s31, v27;
	v48 =	vld.idx.msk [tilespmem:v48+s6+$0x0], $0xffff;
	v42 =	vadd.f32 v60, v42  }
0x22a: {  	v52 =	vld.idx.msk [tilespmem:v52+s6+$0x0], $0xffff;
	v57 =	vor.u32 s31, v29;
	v43 =	vmul.f32 v43, v0;
	v35 =	vadd.f32 v53, v35  }
0x22b: {  	s7 =	simm.s32 $0x0;
	v50 =	vld.idx.msk [tilespmem:v59+s6+$0x0], $0xffff;
	v59 =	vor.u32 s8, v37;
	v53 =	vor.u32 s8, v33;
	v41 =	vadd.f32 v41, v42  }
0x22c: {  	v58 =	vor.u32 s7, v21;
	v49 =	vld.idx.msk [tilespmem:v49+s6+$0x0], $0xffff;
	v35 =	vadd.f32 v43, v35;
	v43 =	vor.u32 s8, v36  }
0x22d: {  	v44 =	vimm.s32 $0x0;
	v51 =	vld.idx.msk [tilespmem:v62+s6+$0x0], $0xffff;
	v45 =	vmul.f32 v61, v7;
	v42 =	vadd.f32 v47, v41  }
0x22e: {  	v60 =	vld.idx.msk [tilespmem:v63+s6+$0x0], $0xffff;
	v61 =	vor.u32 s31, v32;
	v63 =	vor.u32 s8, v38;
	v48 =	vmul.f32 v48, v15  }
0x22f: {  	v47 =	vld.idx.msk [tilespmem:v56+s6+$0x0], $0xffff;
	vm15 =	vgt.f32 v35, v46;
	v42 =	vadd.f32 v45, v42;
	v45 =	vmul.f32 v54, v6  }
0x230: {  	v41 =	vsel vm15, v35, v46;
	v62 =	vld.idx.msk [tilespmem:v53+s6+$0x0], $0xffff;
	v53 =	vmul.f32 v50, v5;
	v35 =	vsel vm15, v58, v44  }
0x231: {  	s9 =	simm.s32 $0x3300;
	v44 =	vadd.f32 $0.0e+00, v48;
	v46 =	vmul.f32 v49, v14;
	v48 =	vld.idx.msk [tilespmem:v43+s6+$0x0], $0xffff;
	v43 =	vadd.f32 v45, v42  }
0x232: {  	v55 =	vor.u32 s9, v23;
	v56 =	vmul.f32 v52, v4;
	v50 =	vld.idx.msk [tilespmem:v59+s6+$0x0], $0xffff;
	v49 =	vor.u32 s8, v40  }
0x233: {  	v51 =	vmul.f32 v51, v13;
	v42 =	vld.idx.msk [tilespmem:v57+s6+$0x0], $0xffff;
	v46 =	vadd.f32 v46, v44;
	v57 =	vadd.f32 v53, v43  }
0x234: {  	v52 =	vor.u32 s8, v39;
	v45 =	vor.u32 s8, v34;
	v44 =	vmul.f32 v60, v3;
	v43 =	vld.idx.msk [tilespmem:v61+s6+$0x0], $0xffff  }
0x235: {  	s10 =	simm.s32 $0x3400;
	v53 =	vadd.f32 v51, v46;
	v54 =	vmul.f32 v62, v12;
	v51 =	vld.idx.msk [tilespmem:v63+s6+$0x0], $0xffff;
	v46 =	vadd.f32 v56, v57  }
.LBB2_9:
0x236: {  	p0 =	sne.s32 s10, $0x3F00;
	v55 =	vand.u32 v24, v55;
	v56 =	vor.u32 s8, v30;
	v47 =	vmul.f32 v47, v2  }
0x237: {  	v48 =	vmul.f32 v48, v11;
	v53 =	vadd.f32 v54, v53;
	v49 =	vld.idx.msk [tilespmem:v49+s6+$0x0], $0xffff;
	v44 =	vadd.f32 v44, v46  }
0x238: {  	v46 =	vor.u32 s9, v25;
	v54 =	vor.u32 s8, v31;
	v42 =	vmul.f32 v42, v1  }
0x239: {  	v50 =	vmul.f32 v50, v10;
	v48 =	vadd.f32 v48, v53;
	v52 =	vld.idx.msk [tilespmem:v52+s6+$0x0], $0xffff;
	v44 =	vadd.f32 v47, v44  }
0x23a: {  	v47 =	vor.u32 s9, v26;
	v53 =	vor.u32 s8, v27;
	v43 =	vmul.f32 v43, v0;
	v45 =	vld.idx.msk [tilespmem:v45+s6+$0x0], $0xffff  }
0x23b: {  	v55 =	vld.idx.msk [tilespmem:v55+s6+$0x0], $0xffff;
	v48 =	vadd.f32 v50, v48;
	v50 =	vmul.f32 v51, v9;
	v42 =	vadd.f32 v42, v44  }
0x23c: {  	v44 =	vor.u32 s9, v33;
	v51 =	vld.idx.msk [tilespmem:v56+s6+$0x0], $0xffff;
	v56 =	vor.u32 s8, v28  }
0x23d: {  	s7 =	sadd.s32 $0x10, s7;
	v49 =	vmul.f32 v49, v8;
	v46 =	vld.idx.msk [tilespmem:v46+s6+$0x0], $0xffff;
	v48 =	vadd.f32 v50, v48;
	v42 =	vadd.f32 v43, v42  }
0x23e: {  	v57 =	vor.u32 s7, v21;
	v43 =	vor.u32 s9, v36;
	v50 =	vld.idx.msk [tilespmem:v54+s6+$0x0], $0xffff;
	v54 =	vor.u32 s8, v29  }
0x23f: {  	v58 =	vld.idx.msk [tilespmem:v47+s6+$0x0], $0xffff;
	v47 =	vadd.f32 v49, v48;
	v48 =	vmul.f32 v52, v7;
	vm0 =	vgt.f32 v42, v41  }
0x240: {  	v59 =	vor.u32 s8, v32;
	s8 =	smov.u32 s9;
	v52 =	vor.u32 s9, v37;
	s9 =	smov.u32 s10;
	v53 =	vld.idx.msk [tilespmem:v53+s6+$0x0], $0xffff;
	v41 =	vsel vm0, v42, v41  }
0x241: {  	v45 =	vmul.f32 v45, v6;
	v42 =	vmul.f32 v55, v15;
	v60 =	vld.idx.msk [tilespmem:v44+s6+$0x0], $0xffff;
	v44 =	vadd.f32 v48, v47  }
0x242: {  	v61 =	vor.u32 s8, v38;
	v35 =	vsel vm0, v57, v35;
	v51 =	vmul.f32 v51, v5;
	v47 =	vld.idx.msk [tilespmem:v56+s6+$0x0], $0xffff  }
.Ltmp4:
0x243: {  	v55 =	vadd.f32 $0.0e+00, v42;
	v46 =	vmul.f32 v46, v14;
	v48 =	vld.idx.msk [tilespmem:v43+s6+$0x0], $0xffff;
	v43 =	vadd.f32 v45, v44;
	(pc) =	sbr.rel @p0 .LBB2_9-.Ltmp4, $4  }
0x244: {  	v49 =	vor.u32 s8, v40;
	v45 =	vor.u32 s8, v34;
	v56 =	vmul.f32 v50, v4;
	v42 =	vld.idx.msk [tilespmem:v54+s6+$0x0], $0xffff  }
0x245: {  	v46 =	vadd.f32 v46, v55;
	v54 =	vmul.f32 v58, v13;
	v50 =	vld.idx.msk [tilespmem:v52+s6+$0x0], $0xffff;
	v57 =	vadd.f32 v51, v43  }
0x246: {  	v55 =	vor.u32 s10, v23;
	v52 =	vor.u32 s8, v39;
	v44 =	vmul.f32 v53, v3;
	v43 =	vld.idx.msk [tilespmem:v59+s6+$0x0], $0xffff  }
0x247: {  	s10 =	sadd.s32 $0x100, s10;
	v53 =	vadd.f32 v54, v46;
	v54 =	vmul.f32 v60, v12;
	v51 =	vld.idx.msk [tilespmem:v61+s6+$0x0], $0xffff;
	v46 =	vadd.f32 v56, v57  }
0x248: {  	v23 =	vand.u32 v24, v55;
	_ =	sdelay $0x1  }
0x249: {  	v61 =	vor.u32 s9, v25;
	_ =	sdelay $0x1  }
0x24a: {  	v62 =	vor.u32 s9, v26  }
0x24b: {  	v23 =	vld.idx.msk [tilespmem:v23+s6+$0x0], $0xffff  }
0x24c: {  	v63 =	vor.u32 s9, v33  }
0x24d: {  	v55 =	vor.u32 s9, v36;
	v24 =	vld.idx.msk [tilespmem:v61+s6+$0x0], $0xffff;
	_ =	sdelay $0x1  }
0x24e: {  	v56 =	vor.u32 s9, v37;
	v25 =	vld.idx.msk [tilespmem:v62+s6+$0x0], $0xffff  }
0x24f: {  	v15 =	vmul.f32 v23, v15  }
0x250: {  	v58 =	vor.u32 s9, v38;
	v57 =	vld.idx.msk [tilespmem:v63+s6+$0x0], $0xffff  }
0x251: {  	v59 =	vld.idx.msk [tilespmem:v55+s6+$0x0], $0xffff;
	v14 =	vmul.f32 v24, v14;
	v15 =	vadd.f32 $0.0e+00, v15  }
0x252: {  	v60 =	vor.u32 s9, v40;
	v39 =	vor.u32 s9, v39  }
0x253: {  	v34 =	vor.u32 s9, v34;
	v36 =	vld.idx.msk [tilespmem:v56+s6+$0x0], $0xffff;
	v13 =	vmul.f32 v25, v13;
	v14 =	vadd.f32 v14, v15  }
0x254: {  	v40 =	vor.u32 s9, v27;
	v37 =	vimm.s32 $0xFEDCBA98;
	v61 =	vadd.f32 v54, v53;
	v63 =	vld.idx.msk [tilespmem:v49+s6+$0x0], $0xffff  }
0x255: {  	v62 =	vmul.f32 v48, v11;
	v26 =	vld.idx.msk [tilespmem:v58+s6+$0x0], $0xffff;
	v12 =	vmul.f32 v57, v12;
	v13 =	vadd.f32 v13, v14  }
0x256: {  	v48 =	vmul.f32 v50, v10;
	v49 =	vld.idx.msk [tilespmem:v52+s6+$0x0], $0xffff;
	v50 =	vmul.f32 v59, v11;
	v15 =	vor.u32 s8, v30  }
0x257: {  	v54 =	vld.idx.msk [tilespmem:v60+s6+$0x0], $0xffff;
	v14 =	vmul.f32 v47, v2;
	v47 =	vadd.f32 v62, v61;
	v12 =	vadd.f32 v12, v13  }
0x258: {  	v52 =	vor.u32 s8, v31;
	v53 =	vmul.f32 v51, v9;
	v56 =	vor.u32 s9, v30;
	v60 =	vld.idx.msk [tilespmem:v39+s6+$0x0], $0xffff  }
0x259: {  	v55 =	vld.idx.msk [tilespmem:v45+s6+$0x0], $0xffff;
	v57 =	vmul.f32 v36, v10;
	v23 =	vadd.f32 v48, v47;
	v11 =	vadd.f32 v50, v12  }
0x25a: {  	v58 =	vor.u32 s8, v27;
	v59 =	vmul.f32 v63, v8;
	v61 =	vor.u32 s9, v31  }
0x25b: {  	v39 =	vld.idx.msk [tilespmem:v34+s6+$0x0], $0xffff;
	v62 =	vmul.f32 v26, v9;
	v23 =	vadd.f32 v53, v23;
	v10 =	vadd.f32 v57, v11  }
0x25c: {  	v63 =	vor.u32 s8, v28;
	v38 =	vmul.f32 v49, v7;
	v45 =	vmul.f32 v54, v8;
	v15 =	vld.idx.msk [tilespmem:v15+s6+$0x0], $0xffff  }
0x25d: {  	v49 =	vld.idx.msk [tilespmem:v56+s6+$0x0], $0xffff;
	v51 =	vmul.f32 v60, v7;
	v23 =	vadd.f32 v59, v23;
	v9 =	vadd.f32 v62, v10  }
0x25e: {  	v54 =	vor.u32 s9, v29;
	v13 =	vld.idx.msk [tilespmem:v52+s6+$0x0], $0xffff;
	v47 =	vor.u32 s8, v29;
	v48 =	vmul.f32 v55, v6  }
0x25f: {  	v12 =	vld.idx.msk [tilespmem:v58+s6+$0x0], $0xffff;
	v50 =	vor.u32 s9, v28;
	v23 =	vadd.f32 v38, v23;
	v8 =	vadd.f32 v45, v9  }
0x260: {  	v60 =	vadd.f32 v44, v46;
	v52 =	vor.u32 s8, v32;
	v55 =	vmul.f32 v39, v6;
	v53 =	vld.idx.msk [tilespmem:v61+s6+$0x0], $0xffff  }
0x261: {  	v58 =	vld.idx.msk [tilespmem:v40+s6+$0x0], $0xffff;
	v15 =	vmul.f32 v15, v5;
	v23 =	vadd.f32 v48, v23;
	v7 =	vadd.f32 v51, v8  }
0x262: {  	v46 =	vimm.s32 $0xDCFE98BA;
	v61 =	vmul.f32 v49, v5;
	v11 =	vld.idx.msk [tilespmem:v63+s6+$0x0], $0xffff;
	v59 =	vor.u32 s9, v32  }
0x263: {  	v56 =	vmul.f32 v13, v4;
	v10 =	vld.idx.msk [tilespmem:v47+s6+$0x0], $0xffff;
	v57 =	vadd.f32 v15, v23;
	v6 =	vadd.f32 v55, v7  }
0x264: {  	v26 =	vmul.f32 v43, v0;
	v43 =	vimm.s32 $0x32107654;
	v12 =	vmul.f32 v12, v3;
	v63 =	vld.idx.msk [tilespmem:v50+s6+$0x0], $0xffff  }
0x265: {  	v27 =	vld.idx.msk [tilespmem:v54+s6+$0x0], $0xffff;
	v25 =	vmul.f32 v53, v4;
	v8 =	vadd.f32 v56, v57;
	v5 =	vadd.f32 v61, v6  }
0x266: {  	v14 =	vadd.f32 v14, v60;
	v62 =	vmul.f32 v42, v1;
	v28 =	vmul.f32 v58, v3;
	v9 =	vld.idx.msk [tilespmem:v52+s6+$0x0], $0xffff  }
0x267: {  	v11 =	vmul.f32 v11, v2;
	v29 =	vld.idx.msk [tilespmem:v59+s6+$0x0], $0xffff;
	v8 =	vadd.f32 v12, v8;
	v4 =	vadd.f32 v25, v5  }
0x268: {  	v44 =	vunpack.c.l.s4.s8 v43;
	v30 =	vmul.f32 v10, v1;
	v7 =	vadd.f32 v62, v14  }
0x269: {  	v31 =	vmul.f32 v63, v2;
	v8 =	vadd.f32 v11, v8;
	v3 =	vadd.f32 v28, v4  }
0x26a: {  	v33 =	vmul.f32 v27, v1;
	v38 =	vimm.s32 $0x76543210;
	v6 =	vadd.f32 v26, v7  }
0x26b: {  	v32 =	vmul.f32 v9, v0;
	v5 =	vadd.f32 v30, v8;
	v2 =	vadd.f32 v31, v3  }
0x26c: {  	v36 =	vmul.f32 v29, v0;
	vm0 =	vgt.f32 v6, v41;
	v4 =	vunpack.c.l.s4.s8 v37  }
0x26d: {  	v34 =	vadd.f32 v32, v5;
	v1 =	vadd.f32 v33, v2;
	v2 =	vunpack.c.l.s4.s8 v38  }
0x26e: {  	v39 =	vsel vm0, v6, v41;
	v41 =	vimm.s32 $0xBA98FEDC;
	v40 =	vunpack.c.0.s8.s32 v4  }
0x26f: {  	vm1 =	vgt.f32 v34, v39;
	v0 =	vadd.f32 v36, v1;
	v2 =	vunpack.c.0.s8.s32 v2  }
0x270: {  	v42 =	vunpack.c.l.s4.s8 v41;
	v3 =	vsel vm1, v34, v39;
	v1 =	vand.u32 $0xF, v40  }
0x271: {  	v47 =	vimm.s32 $0x54761032;
	vm2 =	vgt.f32 v0, v3;
	v1 =	vcombine.low v1, v2  }
0x272: {  	v2 =	vunpack.c.0.s8.s32 v42;
	v0 =	vsel vm2, v0, v3;
	v3 =	vunpack.c.0.s8.s32 v44  }
0x273: {  	v50 =	vimm.s32 $0xEFCDAB89;
	v6 =	vunpack.c.l.s4.s8 v47;
	v5 =	vunpack.c.l.s4.s8 v46  }
0x274: {  	v51 =	vimm.s32 $0x67452301;
	v45 =	vperm.xlane v0, v1;
	v2 =	vcombine.low v3, v2  }
0x275: {  	v7 =	vunpack.c.l.s4.s8 v51;
	v49 =	vunpack.c.0.s8.s32 v6;
	v48 =	vunpack.c.0.s8.s32 v5  }
0x276: {  	v6 =	vunpack.c.l.s4.s8 v50;
	v4 =	vmax.f32 v0, v45;
	v2 =	vand.u32 $0xF, v2  }
0x277: {  	v3 =	vcombine.low v49, v48;
	v52 =	vperm.xlane v4, v2  }
0x278: {  	v54 =	vunpack.c.0.s8.s32 v7;
	v53 =	vunpack.c.0.s8.s32 v6  }
0x279: {  	v3 =	vand.u32 $0xF, v3;
	v4 =	vmax.f32 v4, v52  }
0x27a: {  	v5 =	vcombine.low v54, v53;
	v55 =	vperm.xlane v4, v3;
	_ =	sdelay $0x1  }
0x27b: {  	s26 =	sadd.s32 $0x10, s7;
	v5 =	vand.u32 $0xF, v5;
	v4 =	vmax.f32 v4, v55  }
0x27c: {  	s6 =	sadd.s32 $0x10, s26;
	v56 =	vor.u32 s26, v21;
	v7 =	vperm.xlane v4, v5  }
0x27d: {  	v57 =	vor.u32 s6, v21;
	s6 =	sadd.s32 $0x10, s6;
	v6 =	vsel vm0, v56, v35  }
0x27e: {  	v58 =	vor.u32 s6, v21;
	v6 =	vsel vm1, v57, v6;
	v4 =	vmax.f32 v4, v7  }
0x27f: {  	v6 =	vsel vm2, v58, v6;
	vm0 =	veq.f32 v0, v4  }
0x280: {  	v0 =	vnsel vm0, $0x40000000, v6  }
0x281: {  	v1 =	vperm.xlane v0, v1;
	_ =	sdelay $0x1  }
0x282: {  	vm0 =	vlt.s32 v0, v1  }
0x283: {  	v0 =	vsel vm0, v0, v1  }
0x284: {  	v1 =	vperm.xlane v0, v2;
	_ =	sdelay $0x1  }
0x285: {  	vm0 =	vlt.s32 v0, v1  }
0x286: {  	v0 =	vsel vm0, v0, v1  }
0x287: {  	v1 =	vperm.xlane v0, v3;
	_ =	sdelay $0x1  }
0x288: {  	vm0 =	vlt.s32 v0, v1  }
0x289: {  	v0 =	vsel vm0, v0, v1  }
0x28a: {  	vm0 =	vlt.s32 v16, v17;
	v1 =	vperm.xlane v0, v5  }
0x28b: {  	vm1 =	vlt.s32 v20, v22;
	v59 =	vsel vm0, v16, v17;
	vm0 =	vlt.s32 v18, v19  }
0x28c: {  	s3 =	sshll.u32 s3, $0x8;
	v61 =	vsel vm1, v20, v22;
	v60 =	vsel vm0, v18, v19;
	vm0 =	vlt.s32 v0, v1  }
0x28d: {  	s28 =	sor.u32 $0x200, s3;
	s29 =	sor.u32 $0x300, s3;
	vm1 =	vcmask $0x3F10;
	v0 =	vsel vm0, v0, v1;
	vm0 =	vcmask $0xB08  }
0x28e: {  	s30 =	sor.u32 $0x100, s3;
	v62 =	vadd.s32 s28, v61;
	v0 =	vadd.s32 s29, v0;
	vm1 =	vmor vm0, vm1  }
0x28f: {  	v3 =	vadd.s32 s30, v60;
	v0 =	vsel vm1, v62, v0;
	vm1 =	vcmask $0x3F08  }
0x290: {  	v63 =	vadd.s32 s3, v59;
	v0 =	vsel vm1, v0, v3;
	vm1 =	vmmov $0x1  }
0x291: {  	v0 =	vsel vm1, v63, v0  }
0x292: {  	s5 =	sadd.s32 s4, s5;
	s31 =	simm.s32 $0x6880;
	s3 =	simm.s32 $0x0;
	[tilespmem:$0x6880] =	vst v0  }
0x293: {  	[hbm4b:s5+s3] =	stream.linear.scatter [tilespmem:s31], [sflag:$0x4], $0x80, $0x38;
	[tilespmem:$0x7180] =	vst v63  }
0x294: {  	s5 =	simm.s32 $0x4  }
0x295: {  	_ =	swait.ge [sflag:s5], $0x80  }
0x296: {  	[sflag:s5] =	ssyncset.done $0x0  }
0x297: {  	[sflag:s5] =	ssyncadd.s32 $0xFFFFFF80  }
0x298: {  	p0 =	sne.s32 s2, $0x0;
	[bflag:$0x0] =	sbarrier.arrive $0xFFFF  }
0x299: {  	_ =	sfence.sel @p0 $0x180000  }
0x29a: {  	[bflag:$0x0] =	sbarrier.arrive @p0 $0xFFFF  }
0x29b: {  	_ =	strace @p0 $0x90000047  }
0x29c: {  	[bflag:$0x2] =	sbarrier.arrive @p0 $0xFFFF  }
0x29d: {  	_ =	shalt @p0  }
.LBB2_11:
0x29e: {  	v0 =	vimm.s32 $0x3210;
	v1 =	vimm.s32 $0x83828180;
	vm1 =	vcmask $0xF00  }
0x29f: {  	vm15 =	vcmask $0x1F10;
	vm2 =	vcmask $0x2724;
	v0 =	vunpack.c.l.s4.s8 v0  }
0x2a0: {  	vm3 =	vcmask $0x2B28;
	v60 =	vimm.s32 $0x383;
	vm14 =	vcmask $0x300  }
0x2a1: {  	vm4 =	vcmask $0x2F2C;
	v1 =	vunpack.c.0.s8.s32 v1;
	v0 =	vunpack.c.0.s8.s32 v0  }
0x2a2: {  	vm12 =	vcmask $0x704;
	vm5 =	vcmask $0x3330;
	vm8 =	vcmask $0xF0C  }
0x2a3: {  	vm6 =	vcmask $0x3734;
	v1 =	vand.u32 $0xFF, v1;
	v0 =	vnsel vm1, $0x183, v0  }
0x2a4: {  	vm9 =	vcmask $0x1310;
	v0 =	vsel vm15, v1, v0;
	v1 =	vsel vm14, $0x200, v60  }
0x2a5: {  	vm13 =	vcmask $0x1714;
	vm1 =	vcmask $0x2320;
	v1 =	vsel vm12, $0x201, v1  }
0x2a6: {  	vm10 =	vcmask $0x1B18;
	v0 =	vsel vm1, $0x100, v0;
	v1 =	vsel vm0, $0x202, v1  }
0x2a7: {  	v2 =	vimm.s32 $0x583;
	v0 =	vsel vm2, $0x101, v0;
	v1 =	vsel vm8, $0x203, v1  }
0x2a8: {  	vm11 =	vcmask $0x1F1C;
	v0 =	vsel vm3, $0x102, v0;
	v1 =	vsel vm9, $0x280, v1  }
0x2a9: {  	vm7 =	vcmask $0x3B38;
	v0 =	vsel vm4, $0x103, v0;
	v1 =	vsel vm13, $0x281, v1  }
0x2aa: {  	v2 =	vsel vm14, $0x400, v2;
	v0 =	vsel vm5, $0x180, v0;
	v1 =	vsel vm10, $0x282, v1  }
0x2ab: {  	v2 =	vsel vm12, $0x401, v2;
	v0 =	vsel vm6, $0x181, v0;
	v1 =	vsel vm11, $0x283, v1  }
0x2ac: {  	s2 =	simm.s32 $0x6900;
	v2 =	vsel vm0, $0x402, v2;
	v0 =	vsel vm7, $0x182, v0;
	v1 =	vsel vm1, $0x300, v1  }
0x2ad: {  	[tilespmem:s2], [sflag:$0x4] =	stream.linear.gather [hbm4b:s4+s3], $0x800, $0x38;
	v2 =	vsel vm8, $0x403, v2;
	v1 =	vsel vm2, $0x301, v1;
	[tilespmem:$0x7180] =	vst v63  }
0x2ae: {  	_ =	swait.ge [sflag:s5], $0x800;
	v2 =	vsel vm9, $0x480, v2;
	v1 =	vsel vm3, $0x302, v1  }
0x2af: {  	v3 =	vimm.s32 $0x783;
	[sflag:s5] =	ssyncset.done $0x0;
	v2 =	vsel vm13, $0x481, v2;
	v1 =	vsel vm4, $0x303, v1  }
0x2b0: {  	v3 =	vsel vm14, $0x600, v3;
	[sflag:s5] =	ssyncadd.s32 $0xFFFFF800;
	v2 =	vsel vm10, $0x482, v2;
	v1 =	vsel vm5, $0x380, v1  }
0x2b1: {  	v3 =	vsel vm12, $0x601, v3;
	v2 =	vsel vm11, $0x483, v2;
	v0 =	vld.idx.msk [tilespmem:v0+s2+$0x0], $0xffff;
	v1 =	vsel vm6, $0x381, v1  }
0x2b2: {  	v3 =	vsel vm0, $0x602, v3;
	v2 =	vsel vm1, $0x500, v2;
	v1 =	vsel vm7, $0x382, v1  }
0x2b3: {  	v3 =	vsel vm8, $0x603, v3;
	v2 =	vsel vm2, $0x501, v2  }
0x2b4: {  	v3 =	vsel vm9, $0x680, v3;
	v2 =	vsel vm3, $0x502, v2  }
0x2b5: {  	v3 =	vsel vm13, $0x681, v3;
	v2 =	vsel vm4, $0x503, v2  }
0x2b6: {  	v62 =	vsel vm10, $0x682, v3;
	v61 =	vsel vm5, $0x580, v2;
	[tilespmem:$0x7100] =	vst v0  }
0x2b7: {  	v2 =	vsel vm11, $0x683, v62;
	v0 =	vsel vm6, $0x581, v61;
	v1 =	vld.idx.msk [tilespmem:v1+s2+$0x0], $0xffff  }
0x2b8: {  	v2 =	vsel vm1, $0x700, v2;
	v0 =	vsel vm7, $0x582, v0  }
0x2b9: {  	v2 =	vsel vm2, $0x701, v2  }
0x2ba: {  	v2 =	vsel vm3, $0x702, v2  }
0x2bb: {  	v2 =	vsel vm4, $0x703, v2  }
0x2bc: {  	v63 =	vsel vm5, $0x780, v2;
	[tilespmem:$0x7110] =	vst v1  }
0x2bd: {  	v1 =	vsel vm6, $0x781, v63;
	v0 =	vld.idx.msk [tilespmem:v0+s2+$0x0], $0xffff  }
0x2be: {  	v1 =	vsel vm7, $0x782, v1;
	_ =	sdelay $0x3  }
0x2bf: {  	[tilespmem:$0x7120] =	vst v0  }
0x2c0: {  	v0 =	vld.idx.msk [tilespmem:v1+s2+$0x0], $0xffff;
	_ =	sdelay $0x4  }
0x2c1: {  	s31 =	simm.s32 $0x7100;
	[tilespmem:$0x7130] =	vst v0  }
0x2c2: {  	[hbm4b:s1+s3] =	stream.linear.scatter [tilespmem:s31], [sflag:$0x4], $0x38, $0x38;
	[tilespmem:$0x7180] =	vst v63  }
0x2c3: {  	_ =	swait.ge [sflag:s5], $0x38  }
0x2c4: {  	[sflag:s5] =	ssyncset.done $0x0  }
0x2c5: {  	[sflag:s5] =	ssyncadd.s32 $0xFFFFFFC8  }
0x2c6: {  	_ =	sfence.sel $0x180000  }
0x2c7: {  	[bflag:$0x0] =	sbarrier.arrive $0xFFFF  }
0x2c8: {  	_ =	strace $0x90000047  }
0x2c9: {  	s0 =	sadd.s32 $0x100000, s0;
	[bflag:$0x2] =	sbarrier.arrive $0xFFFF  }
0x2ca: {  	[sflag:s0] =	ssyncadd.tile.s32 $0x1;
	_ =	shalt  }
.Lfunc_end2:
_tile_overlayer_lowered:
.L_overlay_start_2:
0x2cb: {  	(tag) =	ssettag $0x2  }
0x2cc: {  	s0 =	rddreg [dreg:$0x0];
	s2 =	stileid.u32  }
0x2cd: {  	s1 =	rddreg [dreg:$0x1];
	p0 =	sne.s32 s2, $0x0  }
0x2ce: {  	s3 =	rddreg [dreg:$0x2];
	[bflag:$0x3] =	sbarrier.arrive $0xFFFF;
	s2 =	simm.s32 @!p0 $0x1C04  }
0x2cf: {  	[timem:s3], [sflag:s2] =	dma.local @!p0 [hbm:s0], s1  }
0x2d0: {  	s0 =	simm.s32 @!p0 $0x4  }
0x2d1: {  	_ =	swait.ge @!p0 [sflag:s0], s1  }
0x2d2: {  	s1 =	ssub.s32 @!p0 $0x0, s1;
	[sflag:s0] =	ssyncset.done @!p0 $0x0  }
0x2d3: {  	[sflag:s0] =	ssyncadd.s32 @!p0 s1  }
0x2d4: {  	[bflag:$0x3] =	sbarrier.arrive $0xFFFF  }
0x2d5: {  	_ =	shalt  }

</sc_bundles>
